<compile_context>
chip_gen: v7x
topology: tpu7x:2x2x1
jax: 0.10.2.dev20260603
libtpu: 0.0.44.dev20260713+nightly
codegen_flags: <defaults>
</compile_context>

<pallas_src>
import functools

import jax
import jax.numpy as jnp
from jax import lax
from jax.experimental import pallas as pl
from jax.experimental.pallas import tpu as pltpu
from jax.experimental.pallas import tpu_sc as plsc

_N = 10000
_NP = 10112
_E = 320000
_D = 128
_K = 100
_NC, _NS = 2, 16
_NW = _NC * _NS
_CH = 100
_SECS = (32, 32, 36)
_RPT = _NP // _NS
_NB = 3
_ZR = 96


@functools.partial(
    pl.kernel,
    mesh=plsc.VectorSubcoreMesh(core_axis_name="c", subcore_axis_name="s"),
    out_type=jax.ShapeDtypeStruct((_NC, _NP, _D), jnp.float32),
    scratch_types=[
        pltpu.VMEM((max(_SECS), _K), jnp.int32),
        pltpu.VMEM((max(_SECS), _K), jnp.int32),
        pltpu.VMEM((_NB, _K, _D), jnp.float32),
        pltpu.VMEM_SHARED((_NP, _D), jnp.float32),
        pltpu.SemaphoreType.DMA,
    ],
)
def _sc_segment_sum(idx_hbm, table_hbm, out_hbm,
                    sidx, didx, rows, acc, gsem):
    c = lax.axis_index("c")
    s = lax.axis_index("s")
    wid = s * _NC + c

    zbuf = rows.at[0]
    zeros16 = jnp.zeros((16,), jnp.float32)

    def zrow(r, carry):
        for v in range(_D // 16):
            zbuf[r, pl.ds(v * 16, 16)] = zeros16
        return carry

    lax.fori_loop(0, _K, zrow, 0)
    base = s * _RPT
    for k in range(_RPT // _ZR):
        pltpu.sync_copy(zbuf.at[pl.ds(0, _ZR)],
                        acc.at[pl.ds(base + k * _ZR, _ZR)])
    _tail = _RPT - (_RPT // _ZR) * _ZR
    pltpu.sync_copy(zbuf.at[pl.ds(0, _tail)],
                    acc.at[pl.ds(base + (_RPT // _ZR) * _ZR, _tail)])
    plsc.subcore_barrier()

    def step(j, b, length):
        pltpu.make_async_copy(table_hbm.at[sidx.at[j]], rows.at[b], gsem).wait()

        @pl.when(j + _NB - 1 < length)
        def _():
            pltpu.async_copy(table_hbm.at[sidx.at[j + _NB - 1]],
                             rows.at[(j + _NB - 1) % _NB], gsem)

        pltpu.sync_copy(rows.at[b], acc.at[didx.at[j]], add=True)

    off = 0
    for length in _SECS:
        pltpu.sync_copy(idx_hbm.at[0, wid, pl.ds(off, length)],
                        sidx.at[pl.ds(0, length)])
        pltpu.sync_copy(idx_hbm.at[1, wid, pl.ds(off, length)],
                        didx.at[pl.ds(0, length)])
        pltpu.async_copy(table_hbm.at[sidx.at[0]], rows.at[0], gsem)
        pltpu.async_copy(table_hbm.at[sidx.at[1]], rows.at[1], gsem)

        def outer(i, carry, length=length):
            for r in range(_NB):
                step(_NB * i + r, r, length)
            return carry

        lax.fori_loop(0, length // _NB, outer, 0)
        for r in range(length % _NB):
            j = (length // _NB) * _NB + r
            step(j, j % _NB, length)
        off += length

    plsc.subcore_barrier()
    pltpu.sync_copy(acc.at[pl.ds(s * _RPT, _RPT)],
                    out_hbm.at[c, pl.ds(s * _RPT, _RPT)])


def _combine_body(p_ref, o_ref):
    o_ref[...] = p_ref[0] + p_ref[1]


_ROWS_PER_BLK = 1000


def _combine(partials):
    return pl.pallas_call(
        _combine_body,
        out_shape=jax.ShapeDtypeStruct((_N, _D), jnp.float32),
        grid=(_N // _ROWS_PER_BLK,),
        in_specs=[pl.BlockSpec((_NC, _ROWS_PER_BLK, _D), lambda i: (0, i, 0))],
        out_specs=pl.BlockSpec((_ROWS_PER_BLK, _D), lambda i: (i, 0)),
    )(partials)


def kernel(source, target, edge_index, W_emb, b_emb, W_loc, b_loc, W_nb, b_nb):
    idx4d = edge_index.reshape(2, _NW, _CH, _K)
    partials = _sc_segment_sum(idx4d, source)
    return _combine(partials)

# --- scband reference (transcript-rebuilt; emitter-appended) ---
"""Pipeline reference for scband-neighbour-dot-attention-79680233275439 (READ-ONLY COPY).

The authoritative reference and input builder live on the scoring server;
editing this copy changes nothing except your own understanding.
"""

import jax, jax.numpy as jnp
import numpy as np

N = 10000
E = 320000
D = 128

def setup_inputs(seed: int = 0) -> dict:
    key = jax.random.key(seed)
    ks = jax.random.split(key, 10)
    source = jax.random.normal(ks[0], (N, D), dtype=jnp.float32)
    target = jax.random.normal(ks[1], (N, D), dtype=jnp.float32)
    edge_index = jax.random.randint(ks[2], (2, E), 0, N, dtype=jnp.int32)
    s = 1.0 / np.sqrt(D)
    W_emb = jax.random.uniform(ks[3], (D, D), minval=-s, maxval=s, dtype=jnp.float32)
    b_emb = jax.random.uniform(ks[4], (D,), minval=-s, maxval=s, dtype=jnp.float32)
    W_loc = jax.random.uniform(ks[5], (1, D), minval=-s, maxval=s, dtype=jnp.float32)
    b_loc = jax.random.uniform(ks[6], (1,), minval=-s, maxval=s, dtype=jnp.float32)
    W_nb = jax.random.uniform(ks[7], (1, D), minval=-s, maxval=s, dtype=jnp.float32)
    b_nb = jax.random.uniform(ks[8], (1,), minval=-s, maxval=s, dtype=jnp.float32)
    return {"source": source, "target": target, "edge_index": edge_index,
            "W_emb": W_emb, "b_emb": b_emb, "W_loc": W_loc, "b_loc": b_loc,
            "W_nb": W_nb, "b_nb": b_nb}

def reference(source, target, edge_index, W_emb, b_emb, W_loc, b_loc, W_nb, b_nb):
    # Flat-edge equivalent of the per-node loop in ConnectedModule.forward.
    # For each edge (src -> dst): message = source[src]; own_data = target[dst].
    src = edge_index[0]
    dst = edge_index[1]
    msg = jnp.take(source, src, axis=0)                      # [E, D] gather
    # attention_local(embedding(own_data)) per node, gathered per edge
    emb_t = target @ W_emb.T + b_emb                         # [N, D]
    local = emb_t @ W_loc.T + b_loc                          # [N, 1]
    # attention_neighbour(embedding(source_message)) per edge
    emb_s = msg @ W_emb.T + b_emb                            # [E, D]
    nb = emb_s @ W_nb.T + b_nb                               # [E, 1]
    logits = jnp.take(local, dst, axis=0) + nb               # [E, 1]
    # Faithful to torch: softmax(dim=1) over the size-1 feature axis (yields ones)
    w = jax.nn.softmax(logits, axis=1)                       # [E, 1]
    weighted = w * msg                                       # [E, D]
    out = jax.ops.segment_sum(weighted, dst, num_segments=N) # [N, D] scatter-add
    return out

if __name__ == "__main__":
    import jax
    _d = setup_inputs()
    print(jax.jit(kernel)(*tuple(_d.values())))

</pallas_src>

<mosaic_0001>
#map = affine_map<(d0, d1) -> (0, 0, 0, 0)>
#map1 = affine_map<(d0, d1) -> (0, 0)>
#map2 = affine_map<(d0, d1) -> (0, 0, 0)>
module attributes {stable_mosaic.version = 14 : i64} {
  func.func @_sc_segment_sum(%arg0: i32, %arg1: i32, %arg2: memref<2x32x100x100xi32, #tpu.memory_space<hbm>>, %arg3: memref<10000x128xf32, #tpu.memory_space<hbm>>, %arg4: memref<2x10112x128xf32, #tpu.memory_space<hbm>>, %arg5: memref<36x100xi32, #tpu.memory_space<vmem>>, %arg6: memref<36x100xi32, #tpu.memory_space<vmem>>, %arg7: memref<3x100x128xf32, #tpu.memory_space<vmem>>, %arg8: memref<10112x128xf32, #tpu.memory_space<vmem_shared>>, %arg9: memref<!tpu.dma_semaphore, #tpu.memory_space<semaphore_mem>>) attributes {dimension_semantics = [#tpu.dimension_semantics<core_parallel>, #tpu.dimension_semantics<subcore_parallel>], iteration_bounds = array<i64: 2, 16>, scalar_prefetch = 0 : i64, scratch_operands = 5 : i64, tpu.core_type = #tpu.core_type<sc_vector_subcore>, window_params = [{transform_indices = #map}, {transform_indices = #map1}, {transform_indices = #map2}]} {
    %mul3A = arith.constant 2 : i32
    %mul3A_0 = arith.muli %arg1, %mul3A : i32
    %add3A = arith.addi %mul3A_0, %arg0 : i32
    %broadcast_in_dim3A = arith.constant 0.000000e+00 : f32
    %broadcast_in_dim3A_1 = vector.broadcast %broadcast_in_dim3A : f32 to vector<16xf32>
    %scan3A = arith.constant 0 : i32
    %scan3A_2 = arith.constant 0 : i32
    %scan3A_3 = arith.constant 0 : i32
    %scan3A_4 = arith.constant 100 : i32
    %scan3A_5 = arith.addi %scan3A_3, %scan3A_4 : i32
    %scan3A_6 = arith.constant 1 : i32
    scf.for %scan3A_185 = %scan3A_3 to %scan3A_5 step %scan3A_6  : i32 {
      %swap3A = arith.constant 0 : i32
      %swap3A_186 = arith.constant 0 : i32
      %swap3A_187 = tpu.memref_slice %arg7[%scan3A_2, %swap3A, %swap3A_186] : memref<3x100x128xf32, #tpu.memory_space<vmem>> -> memref<1x100x128xf32, #tpu.memory_space<vmem>>
      %swap3A_188 = tpu.memref_squeeze %swap3A_187 : memref<1x100x128xf32, #tpu.memory_space<vmem>> -> memref<100x128xf32, #tpu.memory_space<vmem>>
      %swap3A_189 = arith.index_cast %scan3A_185 : i32 to index
      %swap3A_190 = arith.constant 0 : index
      %swap3A_191 = tpu.vector_load %swap3A_188[%swap3A_189, %swap3A_190] {strides = array<i32>} : memref<100x128xf32, #tpu.memory_space<vmem>>, vector<1x16xf32>,
      %swap3A_192 = vector.shape_cast %swap3A_191 : vector<1x16xf32> to vector<16xf32>
      %swap3A_193 = vector.shape_cast %broadcast_in_dim3A_1 : vector<16xf32> to vector<1x16xf32>
      tpu.vector_store %swap3A_188[%swap3A_189, %swap3A_190], %swap3A_193 {strides = array<i32>} : memref<100x128xf32, #tpu.memory_space<vmem>>, vector<1x16xf32>,
      %swap3A_194 = arith.constant 0 : i32
      %swap3A_195 = arith.constant 0 : i32
      %swap3A_196 = tpu.memref_slice %arg7[%scan3A_2, %swap3A_194, %swap3A_195] : memref<3x100x128xf32, #tpu.memory_space<vmem>> -> memref<1x100x128xf32, #tpu.memory_space<vmem>>
      %swap3A_197 = tpu.memref_squeeze %swap3A_196 : memref<1x100x128xf32, #tpu.memory_space<vmem>> -> memref<100x128xf32, #tpu.memory_space<vmem>>
      %swap3A_198 = arith.index_cast %scan3A_185 : i32 to index
      %swap3A_199 = arith.constant 16 : index
      %swap3A_200 = tpu.vector_load %swap3A_197[%swap3A_198, %swap3A_199] {strides = array<i32>} : memref<100x128xf32, #tpu.memory_space<vmem>>, vector<1x16xf32>,
      %swap3A_201 = vector.shape_cast %swap3A_200 : vector<1x16xf32> to vector<16xf32>
      %swap3A_202 = vector.shape_cast %broadcast_in_dim3A_1 : vector<16xf32> to vector<1x16xf32>
      tpu.vector_store %swap3A_197[%swap3A_198, %swap3A_199], %swap3A_202 {strides = array<i32>} : memref<100x128xf32, #tpu.memory_space<vmem>>, vector<1x16xf32>,
      %swap3A_203 = arith.constant 0 : i32
      %swap3A_204 = arith.constant 0 : i32
      %swap3A_205 = tpu.memref_slice %arg7[%scan3A_2, %swap3A_203, %swap3A_204] : memref<3x100x128xf32, #tpu.memory_space<vmem>> -> memref<1x100x128xf32, #tpu.memory_space<vmem>>
      %swap3A_206 = tpu.memref_squeeze %swap3A_205 : memref<1x100x128xf32, #tpu.memory_space<vmem>> -> memref<100x128xf32, #tpu.memory_space<vmem>>
      %swap3A_207 = arith.index_cast %scan3A_185 : i32 to index
      %swap3A_208 = arith.constant 32 : index
      %swap3A_209 = tpu.vector_load %swap3A_206[%swap3A_207, %swap3A_208] {strides = array<i32>} : memref<100x128xf32, #tpu.memory_space<vmem>>, vector<1x16xf32>,
      %swap3A_210 = vector.shape_cast %swap3A_209 : vector<1x16xf32> to vector<16xf32>
      %swap3A_211 = vector.shape_cast %broadcast_in_dim3A_1 : vector<16xf32> to vector<1x16xf32>
      tpu.vector_store %swap3A_206[%swap3A_207, %swap3A_208], %swap3A_211 {strides = array<i32>} : memref<100x128xf32, #tpu.memory_space<vmem>>, vector<1x16xf32>,
      %swap3A_212 = arith.constant 0 : i32
      %swap3A_213 = arith.constant 0 : i32
      %swap3A_214 = tpu.memref_slice %arg7[%scan3A_2, %swap3A_212, %swap3A_213] : memref<3x100x128xf32, #tpu.memory_space<vmem>> -> memref<1x100x128xf32, #tpu.memory_space<vmem>>
      %swap3A_215 = tpu.memref_squeeze %swap3A_214 : memref<1x100x128xf32, #tpu.memory_space<vmem>> -> memref<100x128xf32, #tpu.memory_space<vmem>>
      %swap3A_216 = arith.index_cast %scan3A_185 : i32 to index
      %swap3A_217 = arith.constant 48 : index
      %swap3A_218 = tpu.vector_load %swap3A_215[%swap3A_216, %swap3A_217] {strides = array<i32>} : memref<100x128xf32, #tpu.memory_space<vmem>>, vector<1x16xf32>,
      %swap3A_219 = vector.shape_cast %swap3A_218 : vector<1x16xf32> to vector<16xf32>
      %swap3A_220 = vector.shape_cast %broadcast_in_dim3A_1 : vector<16xf32> to vector<1x16xf32>
      tpu.vector_store %swap3A_215[%swap3A_216, %swap3A_217], %swap3A_220 {strides = array<i32>} : memref<100x128xf32, #tpu.memory_space<vmem>>, vector<1x16xf32>,
      %swap3A_221 = arith.constant 0 : i32
      %swap3A_222 = arith.constant 0 : i32
      %swap3A_223 = tpu.memref_slice %arg7[%scan3A_2, %swap3A_221, %swap3A_222] : memref<3x100x128xf32, #tpu.memory_space<vmem>> -> memref<1x100x128xf32, #tpu.memory_space<vmem>>
      %swap3A_224 = tpu.memref_squeeze %swap3A_223 : memref<1x100x128xf32, #tpu.memory_space<vmem>> -> memref<100x128xf32, #tpu.memory_space<vmem>>
      %swap3A_225 = arith.index_cast %scan3A_185 : i32 to index
      %swap3A_226 = arith.constant 64 : index
      %swap3A_227 = tpu.vector_load %swap3A_224[%swap3A_225, %swap3A_226] {strides = array<i32>} : memref<100x128xf32, #tpu.memory_space<vmem>>, vector<1x16xf32>,
      %swap3A_228 = vector.shape_cast %swap3A_227 : vector<1x16xf32> to vector<16xf32>
      %swap3A_229 = vector.shape_cast %broadcast_in_dim3A_1 : vector<16xf32> to vector<1x16xf32>
      tpu.vector_store %swap3A_224[%swap3A_225, %swap3A_226], %swap3A_229 {strides = array<i32>} : memref<100x128xf32, #tpu.memory_space<vmem>>, vector<1x16xf32>,
      %swap3A_230 = arith.constant 0 : i32
      %swap3A_231 = arith.constant 0 : i32
      %swap3A_232 = tpu.memref_slice %arg7[%scan3A_2, %swap3A_230, %swap3A_231] : memref<3x100x128xf32, #tpu.memory_space<vmem>> -> memref<1x100x128xf32, #tpu.memory_space<vmem>>
      %swap3A_233 = tpu.memref_squeeze %swap3A_232 : memref<1x100x128xf32, #tpu.memory_space<vmem>> -> memref<100x128xf32, #tpu.memory_space<vmem>>
      %swap3A_234 = arith.index_cast %scan3A_185 : i32 to index
      %swap3A_235 = arith.constant 80 : index
      %swap3A_236 = tpu.vector_load %swap3A_233[%swap3A_234, %swap3A_235] {strides = array<i32>} : memref<100x128xf32, #tpu.memory_space<vmem>>, vector<1x16xf32>,
      %swap3A_237 = vector.shape_cast %swap3A_236 : vector<1x16xf32> to vector<16xf32>
      %swap3A_238 = vector.shape_cast %broadcast_in_dim3A_1 : vector<16xf32> to vector<1x16xf32>
      tpu.vector_store %swap3A_233[%swap3A_234, %swap3A_235], %swap3A_238 {strides = array<i32>} : memref<100x128xf32, #tpu.memory_space<vmem>>, vector<1x16xf32>,
      %swap3A_239 = arith.constant 0 : i32
      %swap3A_240 = arith.constant 0 : i32
      %swap3A_241 = tpu.memref_slice %arg7[%scan3A_2, %swap3A_239, %swap3A_240] : memref<3x100x128xf32, #tpu.memory_space<vmem>> -> memref<1x100x128xf32, #tpu.memory_space<vmem>>
      %swap3A_242 = tpu.memref_squeeze %swap3A_241 : memref<1x100x128xf32, #tpu.memory_space<vmem>> -> memref<100x128xf32, #tpu.memory_space<vmem>>
      %swap3A_243 = arith.index_cast %scan3A_185 : i32 to index
      %swap3A_244 = arith.constant 96 : index
      %swap3A_245 = tpu.vector_load %swap3A_242[%swap3A_243, %swap3A_244] {strides = array<i32>} : memref<100x128xf32, #tpu.memory_space<vmem>>, vector<1x16xf32>,
      %swap3A_246 = vector.shape_cast %swap3A_245 : vector<1x16xf32> to vector<16xf32>
      %swap3A_247 = vector.shape_cast %broadcast_in_dim3A_1 : vector<16xf32> to vector<1x16xf32>
      tpu.vector_store %swap3A_242[%swap3A_243, %swap3A_244], %swap3A_247 {strides = array<i32>} : memref<100x128xf32, #tpu.memory_space<vmem>>, vector<1x16xf32>,
      %swap3A_248 = arith.constant 0 : i32
      %swap3A_249 = arith.constant 0 : i32
      %swap3A_250 = tpu.memref_slice %arg7[%scan3A_2, %swap3A_248, %swap3A_249] : memref<3x100x128xf32, #tpu.memory_space<vmem>> -> memref<1x100x128xf32, #tpu.memory_space<vmem>>
      %swap3A_251 = tpu.memref_squeeze %swap3A_250 : memref<1x100x128xf32, #tpu.memory_space<vmem>> -> memref<100x128xf32, #tpu.memory_space<vmem>>
      %swap3A_252 = arith.index_cast %scan3A_185 : i32 to index
      %swap3A_253 = arith.constant 112 : index
      %swap3A_254 = tpu.vector_load %swap3A_251[%swap3A_252, %swap3A_253] {strides = array<i32>} : memref<100x128xf32, #tpu.memory_space<vmem>>, vector<1x16xf32>,
      %swap3A_255 = vector.shape_cast %swap3A_254 : vector<1x16xf32> to vector<16xf32>
      %swap3A_256 = vector.shape_cast %broadcast_in_dim3A_1 : vector<16xf32> to vector<1x16xf32>
      tpu.vector_store %swap3A_251[%swap3A_252, %swap3A_253], %swap3A_256 {strides = array<i32>} : memref<100x128xf32, #tpu.memory_space<vmem>>, vector<1x16xf32>,
    }
    %scan3A_7 = arith.constant 100 : i32
    %mul3A_8 = arith.constant 632 : i32
    %mul3A_9 = arith.muli %arg1, %mul3A_8 : i32
    %add3A_10 = arith.constant 0 : i32
    %add3A_11 = arith.addi %mul3A_9, %add3A_10 : i32
    %run_scoped3A = arith.constant 0 : i32
    "tpu.region"() ({
      %run_scoped3A_185 = tpu.sem_alloc : memref<!tpu.dma_semaphore, #tpu.memory_space<semaphore_mem>>
      %dma_start3A_186 = arith.constant 0 : i32
      %dma_start3A_187 = arith.constant 0 : i32
      %dma_start3A_188 = tpu.memref_slice %arg7[%run_scoped3A, %dma_start3A_186, %dma_start3A_187] : memref<3x100x128xf32, #tpu.memory_space<vmem>> -> memref<1x100x128xf32, #tpu.memory_space<vmem>>
      %dma_start3A_189 = tpu.memref_squeeze %dma_start3A_188 : memref<1x100x128xf32, #tpu.memory_space<vmem>> -> memref<100x128xf32, #tpu.memory_space<vmem>>
      %dma_start3A_190 = arith.constant 0 : i32
      %dma_start3A_191 = arith.constant 0 : i32
      %dma_start3A_192 = tpu.memref_slice %dma_start3A_189[%dma_start3A_190, %dma_start3A_191] : memref<100x128xf32, #tpu.memory_space<vmem>> -> memref<96x128xf32, #tpu.memory_space<vmem>>
      %dma_start3A_193 = arith.constant 0 : i32
      %dma_start3A_194 = tpu.memref_slice %arg8[%add3A_11, %dma_start3A_193] : memref<10112x128xf32, #tpu.memory_space<vmem_shared>> -> memref<96x128xf32, #tpu.memory_space<vmem_shared>>
      %dma_start3A_195 = arith.constant 0 : i32
      %dma_start3A_196 = tpu.memref_slice %arg8[%add3A_11, %dma_start3A_195] : memref<10112x128xf32, #tpu.memory_space<vmem_shared>> -> memref<96x128xf32, #tpu.memory_space<vmem_shared>>
      %dma_start3A_197 = arith.constant 0 : i32
      %dma_start3A_198 = arith.constant 0 : i32
      %dma_start3A_199 = tpu.memref_slice %arg7[%run_scoped3A, %dma_start3A_197, %dma_start3A_198] : memref<3x100x128xf32, #tpu.memory_space<vmem>> -> memref<1x100x128xf32, #tpu.memory_space<vmem>>
      %dma_start3A_200 = tpu.memref_squeeze %dma_start3A_199 : memref<1x100x128xf32, #tpu.memory_space<vmem>> -> memref<100x128xf32, #tpu.memory_space<vmem>>
      %dma_start3A_201 = arith.constant 0 : i32
      %dma_start3A_202 = arith.constant 0 : i32
      %dma_start3A_203 = tpu.memref_slice %dma_start3A_200[%dma_start3A_201, %dma_start3A_202] : memref<100x128xf32, #tpu.memory_space<vmem>> -> memref<96x128xf32, #tpu.memory_space<vmem>>
      tpu.enqueue_dma source(%dma_start3A_203 : memref<96x128xf32, #tpu.memory_space<vmem>>) target(%dma_start3A_196 : memref<96x128xf32, #tpu.memory_space<vmem_shared>>) target_semaphore(%run_scoped3A_185 : memref<!tpu.dma_semaphore, #tpu.memory_space<semaphore_mem>>)
      %dma_wait3A_204 = arith.constant 0 : i32
      %dma_wait3A_205 = arith.constant 0 : i32
      %dma_wait3A_206 = tpu.memref_slice %arg7[%run_scoped3A, %dma_wait3A_204, %dma_wait3A_205] : memref<3x100x128xf32, #tpu.memory_space<vmem>> -> memref<1x100x128xf32, #tpu.memory_space<vmem>>
      %dma_wait3A_207 = tpu.memref_squeeze %dma_wait3A_206 : memref<1x100x128xf32, #tpu.memory_space<vmem>> -> memref<100x128xf32, #tpu.memory_space<vmem>>
      %dma_wait3A_208 = arith.constant 0 : i32
      %dma_wait3A_209 = arith.constant 0 : i32
      %dma_wait3A_210 = tpu.memref_slice %dma_wait3A_207[%dma_wait3A_208, %dma_wait3A_209] : memref<100x128xf32, #tpu.memory_space<vmem>> -> memref<96x128xf32, #tpu.memory_space<vmem>>
      %dma_wait3A_211 = arith.constant 0 : i32
      %dma_wait3A_212 = tpu.memref_slice %arg8[%add3A_11, %dma_wait3A_211] : memref<10112x128xf32, #tpu.memory_space<vmem_shared>> -> memref<96x128xf32, #tpu.memory_space<vmem_shared>>
      %dma_wait3A_213 = arith.constant 0 : i32
      %dma_wait3A_214 = tpu.memref_slice %arg8[%add3A_11, %dma_wait3A_213] : memref<10112x128xf32, #tpu.memory_space<vmem_shared>> -> memref<96x128xf32, #tpu.memory_space<vmem_shared>>
      %dma_wait3A_215 = arith.constant 0 : i32
      %dma_wait3A_216 = arith.constant 0 : i32
      %dma_wait3A_217 = tpu.memref_slice %arg7[%run_scoped3A, %dma_wait3A_215, %dma_wait3A_216] : memref<3x100x128xf32, #tpu.memory_space<vmem>> -> memref<1x100x128xf32, #tpu.memory_space<vmem>>
      %dma_wait3A_218 = tpu.memref_squeeze %dma_wait3A_217 : memref<1x100x128xf32, #tpu.memory_space<vmem>> -> memref<100x128xf32, #tpu.memory_space<vmem>>
      %dma_wait3A_219 = arith.constant 0 : i32
      %dma_wait3A_220 = arith.constant 0 : i32
      %dma_wait3A_221 = tpu.memref_slice %dma_wait3A_218[%dma_wait3A_219, %dma_wait3A_220] : memref<100x128xf32, #tpu.memory_space<vmem>> -> memref<96x128xf32, #tpu.memory_space<vmem>>
      tpu.wait_dma2 semaphore(%run_scoped3A_185 : memref<!tpu.dma_semaphore, #tpu.memory_space<semaphore_mem>>) src(%dma_wait3A_221 : memref<96x128xf32, #tpu.memory_space<vmem>>) dst(%dma_wait3A_214 : memref<96x128xf32, #tpu.memory_space<vmem_shared>>)
      tpu.yield
    }) : () -> ()
    %add3A_12 = arith.constant 96 : i32
    %add3A_13 = arith.addi %mul3A_9, %add3A_12 : i32
    %run_scoped3A_14 = arith.constant 0 : i32
    "tpu.region"() ({
      %run_scoped3A_185 = tpu.sem_alloc : memref<!tpu.dma_semaphore, #tpu.memory_space<semaphore_mem>>
      %dma_start3A_186 = arith.constant 0 : i32
      %dma_start3A_187 = arith.constant 0 : i32
      %dma_start3A_188 = tpu.memref_slice %arg7[%run_scoped3A_14, %dma_start3A_186, %dma_start3A_187] : memref<3x100x128xf32, #tpu.memory_space<vmem>> -> memref<1x100x128xf32, #tpu.memory_space<vmem>>
      %dma_start3A_189 = tpu.memref_squeeze %dma_start3A_188 : memref<1x100x128xf32, #tpu.memory_space<vmem>> -> memref<100x128xf32, #tpu.memory_space<vmem>>
      %dma_start3A_190 = arith.constant 0 : i32
      %dma_start3A_191 = arith.constant 0 : i32
      %dma_start3A_192 = tpu.memref_slice %dma_start3A_189[%dma_start3A_190, %dma_start3A_191] : memref<100x128xf32, #tpu.memory_space<vmem>> -> memref<96x128xf32, #tpu.memory_space<vmem>>
      %dma_start3A_193 = arith.constant 0 : i32
      %dma_start3A_194 = tpu.memref_slice %arg8[%add3A_13, %dma_start3A_193] : memref<10112x128xf32, #tpu.memory_space<vmem_shared>> -> memref<96x128xf32, #tpu.memory_space<vmem_shared>>
      %dma_start3A_195 = arith.constant 0 : i32
      %dma_start3A_196 = tpu.memref_slice %arg8[%add3A_13, %dma_start3A_195] : memref<10112x128xf32, #tpu.memory_space<vmem_shared>> -> memref<96x128xf32, #tpu.memory_space<vmem_shared>>
      %dma_start3A_197 = arith.constant 0 : i32
      %dma_start3A_198 = arith.constant 0 : i32
      %dma_start3A_199 = tpu.memref_slice %arg7[%run_scoped3A_14, %dma_start3A_197, %dma_start3A_198] : memref<3x100x128xf32, #tpu.memory_space<vmem>> -> memref<1x100x128xf32, #tpu.memory_space<vmem>>
      %dma_start3A_200 = tpu.memref_squeeze %dma_start3A_199 : memref<1x100x128xf32, #tpu.memory_space<vmem>> -> memref<100x128xf32, #tpu.memory_space<vmem>>
      %dma_start3A_201 = arith.constant 0 : i32
      %dma_start3A_202 = arith.constant 0 : i32
      %dma_start3A_203 = tpu.memref_slice %dma_start3A_200[%dma_start3A_201, %dma_start3A_202] : memref<100x128xf32, #tpu.memory_space<vmem>> -> memref<96x128xf32, #tpu.memory_space<vmem>>
      tpu.enqueue_dma source(%dma_start3A_203 : memref<96x128xf32, #tpu.memory_space<vmem>>) target(%dma_start3A_196 : memref<96x128xf32, #tpu.memory_space<vmem_shared>>) target_semaphore(%run_scoped3A_185 : memref<!tpu.dma_semaphore, #tpu.memory_space<semaphore_mem>>)
      %dma_wait3A_204 = arith.constant 0 : i32
      %dma_wait3A_205 = arith.constant 0 : i32
      %dma_wait3A_206 = tpu.memref_slice %arg7[%run_scoped3A_14, %dma_wait3A_204, %dma_wait3A_205] : memref<3x100x128xf32, #tpu.memory_space<vmem>> -> memref<1x100x128xf32, #tpu.memory_space<vmem>>
      %dma_wait3A_207 = tpu.memref_squeeze %dma_wait3A_206 : memref<1x100x128xf32, #tpu.memory_space<vmem>> -> memref<100x128xf32, #tpu.memory_space<vmem>>
      %dma_wait3A_208 = arith.constant 0 : i32
      %dma_wait3A_209 = arith.constant 0 : i32
      %dma_wait3A_210 = tpu.memref_slice %dma_wait3A_207[%dma_wait3A_208, %dma_wait3A_209] : memref<100x128xf32, #tpu.memory_space<vmem>> -> memref<96x128xf32, #tpu.memory_space<vmem>>
      %dma_wait3A_211 = arith.constant 0 : i32
      %dma_wait3A_212 = tpu.memref_slice %arg8[%add3A_13, %dma_wait3A_211] : memref<10112x128xf32, #tpu.memory_space<vmem_shared>> -> memref<96x128xf32, #tpu.memory_space<vmem_shared>>
      %dma_wait3A_213 = arith.constant 0 : i32
      %dma_wait3A_214 = tpu.memref_slice %arg8[%add3A_13, %dma_wait3A_213] : memref<10112x128xf32, #tpu.memory_space<vmem_shared>> -> memref<96x128xf32, #tpu.memory_space<vmem_shared>>
      %dma_wait3A_215 = arith.constant 0 : i32
      %dma_wait3A_216 = arith.constant 0 : i32
      %dma_wait3A_217 = tpu.memref_slice %arg7[%run_scoped3A_14, %dma_wait3A_215, %dma_wait3A_216] : memref<3x100x128xf32, #tpu.memory_space<vmem>> -> memref<1x100x128xf32, #tpu.memory_space<vmem>>
      %dma_wait3A_218 = tpu.memref_squeeze %dma_wait3A_217 : memref<1x100x128xf32, #tpu.memory_space<vmem>> -> memref<100x128xf32, #tpu.memory_space<vmem>>
      %dma_wait3A_219 = arith.constant 0 : i32
      %dma_wait3A_220 = arith.constant 0 : i32
      %dma_wait3A_221 = tpu.memref_slice %dma_wait3A_218[%dma_wait3A_219, %dma_wait3A_220] : memref<100x128xf32, #tpu.memory_space<vmem>> -> memref<96x128xf32, #tpu.memory_space<vmem>>
      tpu.wait_dma2 semaphore(%run_scoped3A_185 : memref<!tpu.dma_semaphore, #tpu.memory_space<semaphore_mem>>) src(%dma_wait3A_221 : memref<96x128xf32, #tpu.memory_space<vmem>>) dst(%dma_wait3A_214 : memref<96x128xf32, #tpu.memory_space<vmem_shared>>)
      tpu.yield
    }) : () -> ()
    %add3A_15 = arith.constant 192 : i32
    %add3A_16 = arith.addi %mul3A_9, %add3A_15 : i32
    %run_scoped3A_17 = arith.constant 0 : i32
    "tpu.region"() ({
      %run_scoped3A_185 = tpu.sem_alloc : memref<!tpu.dma_semaphore, #tpu.memory_space<semaphore_mem>>
      %dma_start3A_186 = arith.constant 0 : i32
      %dma_start3A_187 = arith.constant 0 : i32
      %dma_start3A_188 = tpu.memref_slice %arg7[%run_scoped3A_17, %dma_start3A_186, %dma_start3A_187] : memref<3x100x128xf32, #tpu.memory_space<vmem>> -> memref<1x100x128xf32, #tpu.memory_space<vmem>>
      %dma_start3A_189 = tpu.memref_squeeze %dma_start3A_188 : memref<1x100x128xf32, #tpu.memory_space<vmem>> -> memref<100x128xf32, #tpu.memory_space<vmem>>
      %dma_start3A_190 = arith.constant 0 : i32
      %dma_start3A_191 = arith.constant 0 : i32
      %dma_start3A_192 = tpu.memref_slice %dma_start3A_189[%dma_start3A_190, %dma_start3A_191] : memref<100x128xf32, #tpu.memory_space<vmem>> -> memref<96x128xf32, #tpu.memory_space<vmem>>
      %dma_start3A_193 = arith.constant 0 : i32
      %dma_start3A_194 = tpu.memref_slice %arg8[%add3A_16, %dma_start3A_193] : memref<10112x128xf32, #tpu.memory_space<vmem_shared>> -> memref<96x128xf32, #tpu.memory_space<vmem_shared>>
      %dma_start3A_195 = arith.constant 0 : i32
      %dma_start3A_196 = tpu.memref_slice %arg8[%add3A_16, %dma_start3A_195] : memref<10112x128xf32, #tpu.memory_space<vmem_shared>> -> memref<96x128xf32, #tpu.memory_space<vmem_shared>>
      %dma_start3A_197 = arith.constant 0 : i32
      %dma_start3A_198 = arith.constant 0 : i32
      %dma_start3A_199 = tpu.memref_slice %arg7[%run_scoped3A_17, %dma_start3A_197, %dma_start3A_198] : memref<3x100x128xf32, #tpu.memory_space<vmem>> -> memref<1x100x128xf32, #tpu.memory_space<vmem>>
      %dma_start3A_200 = tpu.memref_squeeze %dma_start3A_199 : memref<1x100x128xf32, #tpu.memory_space<vmem>> -> memref<100x128xf32, #tpu.memory_space<vmem>>
      %dma_start3A_201 = arith.constant 0 : i32
      %dma_start3A_202 = arith.constant 0 : i32
      %dma_start3A_203 = tpu.memref_slice %dma_start3A_200[%dma_start3A_201, %dma_start3A_202] : memref<100x128xf32, #tpu.memory_space<vmem>> -> memref<96x128xf32, #tpu.memory_space<vmem>>
      tpu.enqueue_dma source(%dma_start3A_203 : memref<96x128xf32, #tpu.memory_space<vmem>>) target(%dma_start3A_196 : memref<96x128xf32, #tpu.memory_space<vmem_shared>>) target_semaphore(%run_scoped3A_185 : memref<!tpu.dma_semaphore, #tpu.memory_space<semaphore_mem>>)
      %dma_wait3A_204 = arith.constant 0 : i32
      %dma_wait3A_205 = arith.constant 0 : i32
      %dma_wait3A_206 = tpu.memref_slice %arg7[%run_scoped3A_17, %dma_wait3A_204, %dma_wait3A_205] : memref<3x100x128xf32, #tpu.memory_space<vmem>> -> memref<1x100x128xf32, #tpu.memory_space<vmem>>
      %dma_wait3A_207 = tpu.memref_squeeze %dma_wait3A_206 : memref<1x100x128xf32, #tpu.memory_space<vmem>> -> memref<100x128xf32, #tpu.memory_space<vmem>>
      %dma_wait3A_208 = arith.constant 0 : i32
      %dma_wait3A_209 = arith.constant 0 : i32
      %dma_wait3A_210 = tpu.memref_slice %dma_wait3A_207[%dma_wait3A_208, %dma_wait3A_209] : memref<100x128xf32, #tpu.memory_space<vmem>> -> memref<96x128xf32, #tpu.memory_space<vmem>>
      %dma_wait3A_211 = arith.constant 0 : i32
      %dma_wait3A_212 = tpu.memref_slice %arg8[%add3A_16, %dma_wait3A_211] : memref<10112x128xf32, #tpu.memory_space<vmem_shared>> -> memref<96x128xf32, #tpu.memory_space<vmem_shared>>
      %dma_wait3A_213 = arith.constant 0 : i32
      %dma_wait3A_214 = tpu.memref_slice %arg8[%add3A_16, %dma_wait3A_213] : memref<10112x128xf32, #tpu.memory_space<vmem_shared>> -> memref<96x128xf32, #tpu.memory_space<vmem_shared>>
      %dma_wait3A_215 = arith.constant 0 : i32
      %dma_wait3A_216 = arith.constant 0 : i32
      %dma_wait3A_217 = tpu.memref_slice %arg7[%run_scoped3A_17, %dma_wait3A_215, %dma_wait3A_216] : memref<3x100x128xf32, #tpu.memory_space<vmem>> -> memref<1x100x128xf32, #tpu.memory_space<vmem>>
      %dma_wait3A_218 = tpu.memref_squeeze %dma_wait3A_217 : memref<1x100x128xf32, #tpu.memory_space<vmem>> -> memref<100x128xf32, #tpu.memory_space<vmem>>
      %dma_wait3A_219 = arith.constant 0 : i32
      %dma_wait3A_220 = arith.constant 0 : i32
      %dma_wait3A_221 = tpu.memref_slice %dma_wait3A_218[%dma_wait3A_219, %dma_wait3A_220] : memref<100x128xf32, #tpu.memory_space<vmem>> -> memref<96x128xf32, #tpu.memory_space<vmem>>
      tpu.wait_dma2 semaphore(%run_scoped3A_185 : memref<!tpu.dma_semaphore, #tpu.memory_space<semaphore_mem>>) src(%dma_wait3A_221 : memref<96x128xf32, #tpu.memory_space<vmem>>) dst(%dma_wait3A_214 : memref<96x128xf32, #tpu.memory_space<vmem_shared>>)
      tpu.yield
    }) : () -> ()
    %add3A_18 = arith.constant 288 : i32
    %add3A_19 = arith.addi %mul3A_9, %add3A_18 : i32
    %run_scoped3A_20 = arith.constant 0 : i32
    "tpu.region"() ({
      %run_scoped3A_185 = tpu.sem_alloc : memref<!tpu.dma_semaphore, #tpu.memory_space<semaphore_mem>>
      %dma_start3A_186 = arith.constant 0 : i32
      %dma_start3A_187 = arith.constant 0 : i32
      %dma_start3A_188 = tpu.memref_slice %arg7[%run_scoped3A_20, %dma_start3A_186, %dma_start3A_187] : memref<3x100x128xf32, #tpu.memory_space<vmem>> -> memref<1x100x128xf32, #tpu.memory_space<vmem>>
      %dma_start3A_189 = tpu.memref_squeeze %dma_start3A_188 : memref<1x100x128xf32, #tpu.memory_space<vmem>> -> memref<100x128xf32, #tpu.memory_space<vmem>>
      %dma_start3A_190 = arith.constant 0 : i32
      %dma_start3A_191 = arith.constant 0 : i32
      %dma_start3A_192 = tpu.memref_slice %dma_start3A_189[%dma_start3A_190, %dma_start3A_191] : memref<100x128xf32, #tpu.memory_space<vmem>> -> memref<96x128xf32, #tpu.memory_space<vmem>>
      %dma_start3A_193 = arith.constant 0 : i32
      %dma_start3A_194 = tpu.memref_slice %arg8[%add3A_19, %dma_start3A_193] : memref<10112x128xf32, #tpu.memory_space<vmem_shared>> -> memref<96x128xf32, #tpu.memory_space<vmem_shared>>
      %dma_start3A_195 = arith.constant 0 : i32
      %dma_start3A_196 = tpu.memref_slice %arg8[%add3A_19, %dma_start3A_195] : memref<10112x128xf32, #tpu.memory_space<vmem_shared>> -> memref<96x128xf32, #tpu.memory_space<vmem_shared>>
      %dma_start3A_197 = arith.constant 0 : i32
      %dma_start3A_198 = arith.constant 0 : i32
      %dma_start3A_199 = tpu.memref_slice %arg7[%run_scoped3A_20, %dma_start3A_197, %dma_start3A_198] : memref<3x100x128xf32, #tpu.memory_space<vmem>> -> memref<1x100x128xf32, #tpu.memory_space<vmem>>
      %dma_start3A_200 = tpu.memref_squeeze %dma_start3A_199 : memref<1x100x128xf32, #tpu.memory_space<vmem>> -> memref<100x128xf32, #tpu.memory_space<vmem>>
      %dma_start3A_201 = arith.constant 0 : i32
      %dma_start3A_202 = arith.constant 0 : i32
      %dma_start3A_203 = tpu.memref_slice %dma_start3A_200[%dma_start3A_201, %dma_start3A_202] : memref<100x128xf32, #tpu.memory_space<vmem>> -> memref<96x128xf32, #tpu.memory_space<vmem>>
      tpu.enqueue_dma source(%dma_start3A_203 : memref<96x128xf32, #tpu.memory_space<vmem>>) target(%dma_start3A_196 : memref<96x128xf32, #tpu.memory_space<vmem_shared>>) target_semaphore(%run_scoped3A_185 : memref<!tpu.dma_semaphore, #tpu.memory_space<semaphore_mem>>)
      %dma_wait3A_204 = arith.constant 0 : i32
      %dma_wait3A_205 = arith.constant 0 : i32
      %dma_wait3A_206 = tpu.memref_slice %arg7[%run_scoped3A_20, %dma_wait3A_204, %dma_wait3A_205] : memref<3x100x128xf32, #tpu.memory_space<vmem>> -> memref<1x100x128xf32, #tpu.memory_space<vmem>>
      %dma_wait3A_207 = tpu.memref_squeeze %dma_wait3A_206 : memref<1x100x128xf32, #tpu.memory_space<vmem>> -> memref<100x128xf32, #tpu.memory_space<vmem>>
      %dma_wait3A_208 = arith.constant 0 : i32
      %dma_wait3A_209 = arith.constant 0 : i32
      %dma_wait3A_210 = tpu.memref_slice %dma_wait3A_207[%dma_wait3A_208, %dma_wait3A_209] : memref<100x128xf32, #tpu.memory_space<vmem>> -> memref<96x128xf32, #tpu.memory_space<vmem>>
      %dma_wait3A_211 = arith.constant 0 : i32
      %dma_wait3A_212 = tpu.memref_slice %arg8[%add3A_19, %dma_wait3A_211] : memref<10112x128xf32, #tpu.memory_space<vmem_shared>> -> memref<96x128xf32, #tpu.memory_space<vmem_shared>>
      %dma_wait3A_213 = arith.constant 0 : i32
      %dma_wait3A_214 = tpu.memref_slice %arg8[%add3A_19, %dma_wait3A_213] : memref<10112x128xf32, #tpu.memory_space<vmem_shared>> -> memref<96x128xf32, #tpu.memory_space<vmem_shared>>
      %dma_wait3A_215 = arith.constant 0 : i32
      %dma_wait3A_216 = arith.constant 0 : i32
      %dma_wait3A_217 = tpu.memref_slice %arg7[%run_scoped3A_20, %dma_wait3A_215, %dma_wait3A_216] : memref<3x100x128xf32, #tpu.memory_space<vmem>> -> memref<1x100x128xf32, #tpu.memory_space<vmem>>
      %dma_wait3A_218 = tpu.memref_squeeze %dma_wait3A_217 : memref<1x100x128xf32, #tpu.memory_space<vmem>> -> memref<100x128xf32, #tpu.memory_space<vmem>>
      %dma_wait3A_219 = arith.constant 0 : i32
      %dma_wait3A_220 = arith.constant 0 : i32
      %dma_wait3A_221 = tpu.memref_slice %dma_wait3A_218[%dma_wait3A_219, %dma_wait3A_220] : memref<100x128xf32, #tpu.memory_space<vmem>> -> memref<96x128xf32, #tpu.memory_space<vmem>>
      tpu.wait_dma2 semaphore(%run_scoped3A_185 : memref<!tpu.dma_semaphore, #tpu.memory_space<semaphore_mem>>) src(%dma_wait3A_221 : memref<96x128xf32, #tpu.memory_space<vmem>>) dst(%dma_wait3A_214 : memref<96x128xf32, #tpu.memory_space<vmem_shared>>)
      tpu.yield
    }) : () -> ()
    %add3A_21 = arith.constant 384 : i32
    %add3A_22 = arith.addi %mul3A_9, %add3A_21 : i32
    %run_scoped3A_23 = arith.constant 0 : i32
    "tpu.region"() ({
      %run_scoped3A_185 = tpu.sem_alloc : memref<!tpu.dma_semaphore, #tpu.memory_space<semaphore_mem>>
      %dma_start3A_186 = arith.constant 0 : i32
      %dma_start3A_187 = arith.constant 0 : i32
      %dma_start3A_188 = tpu.memref_slice %arg7[%run_scoped3A_23, %dma_start3A_186, %dma_start3A_187] : memref<3x100x128xf32, #tpu.memory_space<vmem>> -> memref<1x100x128xf32, #tpu.memory_space<vmem>>
      %dma_start3A_189 = tpu.memref_squeeze %dma_start3A_188 : memref<1x100x128xf32, #tpu.memory_space<vmem>> -> memref<100x128xf32, #tpu.memory_space<vmem>>
      %dma_start3A_190 = arith.constant 0 : i32
      %dma_start3A_191 = arith.constant 0 : i32
      %dma_start3A_192 = tpu.memref_slice %dma_start3A_189[%dma_start3A_190, %dma_start3A_191] : memref<100x128xf32, #tpu.memory_space<vmem>> -> memref<96x128xf32, #tpu.memory_space<vmem>>
      %dma_start3A_193 = arith.constant 0 : i32
      %dma_start3A_194 = tpu.memref_slice %arg8[%add3A_22, %dma_start3A_193] : memref<10112x128xf32, #tpu.memory_space<vmem_shared>> -> memref<96x128xf32, #tpu.memory_space<vmem_shared>>
      %dma_start3A_195 = arith.constant 0 : i32
      %dma_start3A_196 = tpu.memref_slice %arg8[%add3A_22, %dma_start3A_195] : memref<10112x128xf32, #tpu.memory_space<vmem_shared>> -> memref<96x128xf32, #tpu.memory_space<vmem_shared>>
      %dma_start3A_197 = arith.constant 0 : i32
      %dma_start3A_198 = arith.constant 0 : i32
      %dma_start3A_199 = tpu.memref_slice %arg7[%run_scoped3A_23, %dma_start3A_197, %dma_start3A_198] : memref<3x100x128xf32, #tpu.memory_space<vmem>> -> memref<1x100x128xf32, #tpu.memory_space<vmem>>
      %dma_start3A_200 = tpu.memref_squeeze %dma_start3A_199 : memref<1x100x128xf32, #tpu.memory_space<vmem>> -> memref<100x128xf32, #tpu.memory_space<vmem>>
      %dma_start3A_201 = arith.constant 0 : i32
      %dma_start3A_202 = arith.constant 0 : i32
      %dma_start3A_203 = tpu.memref_slice %dma_start3A_200[%dma_start3A_201, %dma_start3A_202] : memref<100x128xf32, #tpu.memory_space<vmem>> -> memref<96x128xf32, #tpu.memory_space<vmem>>
      tpu.enqueue_dma source(%dma_start3A_203 : memref<96x128xf32, #tpu.memory_space<vmem>>) target(%dma_start3A_196 : memref<96x128xf32, #tpu.memory_space<vmem_shared>>) target_semaphore(%run_scoped3A_185 : memref<!tpu.dma_semaphore, #tpu.memory_space<semaphore_mem>>)
      %dma_wait3A_204 = arith.constant 0 : i32
      %dma_wait3A_205 = arith.constant 0 : i32
      %dma_wait3A_206 = tpu.memref_slice %arg7[%run_scoped3A_23, %dma_wait3A_204, %dma_wait3A_205] : memref<3x100x128xf32, #tpu.memory_space<vmem>> -> memref<1x100x128xf32, #tpu.memory_space<vmem>>
      %dma_wait3A_207 = tpu.memref_squeeze %dma_wait3A_206 : memref<1x100x128xf32, #tpu.memory_space<vmem>> -> memref<100x128xf32, #tpu.memory_space<vmem>>
      %dma_wait3A_208 = arith.constant 0 : i32
      %dma_wait3A_209 = arith.constant 0 : i32
      %dma_wait3A_210 = tpu.memref_slice %dma_wait3A_207[%dma_wait3A_208, %dma_wait3A_209] : memref<100x128xf32, #tpu.memory_space<vmem>> -> memref<96x128xf32, #tpu.memory_space<vmem>>
      %dma_wait3A_211 = arith.constant 0 : i32
      %dma_wait3A_212 = tpu.memref_slice %arg8[%add3A_22, %dma_wait3A_211] : memref<10112x128xf32, #tpu.memory_space<vmem_shared>> -> memref<96x128xf32, #tpu.memory_space<vmem_shared>>
      %dma_wait3A_213 = arith.constant 0 : i32
      %dma_wait3A_214 = tpu.memref_slice %arg8[%add3A_22, %dma_wait3A_213] : memref<10112x128xf32, #tpu.memory_space<vmem_shared>> -> memref<96x128xf32, #tpu.memory_space<vmem_shared>>
      %dma_wait3A_215 = arith.constant 0 : i32
      %dma_wait3A_216 = arith.constant 0 : i32
      %dma_wait3A_217 = tpu.memref_slice %arg7[%run_scoped3A_23, %dma_wait3A_215, %dma_wait3A_216] : memref<3x100x128xf32, #tpu.memory_space<vmem>> -> memref<1x100x128xf32, #tpu.memory_space<vmem>>
      %dma_wait3A_218 = tpu.memref_squeeze %dma_wait3A_217 : memref<1x100x128xf32, #tpu.memory_space<vmem>> -> memref<100x128xf32, #tpu.memory_space<vmem>>
      %dma_wait3A_219 = arith.constant 0 : i32
      %dma_wait3A_220 = arith.constant 0 : i32
      %dma_wait3A_221 = tpu.memref_slice %dma_wait3A_218[%dma_wait3A_219, %dma_wait3A_220] : memref<100x128xf32, #tpu.memory_space<vmem>> -> memref<96x128xf32, #tpu.memory_space<vmem>>
      tpu.wait_dma2 semaphore(%run_scoped3A_185 : memref<!tpu.dma_semaphore, #tpu.memory_space<semaphore_mem>>) src(%dma_wait3A_221 : memref<96x128xf32, #tpu.memory_space<vmem>>) dst(%dma_wait3A_214 : memref<96x128xf32, #tpu.memory_space<vmem_shared>>)
      tpu.yield
    }) : () -> ()
    %add3A_24 = arith.constant 480 : i32
    %add3A_25 = arith.addi %mul3A_9, %add3A_24 : i32
    %run_scoped3A_26 = arith.constant 0 : i32
    "tpu.region"() ({
      %run_scoped3A_185 = tpu.sem_alloc : memref<!tpu.dma_semaphore, #tpu.memory_space<semaphore_mem>>
      %dma_start3A_186 = arith.constant 0 : i32
      %dma_start3A_187 = arith.constant 0 : i32
      %dma_start3A_188 = tpu.memref_slice %arg7[%run_scoped3A_26, %dma_start3A_186, %dma_start3A_187] : memref<3x100x128xf32, #tpu.memory_space<vmem>> -> memref<1x100x128xf32, #tpu.memory_space<vmem>>
      %dma_start3A_189 = tpu.memref_squeeze %dma_start3A_188 : memref<1x100x128xf32, #tpu.memory_space<vmem>> -> memref<100x128xf32, #tpu.memory_space<vmem>>
      %dma_start3A_190 = arith.constant 0 : i32
      %dma_start3A_191 = arith.constant 0 : i32
      %dma_start3A_192 = tpu.memref_slice %dma_start3A_189[%dma_start3A_190, %dma_start3A_191] : memref<100x128xf32, #tpu.memory_space<vmem>> -> memref<96x128xf32, #tpu.memory_space<vmem>>
      %dma_start3A_193 = arith.constant 0 : i32
      %dma_start3A_194 = tpu.memref_slice %arg8[%add3A_25, %dma_start3A_193] : memref<10112x128xf32, #tpu.memory_space<vmem_shared>> -> memref<96x128xf32, #tpu.memory_space<vmem_shared>>
      %dma_start3A_195 = arith.constant 0 : i32
      %dma_start3A_196 = tpu.memref_slice %arg8[%add3A_25, %dma_start3A_195] : memref<10112x128xf32, #tpu.memory_space<vmem_shared>> -> memref<96x128xf32, #tpu.memory_space<vmem_shared>>
      %dma_start3A_197 = arith.constant 0 : i32
      %dma_start3A_198 = arith.constant 0 : i32
      %dma_start3A_199 = tpu.memref_slice %arg7[%run_scoped3A_26, %dma_start3A_197, %dma_start3A_198] : memref<3x100x128xf32, #tpu.memory_space<vmem>> -> memref<1x100x128xf32, #tpu.memory_space<vmem>>
      %dma_start3A_200 = tpu.memref_squeeze %dma_start3A_199 : memref<1x100x128xf32, #tpu.memory_space<vmem>> -> memref<100x128xf32, #tpu.memory_space<vmem>>
      %dma_start3A_201 = arith.constant 0 : i32
      %dma_start3A_202 = arith.constant 0 : i32
      %dma_start3A_203 = tpu.memref_slice %dma_start3A_200[%dma_start3A_201, %dma_start3A_202] : memref<100x128xf32, #tpu.memory_space<vmem>> -> memref<96x128xf32, #tpu.memory_space<vmem>>
      tpu.enqueue_dma source(%dma_start3A_203 : memref<96x128xf32, #tpu.memory_space<vmem>>) target(%dma_start3A_196 : memref<96x128xf32, #tpu.memory_space<vmem_shared>>) target_semaphore(%run_scoped3A_185 : memref<!tpu.dma_semaphore, #tpu.memory_space<semaphore_mem>>)
      %dma_wait3A_204 = arith.constant 0 : i32
      %dma_wait3A_205 = arith.constant 0 : i32
      %dma_wait3A_206 = tpu.memref_slice %arg7[%run_scoped3A_26, %dma_wait3A_204, %dma_wait3A_205] : memref<3x100x128xf32, #tpu.memory_space<vmem>> -> memref<1x100x128xf32, #tpu.memory_space<vmem>>
      %dma_wait3A_207 = tpu.memref_squeeze %dma_wait3A_206 : memref<1x100x128xf32, #tpu.memory_space<vmem>> -> memref<100x128xf32, #tpu.memory_space<vmem>>
      %dma_wait3A_208 = arith.constant 0 : i32
      %dma_wait3A_209 = arith.constant 0 : i32
      %dma_wait3A_210 = tpu.memref_slice %dma_wait3A_207[%dma_wait3A_208, %dma_wait3A_209] : memref<100x128xf32, #tpu.memory_space<vmem>> -> memref<96x128xf32, #tpu.memory_space<vmem>>
      %dma_wait3A_211 = arith.constant 0 : i32
      %dma_wait3A_212 = tpu.memref_slice %arg8[%add3A_25, %dma_wait3A_211] : memref<10112x128xf32, #tpu.memory_space<vmem_shared>> -> memref<96x128xf32, #tpu.memory_space<vmem_shared>>
      %dma_wait3A_213 = arith.constant 0 : i32
      %dma_wait3A_214 = tpu.memref_slice %arg8[%add3A_25, %dma_wait3A_213] : memref<10112x128xf32, #tpu.memory_space<vmem_shared>> -> memref<96x128xf32, #tpu.memory_space<vmem_shared>>
      %dma_wait3A_215 = arith.constant 0 : i32
      %dma_wait3A_216 = arith.constant 0 : i32
      %dma_wait3A_217 = tpu.memref_slice %arg7[%run_scoped3A_26, %dma_wait3A_215, %dma_wait3A_216] : memref<3x100x128xf32, #tpu.memory_space<vmem>> -> memref<1x100x128xf32, #tpu.memory_space<vmem>>
      %dma_wait3A_218 = tpu.memref_squeeze %dma_wait3A_217 : memref<1x100x128xf32, #tpu.memory_space<vmem>> -> memref<100x128xf32, #tpu.memory_space<vmem>>
      %dma_wait3A_219 = arith.constant 0 : i32
      %dma_wait3A_220 = arith.constant 0 : i32
      %dma_wait3A_221 = tpu.memref_slice %dma_wait3A_218[%dma_wait3A_219, %dma_wait3A_220] : memref<100x128xf32, #tpu.memory_space<vmem>> -> memref<96x128xf32, #tpu.memory_space<vmem>>
      tpu.wait_dma2 semaphore(%run_scoped3A_185 : memref<!tpu.dma_semaphore, #tpu.memory_space<semaphore_mem>>) src(%dma_wait3A_221 : memref<96x128xf32, #tpu.memory_space<vmem>>) dst(%dma_wait3A_214 : memref<96x128xf32, #tpu.memory_space<vmem_shared>>)
      tpu.yield
    }) : () -> ()
    %add3A_27 = arith.constant 576 : i32
    %add3A_28 = arith.addi %mul3A_9, %add3A_27 : i32
    %run_scoped3A_29 = arith.constant 0 : i32
    "tpu.region"() ({
      %run_scoped3A_185 = tpu.sem_alloc : memref<!tpu.dma_semaphore, #tpu.memory_space<semaphore_mem>>
      %dma_start3A_186 = arith.constant 0 : i32
      %dma_start3A_187 = arith.constant 0 : i32
      %dma_start3A_188 = tpu.memref_slice %arg7[%run_scoped3A_29, %dma_start3A_186, %dma_start3A_187] : memref<3x100x128xf32, #tpu.memory_space<vmem>> -> memref<1x100x128xf32, #tpu.memory_space<vmem>>
      %dma_start3A_189 = tpu.memref_squeeze %dma_start3A_188 : memref<1x100x128xf32, #tpu.memory_space<vmem>> -> memref<100x128xf32, #tpu.memory_space<vmem>>
      %dma_start3A_190 = arith.constant 0 : i32
      %dma_start3A_191 = arith.constant 0 : i32
      %dma_start3A_192 = tpu.memref_slice %dma_start3A_189[%dma_start3A_190, %dma_start3A_191] : memref<100x128xf32, #tpu.memory_space<vmem>> -> memref<56x128xf32, #tpu.memory_space<vmem>>
      %dma_start3A_193 = arith.constant 0 : i32
      %dma_start3A_194 = tpu.memref_slice %arg8[%add3A_28, %dma_start3A_193] : memref<10112x128xf32, #tpu.memory_space<vmem_shared>> -> memref<56x128xf32, #tpu.memory_space<vmem_shared>>
      %dma_start3A_195 = arith.constant 0 : i32
      %dma_start3A_196 = tpu.memref_slice %arg8[%add3A_28, %dma_start3A_195] : memref<10112x128xf32, #tpu.memory_space<vmem_shared>> -> memref<56x128xf32, #tpu.memory_space<vmem_shared>>
      %dma_start3A_197 = arith.constant 0 : i32
      %dma_start3A_198 = arith.constant 0 : i32
      %dma_start3A_199 = tpu.memref_slice %arg7[%run_scoped3A_29, %dma_start3A_197, %dma_start3A_198] : memref<3x100x128xf32, #tpu.memory_space<vmem>> -> memref<1x100x128xf32, #tpu.memory_space<vmem>>
      %dma_start3A_200 = tpu.memref_squeeze %dma_start3A_199 : memref<1x100x128xf32, #tpu.memory_space<vmem>> -> memref<100x128xf32, #tpu.memory_space<vmem>>
      %dma_start3A_201 = arith.constant 0 : i32
      %dma_start3A_202 = arith.constant 0 : i32
      %dma_start3A_203 = tpu.memref_slice %dma_start3A_200[%dma_start3A_201, %dma_start3A_202] : memref<100x128xf32, #tpu.memory_space<vmem>> -> memref<56x128xf32, #tpu.memory_space<vmem>>
      tpu.enqueue_dma source(%dma_start3A_203 : memref<56x128xf32, #tpu.memory_space<vmem>>) target(%dma_start3A_196 : memref<56x128xf32, #tpu.memory_space<vmem_shared>>) target_semaphore(%run_scoped3A_185 : memref<!tpu.dma_semaphore, #tpu.memory_space<semaphore_mem>>)
      %dma_wait3A_204 = arith.constant 0 : i32
      %dma_wait3A_205 = arith.constant 0 : i32
      %dma_wait3A_206 = tpu.memref_slice %arg7[%run_scoped3A_29, %dma_wait3A_204, %dma_wait3A_205] : memref<3x100x128xf32, #tpu.memory_space<vmem>> -> memref<1x100x128xf32, #tpu.memory_space<vmem>>
      %dma_wait3A_207 = tpu.memref_squeeze %dma_wait3A_206 : memref<1x100x128xf32, #tpu.memory_space<vmem>> -> memref<100x128xf32, #tpu.memory_space<vmem>>
      %dma_wait3A_208 = arith.constant 0 : i32
      %dma_wait3A_209 = arith.constant 0 : i32
      %dma_wait3A_210 = tpu.memref_slice %dma_wait3A_207[%dma_wait3A_208, %dma_wait3A_209] : memref<100x128xf32, #tpu.memory_space<vmem>> -> memref<56x128xf32, #tpu.memory_space<vmem>>
      %dma_wait3A_211 = arith.constant 0 : i32
      %dma_wait3A_212 = tpu.memref_slice %arg8[%add3A_28, %dma_wait3A_211] : memref<10112x128xf32, #tpu.memory_space<vmem_shared>> -> memref<56x128xf32, #tpu.memory_space<vmem_shared>>
      %dma_wait3A_213 = arith.constant 0 : i32
      %dma_wait3A_214 = tpu.memref_slice %arg8[%add3A_28, %dma_wait3A_213] : memref<10112x128xf32, #tpu.memory_space<vmem_shared>> -> memref<56x128xf32, #tpu.memory_space<vmem_shared>>
      %dma_wait3A_215 = arith.constant 0 : i32
      %dma_wait3A_216 = arith.constant 0 : i32
      %dma_wait3A_217 = tpu.memref_slice %arg7[%run_scoped3A_29, %dma_wait3A_215, %dma_wait3A_216] : memref<3x100x128xf32, #tpu.memory_space<vmem>> -> memref<1x100x128xf32, #tpu.memory_space<vmem>>
      %dma_wait3A_218 = tpu.memref_squeeze %dma_wait3A_217 : memref<1x100x128xf32, #tpu.memory_space<vmem>> -> memref<100x128xf32, #tpu.memory_space<vmem>>
      %dma_wait3A_219 = arith.constant 0 : i32
      %dma_wait3A_220 = arith.constant 0 : i32
      %dma_wait3A_221 = tpu.memref_slice %dma_wait3A_218[%dma_wait3A_219, %dma_wait3A_220] : memref<100x128xf32, #tpu.memory_space<vmem>> -> memref<56x128xf32, #tpu.memory_space<vmem>>
      tpu.wait_dma2 semaphore(%run_scoped3A_185 : memref<!tpu.dma_semaphore, #tpu.memory_space<semaphore_mem>>) src(%dma_wait3A_221 : memref<56x128xf32, #tpu.memory_space<vmem>>) dst(%dma_wait3A_214 : memref<56x128xf32, #tpu.memory_space<vmem_shared>>)
      tpu.yield
    }) : () -> ()
    %barrier3A = arith.constant 0 : index
    tpu.barrier barrier_id(%barrier3A)
    %run_scoped3A_30 = arith.constant 0 : i32
    "tpu.region"() ({
      %run_scoped3A_185 = tpu.sem_alloc : memref<!tpu.dma_semaphore, #tpu.memory_space<semaphore_mem>>
      %dma_start3A_186 = arith.constant 0 : i32
      %dma_start3A_187 = arith.constant 0 : i32
      %dma_start3A_188 = tpu.memref_slice %arg5[%dma_start3A_186, %dma_start3A_187] : memref<36x100xi32, #tpu.memory_space<vmem>> -> memref<32x100xi32, #tpu.memory_space<vmem>>
      %dma_start3A_189 = arith.constant 0 : i32
      %dma_start3A_190 = arith.constant 0 : i32
      %dma_start3A_191 = tpu.memref_slice %arg2[%run_scoped3A_30, %add3A, %dma_start3A_189, %dma_start3A_190] : memref<2x32x100x100xi32, #tpu.memory_space<hbm>> -> memref<1x1x32x100xi32, #tpu.memory_space<hbm>>
      %dma_start3A_192 = tpu.memref_squeeze %dma_start3A_191 : memref<1x1x32x100xi32, #tpu.memory_space<hbm>> -> memref<32x100xi32, #tpu.memory_space<hbm>>
      %dma_start3A_193 = arith.constant 0 : i32
      %dma_start3A_194 = arith.constant 0 : i32
      %dma_start3A_195 = tpu.memref_slice %arg5[%dma_start3A_193, %dma_start3A_194] : memref<36x100xi32, #tpu.memory_space<vmem>> -> memref<32x100xi32, #tpu.memory_space<vmem>>
      %dma_start3A_196 = arith.constant 0 : i32
      %dma_start3A_197 = arith.constant 0 : i32
      %dma_start3A_198 = tpu.memref_slice %arg2[%run_scoped3A_30, %add3A, %dma_start3A_196, %dma_start3A_197] : memref<2x32x100x100xi32, #tpu.memory_space<hbm>> -> memref<1x1x32x100xi32, #tpu.memory_space<hbm>>
      %dma_start3A_199 = tpu.memref_squeeze %dma_start3A_198 : memref<1x1x32x100xi32, #tpu.memory_space<hbm>> -> memref<32x100xi32, #tpu.memory_space<hbm>>
      tpu.enqueue_dma source(%dma_start3A_199 : memref<32x100xi32, #tpu.memory_space<hbm>>) target(%dma_start3A_195 : memref<32x100xi32, #tpu.memory_space<vmem>>) target_semaphore(%run_scoped3A_185 : memref<!tpu.dma_semaphore, #tpu.memory_space<semaphore_mem>>)
      %dma_wait3A_200 = arith.constant 0 : i32
      %dma_wait3A_201 = arith.constant 0 : i32
      %dma_wait3A_202 = tpu.memref_slice %arg5[%dma_wait3A_200, %dma_wait3A_201] : memref<36x100xi32, #tpu.memory_space<vmem>> -> memref<32x100xi32, #tpu.memory_space<vmem>>
      %dma_wait3A_203 = arith.constant 0 : i32
      %dma_wait3A_204 = arith.constant 0 : i32
      %dma_wait3A_205 = tpu.memref_slice %arg2[%run_scoped3A_30, %add3A, %dma_wait3A_203, %dma_wait3A_204] : memref<2x32x100x100xi32, #tpu.memory_space<hbm>> -> memref<1x1x32x100xi32, #tpu.memory_space<hbm>>
      %dma_wait3A_206 = tpu.memref_squeeze %dma_wait3A_205 : memref<1x1x32x100xi32, #tpu.memory_space<hbm>> -> memref<32x100xi32, #tpu.memory_space<hbm>>
      %dma_wait3A_207 = arith.constant 0 : i32
      %dma_wait3A_208 = arith.constant 0 : i32
      %dma_wait3A_209 = tpu.memref_slice %arg5[%dma_wait3A_207, %dma_wait3A_208] : memref<36x100xi32, #tpu.memory_space<vmem>> -> memref<32x100xi32, #tpu.memory_space<vmem>>
      %dma_wait3A_210 = arith.constant 0 : i32
      %dma_wait3A_211 = arith.constant 0 : i32
      %dma_wait3A_212 = tpu.memref_slice %arg2[%run_scoped3A_30, %add3A, %dma_wait3A_210, %dma_wait3A_211] : memref<2x32x100x100xi32, #tpu.memory_space<hbm>> -> memref<1x1x32x100xi32, #tpu.memory_space<hbm>>
      %dma_wait3A_213 = tpu.memref_squeeze %dma_wait3A_212 : memref<1x1x32x100xi32, #tpu.memory_space<hbm>> -> memref<32x100xi32, #tpu.memory_space<hbm>>
      tpu.wait_dma2 semaphore(%run_scoped3A_185 : memref<!tpu.dma_semaphore, #tpu.memory_space<semaphore_mem>>) src(%dma_wait3A_213 : memref<32x100xi32, #tpu.memory_space<hbm>>) dst(%dma_wait3A_209 : memref<32x100xi32, #tpu.memory_space<vmem>>)
      tpu.yield
    }) : () -> ()
    %run_scoped3A_31 = arith.constant 1 : i32
    "tpu.region"() ({
      %run_scoped3A_185 = tpu.sem_alloc : memref<!tpu.dma_semaphore, #tpu.memory_space<semaphore_mem>>
      %dma_start3A_186 = arith.constant 0 : i32
      %dma_start3A_187 = arith.constant 0 : i32
      %dma_start3A_188 = tpu.memref_slice %arg6[%dma_start3A_186, %dma_start3A_187] : memref<36x100xi32, #tpu.memory_space<vmem>> -> memref<32x100xi32, #tpu.memory_space<vmem>>
      %dma_start3A_189 = arith.constant 0 : i32
      %dma_start3A_190 = arith.constant 0 : i32
      %dma_start3A_191 = tpu.memref_slice %arg2[%run_scoped3A_31, %add3A, %dma_start3A_189, %dma_start3A_190] : memref<2x32x100x100xi32, #tpu.memory_space<hbm>> -> memref<1x1x32x100xi32, #tpu.memory_space<hbm>>
      %dma_start3A_192 = tpu.memref_squeeze %dma_start3A_191 : memref<1x1x32x100xi32, #tpu.memory_space<hbm>> -> memref<32x100xi32, #tpu.memory_space<hbm>>
      %dma_start3A_193 = arith.constant 0 : i32
      %dma_start3A_194 = arith.constant 0 : i32
      %dma_start3A_195 = tpu.memref_slice %arg6[%dma_start3A_193, %dma_start3A_194] : memref<36x100xi32, #tpu.memory_space<vmem>> -> memref<32x100xi32, #tpu.memory_space<vmem>>
      %dma_start3A_196 = arith.constant 0 : i32
      %dma_start3A_197 = arith.constant 0 : i32
      %dma_start3A_198 = tpu.memref_slice %arg2[%run_scoped3A_31, %add3A, %dma_start3A_196, %dma_start3A_197] : memref<2x32x100x100xi32, #tpu.memory_space<hbm>> -> memref<1x1x32x100xi32, #tpu.memory_space<hbm>>
      %dma_start3A_199 = tpu.memref_squeeze %dma_start3A_198 : memref<1x1x32x100xi32, #tpu.memory_space<hbm>> -> memref<32x100xi32, #tpu.memory_space<hbm>>
      tpu.enqueue_dma source(%dma_start3A_199 : memref<32x100xi32, #tpu.memory_space<hbm>>) target(%dma_start3A_195 : memref<32x100xi32, #tpu.memory_space<vmem>>) target_semaphore(%run_scoped3A_185 : memref<!tpu.dma_semaphore, #tpu.memory_space<semaphore_mem>>)
      %dma_wait3A_200 = arith.constant 0 : i32
      %dma_wait3A_201 = arith.constant 0 : i32
      %dma_wait3A_202 = tpu.memref_slice %arg6[%dma_wait3A_200, %dma_wait3A_201] : memref<36x100xi32, #tpu.memory_space<vmem>> -> memref<32x100xi32, #tpu.memory_space<vmem>>
      %dma_wait3A_203 = arith.constant 0 : i32
      %dma_wait3A_204 = arith.constant 0 : i32
      %dma_wait3A_205 = tpu.memref_slice %arg2[%run_scoped3A_31, %add3A, %dma_wait3A_203, %dma_wait3A_204] : memref<2x32x100x100xi32, #tpu.memory_space<hbm>> -> memref<1x1x32x100xi32, #tpu.memory_space<hbm>>
      %dma_wait3A_206 = tpu.memref_squeeze %dma_wait3A_205 : memref<1x1x32x100xi32, #tpu.memory_space<hbm>> -> memref<32x100xi32, #tpu.memory_space<hbm>>
      %dma_wait3A_207 = arith.constant 0 : i32
      %dma_wait3A_208 = arith.constant 0 : i32
      %dma_wait3A_209 = tpu.memref_slice %arg6[%dma_wait3A_207, %dma_wait3A_208] : memref<36x100xi32, #tpu.memory_space<vmem>> -> memref<32x100xi32, #tpu.memory_space<vmem>>
      %dma_wait3A_210 = arith.constant 0 : i32
      %dma_wait3A_211 = arith.constant 0 : i32
      %dma_wait3A_212 = tpu.memref_slice %arg2[%run_scoped3A_31, %add3A, %dma_wait3A_210, %dma_wait3A_211] : memref<2x32x100x100xi32, #tpu.memory_space<hbm>> -> memref<1x1x32x100xi32, #tpu.memory_space<hbm>>
      %dma_wait3A_213 = tpu.memref_squeeze %dma_wait3A_212 : memref<1x1x32x100xi32, #tpu.memory_space<hbm>> -> memref<32x100xi32, #tpu.memory_space<hbm>>
      tpu.wait_dma2 semaphore(%run_scoped3A_185 : memref<!tpu.dma_semaphore, #tpu.memory_space<semaphore_mem>>) src(%dma_wait3A_213 : memref<32x100xi32, #tpu.memory_space<hbm>>) dst(%dma_wait3A_209 : memref<32x100xi32, #tpu.memory_space<vmem>>)
      tpu.yield
    }) : () -> ()
    %dma_start3A = arith.constant 0 : i32
    %dma_start3A_32 = arith.constant 0 : i32
    %dma_start3A_33 = arith.constant 0 : i32
    %dma_start3A_34 = arith.constant 0 : i32
    %dma_start3A_35 = tpu.memref_slice %arg7[%dma_start3A_32, %dma_start3A_33, %dma_start3A_34] : memref<3x100x128xf32, #tpu.memory_space<vmem>> -> memref<1x100x128xf32, #tpu.memory_space<vmem>>
    %dma_start3A_36 = tpu.memref_squeeze %dma_start3A_35 : memref<1x100x128xf32, #tpu.memory_space<vmem>> -> memref<100x128xf32, #tpu.memory_space<vmem>>
    %dma_start3A_37 = arith.constant 0 : i32
    %dma_start3A_38 = tpu.memref_slice %arg5[%dma_start3A, %dma_start3A_37] : memref<36x100xi32, #tpu.memory_space<vmem>> -> memref<1x100xi32, #tpu.memory_space<vmem>>
    %dma_start3A_39 = tpu.memref_squeeze %dma_start3A_38 : memref<1x100xi32, #tpu.memory_space<vmem>> -> memref<100xi32, #tpu.memory_space<vmem>>
    %dma_start3A_40 = arith.constant 0 : i32
    %dma_start3A_41 = arith.constant 0 : i32
    %dma_start3A_42 = tpu.memref_slice %arg3[%dma_start3A_40, %dma_start3A_41] : memref<10000x128xf32, #tpu.memory_space<hbm>> -> memref<10000x128xf32, #tpu.memory_space<hbm>>
    tpu.enqueue_indirect_dma source(%dma_start3A_42 : memref<10000x128xf32, #tpu.memory_space<hbm>>) target(%dma_start3A_36 : memref<100x128xf32, #tpu.memory_space<vmem>>) offsets(%dma_start3A_39 : memref<100xi32, #tpu.memory_space<vmem>>) semaphore(%arg9 : memref<!tpu.dma_semaphore, #tpu.memory_space<semaphore_mem>>)
    %dma_start3A_43 = arith.constant 1 : i32
    %dma_start3A_44 = arith.constant 1 : i32
    %dma_start3A_45 = arith.constant 0 : i32
    %dma_start3A_46 = arith.constant 0 : i32
    %dma_start3A_47 = tpu.memref_slice %arg7[%dma_start3A_44, %dma_start3A_45, %dma_start3A_46] : memref<3x100x128xf32, #tpu.memory_space<vmem>> -> memref<1x100x128xf32, #tpu.memory_space<vmem>>
    %dma_start3A_48 = tpu.memref_squeeze %dma_start3A_47 : memref<1x100x128xf32, #tpu.memory_space<vmem>> -> memref<100x128xf32, #tpu.memory_space<vmem>>
    %dma_start3A_49 = arith.constant 0 : i32
    %dma_start3A_50 = tpu.memref_slice %arg5[%dma_start3A_43, %dma_start3A_49] : memref<36x100xi32, #tpu.memory_space<vmem>> -> memref<1x100xi32, #tpu.memory_space<vmem>>
    %dma_start3A_51 = tpu.memref_squeeze %dma_start3A_50 : memref<1x100xi32, #tpu.memory_space<vmem>> -> memref<100xi32, #tpu.memory_space<vmem>>
    %dma_start3A_52 = arith.constant 0 : i32
    %dma_start3A_53 = arith.constant 0 : i32
    %dma_start3A_54 = tpu.memref_slice %arg3[%dma_start3A_52, %dma_start3A_53] : memref<10000x128xf32, #tpu.memory_space<hbm>> -> memref<10000x128xf32, #tpu.memory_space<hbm>>
    tpu.enqueue_indirect_dma source(%dma_start3A_54 : memref<10000x128xf32, #tpu.memory_space<hbm>>) target(%dma_start3A_48 : memref<100x128xf32, #tpu.memory_space<vmem>>) offsets(%dma_start3A_51 : memref<100xi32, #tpu.memory_space<vmem>>) semaphore(%arg9 : memref<!tpu.dma_semaphore, #tpu.memory_space<semaphore_mem>>)
    %scan3A_55 = arith.constant 0 : i32
    %scan3A_56 = arith.constant 0 : i32
    %scan3A_57 = arith.constant 10 : i32
    %scan3A_58 = arith.addi %scan3A_56, %scan3A_57 : i32
    %scan3A_59 = arith.constant 1 : i32
    scf.for %scan3A_185 = %scan3A_56 to %scan3A_58 step %scan3A_59  : i32 {
      %mul3A_186 = arith.constant 3 : i32
      %mul3A_187 = arith.muli %mul3A_186, %scan3A_185 : i32
      %add3A_188 = arith.constant 0 : i32
      %add3A_189 = arith.addi %mul3A_187, %add3A_188 : i32
      %dma_wait3A_190 = arith.constant 0 : i32
      %dma_wait3A_191 = arith.constant 0 : i32
      %dma_wait3A_192 = arith.constant 0 : i32
      %dma_wait3A_193 = tpu.memref_slice %arg7[%dma_wait3A_190, %dma_wait3A_191, %dma_wait3A_192] : memref<3x100x128xf32, #tpu.memory_space<vmem>> -> memref<1x100x128xf32, #tpu.memory_space<vmem>>
      %dma_wait3A_194 = tpu.memref_squeeze %dma_wait3A_193 : memref<1x100x128xf32, #tpu.memory_space<vmem>> -> memref<100x128xf32, #tpu.memory_space<vmem>>
      %dma_wait3A_195 = arith.constant 0 : i32
      %dma_wait3A_196 = tpu.memref_slice %arg5[%add3A_189, %dma_wait3A_195] : memref<36x100xi32, #tpu.memory_space<vmem>> -> memref<1x100xi32, #tpu.memory_space<vmem>>
      %dma_wait3A_197 = tpu.memref_squeeze %dma_wait3A_196 : memref<1x100xi32, #tpu.memory_space<vmem>> -> memref<100xi32, #tpu.memory_space<vmem>>
      %dma_wait3A_198 = arith.constant 0 : i32
      %dma_wait3A_199 = arith.constant 0 : i32
      %dma_wait3A_200 = tpu.memref_slice %arg3[%dma_wait3A_198, %dma_wait3A_199] : memref<10000x128xf32, #tpu.memory_space<hbm>> -> memref<10000x128xf32, #tpu.memory_space<hbm>>
      tpu.wait_indirect_dma semaphore(%arg9 : memref<!tpu.dma_semaphore, #tpu.memory_space<semaphore_mem>>) src(%dma_wait3A_200 : memref<10000x128xf32, #tpu.memory_space<hbm>>) dst(%dma_wait3A_194 : memref<100x128xf32, #tpu.memory_space<vmem>>)
      %add3A_201 = arith.constant 3 : i32
      %add3A_202 = arith.addi %add3A_189, %add3A_201 : i32
      %sub3A = arith.constant 1 : i32
      %sub3A_203 = arith.subi %add3A_202, %sub3A : i32
      %lt3A = arith.constant 32 : i32
      %lt3A_204 = arith.cmpi slt, %sub3A_203, %lt3A : i32
      %convert_element_type3A = arith.extui %lt3A_204 : i1 to i32
      %cond3A = arith.constant 0 : i32
      %cond3A_205 = arith.cmpi ne, %convert_element_type3A, %cond3A : i32
      scf.if %cond3A_205 {
        %add3A_257 = arith.constant 3 : i32
        %add3A_258 = arith.addi %add3A_189, %add3A_257 : i32
        %sub3A_259 = arith.constant 1 : i32
        %sub3A_260 = arith.subi %add3A_258, %sub3A_259 : i32
        %add3A_261 = arith.constant 3 : i32
        %add3A_262 = arith.addi %add3A_189, %add3A_261 : i32
        %sub3A_263 = arith.constant 1 : i32
        %sub3A_264 = arith.subi %add3A_262, %sub3A_263 : i32
        %jit3A = arith.constant 3 : i32
        %eq3A = arith.constant 0 : i32
        %eq3A_265 = arith.cmpi eq, %jit3A, %eq3A : i32
        %jit3A_266 = arith.constant 1 : i32
        %select_n3A = arith.select %eq3A_265, %jit3A_266, %jit3A : i32
        %rem3A = arith.remsi %sub3A_264, %select_n3A : i32
        %ne3A = arith.constant 0 : i32
        %ne3A_267 = arith.cmpi ne, %rem3A, %ne3A : i32
        %lt3A_268 = arith.constant 0 : i32
        %lt3A_269 = arith.cmpi slt, %rem3A, %lt3A_268 : i32
        %lt3A_270 = arith.constant 0 : i32
        %lt3A_271 = arith.cmpi slt, %select_n3A, %lt3A_270 : i32
        %ne3A_272 = arith.xori %lt3A_269, %lt3A_271 : i1
        %and3A = arith.andi %ne3A_272, %ne3A_267 : i1
        %add3A_273 = arith.addi %rem3A, %select_n3A : i32
        %select_n3A_274 = arith.select %and3A, %add3A_273, %rem3A : i32
        %dma_start3A_275 = arith.constant 0 : i32
        %dma_start3A_276 = arith.constant 0 : i32
        %dma_start3A_277 = tpu.memref_slice %arg7[%select_n3A_274, %dma_start3A_275, %dma_start3A_276] : memref<3x100x128xf32, #tpu.memory_space<vmem>> -> memref<1x100x128xf32, #tpu.memory_space<vmem>>
        %dma_start3A_278 = tpu.memref_squeeze %dma_start3A_277 : memref<1x100x128xf32, #tpu.memory_space<vmem>> -> memref<100x128xf32, #tpu.memory_space<vmem>>
        %dma_start3A_279 = arith.constant 0 : i32
        %dma_start3A_280 = tpu.memref_slice %arg5[%sub3A_260, %dma_start3A_279] : memref<36x100xi32, #tpu.memory_space<vmem>> -> memref<1x100xi32, #tpu.memory_space<vmem>>
        %dma_start3A_281 = tpu.memref_squeeze %dma_start3A_280 : memref<1x100xi32, #tpu.memory_space<vmem>> -> memref<100xi32, #tpu.memory_space<vmem>>
        %dma_start3A_282 = arith.constant 0 : i32
        %dma_start3A_283 = arith.constant 0 : i32
        %dma_start3A_284 = tpu.memref_slice %arg3[%dma_start3A_282, %dma_start3A_283] : memref<10000x128xf32, #tpu.memory_space<hbm>> -> memref<10000x128xf32, #tpu.memory_space<hbm>>
        tpu.enqueue_indirect_dma source(%dma_start3A_284 : memref<10000x128xf32, #tpu.memory_space<hbm>>) target(%dma_start3A_278 : memref<100x128xf32, #tpu.memory_space<vmem>>) offsets(%dma_start3A_281 : memref<100xi32, #tpu.memory_space<vmem>>) semaphore(%arg9 : memref<!tpu.dma_semaphore, #tpu.memory_space<semaphore_mem>>)
      } else {
      }
      %run_scoped3A_206 = arith.constant 0 : i32
      "tpu.region"() ({
        %run_scoped3A_257 = tpu.sem_alloc : memref<!tpu.dma_semaphore, #tpu.memory_space<semaphore_mem>>
        %dma_start3A_258 = arith.constant 0 : i32
        %dma_start3A_259 = arith.constant 0 : i32
        %dma_start3A_260 = tpu.memref_slice %arg7[%run_scoped3A_206, %dma_start3A_258, %dma_start3A_259] : memref<3x100x128xf32, #tpu.memory_space<vmem>> -> memref<1x100x128xf32, #tpu.memory_space<vmem>>
        %dma_start3A_261 = tpu.memref_squeeze %dma_start3A_260 : memref<1x100x128xf32, #tpu.memory_space<vmem>> -> memref<100x128xf32, #tpu.memory_space<vmem>>
        %dma_start3A_262 = arith.constant 0 : i32
        %dma_start3A_263 = tpu.memref_slice %arg6[%add3A_189, %dma_start3A_262] : memref<36x100xi32, #tpu.memory_space<vmem>> -> memref<1x100xi32, #tpu.memory_space<vmem>>
        %dma_start3A_264 = tpu.memref_squeeze %dma_start3A_263 : memref<1x100xi32, #tpu.memory_space<vmem>> -> memref<100xi32, #tpu.memory_space<vmem>>
        %dma_start3A_265 = arith.constant 0 : i32
        %dma_start3A_266 = arith.constant 0 : i32
        %dma_start3A_267 = tpu.memref_slice %arg8[%dma_start3A_265, %dma_start3A_266] : memref<10112x128xf32, #tpu.memory_space<vmem_shared>> -> memref<10112x128xf32, #tpu.memory_space<vmem_shared>>
        tpu.enqueue_indirect_dma source(%dma_start3A_261 : memref<100x128xf32, #tpu.memory_space<vmem>>) target(%dma_start3A_267 : memref<10112x128xf32, #tpu.memory_space<vmem_shared>>) offsets(%dma_start3A_264 : memref<100xi32, #tpu.memory_space<vmem>>) semaphore(%run_scoped3A_257 : memref<!tpu.dma_semaphore, #tpu.memory_space<semaphore_mem>>) {add = true}
        %dma_wait3A_268 = arith.constant 0 : i32
        %dma_wait3A_269 = arith.constant 0 : i32
        %dma_wait3A_270 = tpu.memref_slice %arg7[%run_scoped3A_206, %dma_wait3A_268, %dma_wait3A_269] : memref<3x100x128xf32, #tpu.memory_space<vmem>> -> memref<1x100x128xf32, #tpu.memory_space<vmem>>
        %dma_wait3A_271 = tpu.memref_squeeze %dma_wait3A_270 : memref<1x100x128xf32, #tpu.memory_space<vmem>> -> memref<100x128xf32, #tpu.memory_space<vmem>>
        %dma_wait3A_272 = arith.constant 0 : i32
        %dma_wait3A_273 = tpu.memref_slice %arg6[%add3A_189, %dma_wait3A_272] : memref<36x100xi32, #tpu.memory_space<vmem>> -> memref<1x100xi32, #tpu.memory_space<vmem>>
        %dma_wait3A_274 = tpu.memref_squeeze %dma_wait3A_273 : memref<1x100xi32, #tpu.memory_space<vmem>> -> memref<100xi32, #tpu.memory_space<vmem>>
        %dma_wait3A_275 = arith.constant 0 : i32
        %dma_wait3A_276 = arith.constant 0 : i32
        %dma_wait3A_277 = tpu.memref_slice %arg8[%dma_wait3A_275, %dma_wait3A_276] : memref<10112x128xf32, #tpu.memory_space<vmem_shared>> -> memref<10112x128xf32, #tpu.memory_space<vmem_shared>>
        tpu.wait_indirect_dma semaphore(%run_scoped3A_257 : memref<!tpu.dma_semaphore, #tpu.memory_space<semaphore_mem>>) src(%dma_wait3A_271 : memref<100x128xf32, #tpu.memory_space<vmem>>) dst(%dma_wait3A_277 : memref<10112x128xf32, #tpu.memory_space<vmem_shared>>)
        tpu.yield
      }) : () -> ()
      %mul3A_207 = arith.constant 3 : i32
      %mul3A_208 = arith.muli %mul3A_207, %scan3A_185 : i32
      %add3A_209 = arith.constant 1 : i32
      %add3A_210 = arith.addi %mul3A_208, %add3A_209 : i32
      %dma_wait3A_211 = arith.constant 1 : i32
      %dma_wait3A_212 = arith.constant 0 : i32
      %dma_wait3A_213 = arith.constant 0 : i32
      %dma_wait3A_214 = tpu.memref_slice %arg7[%dma_wait3A_211, %dma_wait3A_212, %dma_wait3A_213] : memref<3x100x128xf32, #tpu.memory_space<vmem>> -> memref<1x100x128xf32, #tpu.memory_space<vmem>>
      %dma_wait3A_215 = tpu.memref_squeeze %dma_wait3A_214 : memref<1x100x128xf32, #tpu.memory_space<vmem>> -> memref<100x128xf32, #tpu.memory_space<vmem>>
      %dma_wait3A_216 = arith.constant 0 : i32
      %dma_wait3A_217 = tpu.memref_slice %arg5[%add3A_210, %dma_wait3A_216] : memref<36x100xi32, #tpu.memory_space<vmem>> -> memref<1x100xi32, #tpu.memory_space<vmem>>
      %dma_wait3A_218 = tpu.memref_squeeze %dma_wait3A_217 : memref<1x100xi32, #tpu.memory_space<vmem>> -> memref<100xi32, #tpu.memory_space<vmem>>
      %dma_wait3A_219 = arith.constant 0 : i32
      %dma_wait3A_220 = arith.constant 0 : i32
      %dma_wait3A_221 = tpu.memref_slice %arg3[%dma_wait3A_219, %dma_wait3A_220] : memref<10000x128xf32, #tpu.memory_space<hbm>> -> memref<10000x128xf32, #tpu.memory_space<hbm>>
      tpu.wait_indirect_dma semaphore(%arg9 : memref<!tpu.dma_semaphore, #tpu.memory_space<semaphore_mem>>) src(%dma_wait3A_221 : memref<10000x128xf32, #tpu.memory_space<hbm>>) dst(%dma_wait3A_215 : memref<100x128xf32, #tpu.memory_space<vmem>>)
      %add3A_222 = arith.constant 3 : i32
      %add3A_223 = arith.addi %add3A_210, %add3A_222 : i32
      %sub3A_224 = arith.constant 1 : i32
      %sub3A_225 = arith.subi %add3A_223, %sub3A_224 : i32
      %lt3A_226 = arith.constant 32 : i32
      %lt3A_227 = arith.cmpi slt, %sub3A_225, %lt3A_226 : i32
      %convert_element_type3A_228 = arith.extui %lt3A_227 : i1 to i32
      %cond3A_229 = arith.constant 0 : i32
      %cond3A_230 = arith.cmpi ne, %convert_element_type3A_228, %cond3A_229 : i32
      scf.if %cond3A_230 {
        %add3A_257 = arith.constant 3 : i32
        %add3A_258 = arith.addi %add3A_210, %add3A_257 : i32
        %sub3A_259 = arith.constant 1 : i32
        %sub3A_260 = arith.subi %add3A_258, %sub3A_259 : i32
        %add3A_261 = arith.constant 3 : i32
        %add3A_262 = arith.addi %add3A_210, %add3A_261 : i32
        %sub3A_263 = arith.constant 1 : i32
        %sub3A_264 = arith.subi %add3A_262, %sub3A_263 : i32
        %jit3A = arith.constant 3 : i32
        %eq3A = arith.constant 0 : i32
        %eq3A_265 = arith.cmpi eq, %jit3A, %eq3A : i32
        %jit3A_266 = arith.constant 1 : i32
        %select_n3A = arith.select %eq3A_265, %jit3A_266, %jit3A : i32
        %rem3A = arith.remsi %sub3A_264, %select_n3A : i32
        %ne3A = arith.constant 0 : i32
        %ne3A_267 = arith.cmpi ne, %rem3A, %ne3A : i32
        %lt3A_268 = arith.constant 0 : i32
        %lt3A_269 = arith.cmpi slt, %rem3A, %lt3A_268 : i32
        %lt3A_270 = arith.constant 0 : i32
        %lt3A_271 = arith.cmpi slt, %select_n3A, %lt3A_270 : i32
        %ne3A_272 = arith.xori %lt3A_269, %lt3A_271 : i1
        %and3A = arith.andi %ne3A_272, %ne3A_267 : i1
        %add3A_273 = arith.addi %rem3A, %select_n3A : i32
        %select_n3A_274 = arith.select %and3A, %add3A_273, %rem3A : i32
        %dma_start3A_275 = arith.constant 0 : i32
        %dma_start3A_276 = arith.constant 0 : i32
        %dma_start3A_277 = tpu.memref_slice %arg7[%select_n3A_274, %dma_start3A_275, %dma_start3A_276] : memref<3x100x128xf32, #tpu.memory_space<vmem>> -> memref<1x100x128xf32, #tpu.memory_space<vmem>>
        %dma_start3A_278 = tpu.memref_squeeze %dma_start3A_277 : memref<1x100x128xf32, #tpu.memory_space<vmem>> -> memref<100x128xf32, #tpu.memory_space<vmem>>
        %dma_start3A_279 = arith.constant 0 : i32
        %dma_start3A_280 = tpu.memref_slice %arg5[%sub3A_260, %dma_start3A_279] : memref<36x100xi32, #tpu.memory_space<vmem>> -> memref<1x100xi32, #tpu.memory_space<vmem>>
        %dma_start3A_281 = tpu.memref_squeeze %dma_start3A_280 : memref<1x100xi32, #tpu.memory_space<vmem>> -> memref<100xi32, #tpu.memory_space<vmem>>
        %dma_start3A_282 = arith.constant 0 : i32
        %dma_start3A_283 = arith.constant 0 : i32
        %dma_start3A_284 = tpu.memref_slice %arg3[%dma_start3A_282, %dma_start3A_283] : memref<10000x128xf32, #tpu.memory_space<hbm>> -> memref<10000x128xf32, #tpu.memory_space<hbm>>
        tpu.enqueue_indirect_dma source(%dma_start3A_284 : memref<10000x128xf32, #tpu.memory_space<hbm>>) target(%dma_start3A_278 : memref<100x128xf32, #tpu.memory_space<vmem>>) offsets(%dma_start3A_281 : memref<100xi32, #tpu.memory_space<vmem>>) semaphore(%arg9 : memref<!tpu.dma_semaphore, #tpu.memory_space<semaphore_mem>>)
      } else {
      }
      %run_scoped3A_231 = arith.constant 1 : i32
      "tpu.region"() ({
        %run_scoped3A_257 = tpu.sem_alloc : memref<!tpu.dma_semaphore, #tpu.memory_space<semaphore_mem>>
        %dma_start3A_258 = arith.constant 0 : i32
        %dma_start3A_259 = arith.constant 0 : i32
        %dma_start3A_260 = tpu.memref_slice %arg7[%run_scoped3A_231, %dma_start3A_258, %dma_start3A_259] : memref<3x100x128xf32, #tpu.memory_space<vmem>> -> memref<1x100x128xf32, #tpu.memory_space<vmem>>
        %dma_start3A_261 = tpu.memref_squeeze %dma_start3A_260 : memref<1x100x128xf32, #tpu.memory_space<vmem>> -> memref<100x128xf32, #tpu.memory_space<vmem>>
        %dma_start3A_262 = arith.constant 0 : i32
        %dma_start3A_263 = tpu.memref_slice %arg6[%add3A_210, %dma_start3A_262] : memref<36x100xi32, #tpu.memory_space<vmem>> -> memref<1x100xi32, #tpu.memory_space<vmem>>
        %dma_start3A_264 = tpu.memref_squeeze %dma_start3A_263 : memref<1x100xi32, #tpu.memory_space<vmem>> -> memref<100xi32, #tpu.memory_space<vmem>>
        %dma_start3A_265 = arith.constant 0 : i32
        %dma_start3A_266 = arith.constant 0 : i32
        %dma_start3A_267 = tpu.memref_slice %arg8[%dma_start3A_265, %dma_start3A_266] : memref<10112x128xf32, #tpu.memory_space<vmem_shared>> -> memref<10112x128xf32, #tpu.memory_space<vmem_shared>>
        tpu.enqueue_indirect_dma source(%dma_start3A_261 : memref<100x128xf32, #tpu.memory_space<vmem>>) target(%dma_start3A_267 : memref<10112x128xf32, #tpu.memory_space<vmem_shared>>) offsets(%dma_start3A_264 : memref<100xi32, #tpu.memory_space<vmem>>) semaphore(%run_scoped3A_257 : memref<!tpu.dma_semaphore, #tpu.memory_space<semaphore_mem>>) {add = true}
        %dma_wait3A_268 = arith.constant 0 : i32
        %dma_wait3A_269 = arith.constant 0 : i32
        %dma_wait3A_270 = tpu.memref_slice %arg7[%run_scoped3A_231, %dma_wait3A_268, %dma_wait3A_269] : memref<3x100x128xf32, #tpu.memory_space<vmem>> -> memref<1x100x128xf32, #tpu.memory_space<vmem>>
        %dma_wait3A_271 = tpu.memref_squeeze %dma_wait3A_270 : memref<1x100x128xf32, #tpu.memory_space<vmem>> -> memref<100x128xf32, #tpu.memory_space<vmem>>
        %dma_wait3A_272 = arith.constant 0 : i32
        %dma_wait3A_273 = tpu.memref_slice %arg6[%add3A_210, %dma_wait3A_272] : memref<36x100xi32, #tpu.memory_space<vmem>> -> memref<1x100xi32, #tpu.memory_space<vmem>>
        %dma_wait3A_274 = tpu.memref_squeeze %dma_wait3A_273 : memref<1x100xi32, #tpu.memory_space<vmem>> -> memref<100xi32, #tpu.memory_space<vmem>>
        %dma_wait3A_275 = arith.constant 0 : i32
        %dma_wait3A_276 = arith.constant 0 : i32
        %dma_wait3A_277 = tpu.memref_slice %arg8[%dma_wait3A_275, %dma_wait3A_276] : memref<10112x128xf32, #tpu.memory_space<vmem_shared>> -> memref<10112x128xf32, #tpu.memory_space<vmem_shared>>
        tpu.wait_indirect_dma semaphore(%run_scoped3A_257 : memref<!tpu.dma_semaphore, #tpu.memory_space<semaphore_mem>>) src(%dma_wait3A_271 : memref<100x128xf32, #tpu.memory_space<vmem>>) dst(%dma_wait3A_277 : memref<10112x128xf32, #tpu.memory_space<vmem_shared>>)
        tpu.yield
      }) : () -> ()
      %mul3A_232 = arith.constant 3 : i32
      %mul3A_233 = arith.muli %mul3A_232, %scan3A_185 : i32
      %add3A_234 = arith.constant 2 : i32
      %add3A_235 = arith.addi %mul3A_233, %add3A_234 : i32
      %dma_wait3A_236 = arith.constant 2 : i32
      %dma_wait3A_237 = arith.constant 0 : i32
      %dma_wait3A_238 = arith.constant 0 : i32
      %dma_wait3A_239 = tpu.memref_slice %arg7[%dma_wait3A_236, %dma_wait3A_237, %dma_wait3A_238] : memref<3x100x128xf32, #tpu.memory_space<vmem>> -> memref<1x100x128xf32, #tpu.memory_space<vmem>>
      %dma_wait3A_240 = tpu.memref_squeeze %dma_wait3A_239 : memref<1x100x128xf32, #tpu.memory_space<vmem>> -> memref<100x128xf32, #tpu.memory_space<vmem>>
      %dma_wait3A_241 = arith.constant 0 : i32
      %dma_wait3A_242 = tpu.memref_slice %arg5[%add3A_235, %dma_wait3A_241] : memref<36x100xi32, #tpu.memory_space<vmem>> -> memref<1x100xi32, #tpu.memory_space<vmem>>
      %dma_wait3A_243 = tpu.memref_squeeze %dma_wait3A_242 : memref<1x100xi32, #tpu.memory_space<vmem>> -> memref<100xi32, #tpu.memory_space<vmem>>
      %dma_wait3A_244 = arith.constant 0 : i32
      %dma_wait3A_245 = arith.constant 0 : i32
      %dma_wait3A_246 = tpu.memref_slice %arg3[%dma_wait3A_244, %dma_wait3A_245] : memref<10000x128xf32, #tpu.memory_space<hbm>> -> memref<10000x128xf32, #tpu.memory_space<hbm>>
      tpu.wait_indirect_dma semaphore(%arg9 : memref<!tpu.dma_semaphore, #tpu.memory_space<semaphore_mem>>) src(%dma_wait3A_246 : memref<10000x128xf32, #tpu.memory_space<hbm>>) dst(%dma_wait3A_240 : memref<100x128xf32, #tpu.memory_space<vmem>>)
      %add3A_247 = arith.constant 3 : i32
      %add3A_248 = arith.addi %add3A_235, %add3A_247 : i32
      %sub3A_249 = arith.constant 1 : i32
      %sub3A_250 = arith.subi %add3A_248, %sub3A_249 : i32
      %lt3A_251 = arith.constant 32 : i32
      %lt3A_252 = arith.cmpi slt, %sub3A_250, %lt3A_251 : i32
      %convert_element_type3A_253 = arith.extui %lt3A_252 : i1 to i32
      %cond3A_254 = arith.constant 0 : i32
      %cond3A_255 = arith.cmpi ne, %convert_element_type3A_253, %cond3A_254 : i32
      scf.if %cond3A_255 {
        %add3A_257 = arith.constant 3 : i32
        %add3A_258 = arith.addi %add3A_235, %add3A_257 : i32
        %sub3A_259 = arith.constant 1 : i32
        %sub3A_260 = arith.subi %add3A_258, %sub3A_259 : i32
        %add3A_261 = arith.constant 3 : i32
        %add3A_262 = arith.addi %add3A_235, %add3A_261 : i32
        %sub3A_263 = arith.constant 1 : i32
        %sub3A_264 = arith.subi %add3A_262, %sub3A_263 : i32
        %jit3A = arith.constant 3 : i32
        %eq3A = arith.constant 0 : i32
        %eq3A_265 = arith.cmpi eq, %jit3A, %eq3A : i32
        %jit3A_266 = arith.constant 1 : i32
        %select_n3A = arith.select %eq3A_265, %jit3A_266, %jit3A : i32
        %rem3A = arith.remsi %sub3A_264, %select_n3A : i32
        %ne3A = arith.constant 0 : i32
        %ne3A_267 = arith.cmpi ne, %rem3A, %ne3A : i32
        %lt3A_268 = arith.constant 0 : i32
        %lt3A_269 = arith.cmpi slt, %rem3A, %lt3A_268 : i32
        %lt3A_270 = arith.constant 0 : i32
        %lt3A_271 = arith.cmpi slt, %select_n3A, %lt3A_270 : i32
        %ne3A_272 = arith.xori %lt3A_269, %lt3A_271 : i1
        %and3A = arith.andi %ne3A_272, %ne3A_267 : i1
        %add3A_273 = arith.addi %rem3A, %select_n3A : i32
        %select_n3A_274 = arith.select %and3A, %add3A_273, %rem3A : i32
        %dma_start3A_275 = arith.constant 0 : i32
        %dma_start3A_276 = arith.constant 0 : i32
        %dma_start3A_277 = tpu.memref_slice %arg7[%select_n3A_274, %dma_start3A_275, %dma_start3A_276] : memref<3x100x128xf32, #tpu.memory_space<vmem>> -> memref<1x100x128xf32, #tpu.memory_space<vmem>>
        %dma_start3A_278 = tpu.memref_squeeze %dma_start3A_277 : memref<1x100x128xf32, #tpu.memory_space<vmem>> -> memref<100x128xf32, #tpu.memory_space<vmem>>
        %dma_start3A_279 = arith.constant 0 : i32
        %dma_start3A_280 = tpu.memref_slice %arg5[%sub3A_260, %dma_start3A_279] : memref<36x100xi32, #tpu.memory_space<vmem>> -> memref<1x100xi32, #tpu.memory_space<vmem>>
        %dma_start3A_281 = tpu.memref_squeeze %dma_start3A_280 : memref<1x100xi32, #tpu.memory_space<vmem>> -> memref<100xi32, #tpu.memory_space<vmem>>
        %dma_start3A_282 = arith.constant 0 : i32
        %dma_start3A_283 = arith.constant 0 : i32
        %dma_start3A_284 = tpu.memref_slice %arg3[%dma_start3A_282, %dma_start3A_283] : memref<10000x128xf32, #tpu.memory_space<hbm>> -> memref<10000x128xf32, #tpu.memory_space<hbm>>
        tpu.enqueue_indirect_dma source(%dma_start3A_284 : memref<10000x128xf32, #tpu.memory_space<hbm>>) target(%dma_start3A_278 : memref<100x128xf32, #tpu.memory_space<vmem>>) offsets(%dma_start3A_281 : memref<100xi32, #tpu.memory_space<vmem>>) semaphore(%arg9 : memref<!tpu.dma_semaphore, #tpu.memory_space<semaphore_mem>>)
      } else {
      }
      %run_scoped3A_256 = arith.constant 2 : i32
      "tpu.region"() ({
        %run_scoped3A_257 = tpu.sem_alloc : memref<!tpu.dma_semaphore, #tpu.memory_space<semaphore_mem>>
        %dma_start3A_258 = arith.constant 0 : i32
        %dma_start3A_259 = arith.constant 0 : i32
        %dma_start3A_260 = tpu.memref_slice %arg7[%run_scoped3A_256, %dma_start3A_258, %dma_start3A_259] : memref<3x100x128xf32, #tpu.memory_space<vmem>> -> memref<1x100x128xf32, #tpu.memory_space<vmem>>
        %dma_start3A_261 = tpu.memref_squeeze %dma_start3A_260 : memref<1x100x128xf32, #tpu.memory_space<vmem>> -> memref<100x128xf32, #tpu.memory_space<vmem>>
        %dma_start3A_262 = arith.constant 0 : i32
        %dma_start3A_263 = tpu.memref_slice %arg6[%add3A_235, %dma_start3A_262] : memref<36x100xi32, #tpu.memory_space<vmem>> -> memref<1x100xi32, #tpu.memory_space<vmem>>
        %dma_start3A_264 = tpu.memref_squeeze %dma_start3A_263 : memref<1x100xi32, #tpu.memory_space<vmem>> -> memref<100xi32, #tpu.memory_space<vmem>>
        %dma_start3A_265 = arith.constant 0 : i32
        %dma_start3A_266 = arith.constant 0 : i32
        %dma_start3A_267 = tpu.memref_slice %arg8[%dma_start3A_265, %dma_start3A_266] : memref<10112x128xf32, #tpu.memory_space<vmem_shared>> -> memref<10112x128xf32, #tpu.memory_space<vmem_shared>>
        tpu.enqueue_indirect_dma source(%dma_start3A_261 : memref<100x128xf32, #tpu.memory_space<vmem>>) target(%dma_start3A_267 : memref<10112x128xf32, #tpu.memory_space<vmem_shared>>) offsets(%dma_start3A_264 : memref<100xi32, #tpu.memory_space<vmem>>) semaphore(%run_scoped3A_257 : memref<!tpu.dma_semaphore, #tpu.memory_space<semaphore_mem>>) {add = true}
        %dma_wait3A_268 = arith.constant 0 : i32
        %dma_wait3A_269 = arith.constant 0 : i32
        %dma_wait3A_270 = tpu.memref_slice %arg7[%run_scoped3A_256, %dma_wait3A_268, %dma_wait3A_269] : memref<3x100x128xf32, #tpu.memory_space<vmem>> -> memref<1x100x128xf32, #tpu.memory_space<vmem>>
        %dma_wait3A_271 = tpu.memref_squeeze %dma_wait3A_270 : memref<1x100x128xf32, #tpu.memory_space<vmem>> -> memref<100x128xf32, #tpu.memory_space<vmem>>
        %dma_wait3A_272 = arith.constant 0 : i32
        %dma_wait3A_273 = tpu.memref_slice %arg6[%add3A_235, %dma_wait3A_272] : memref<36x100xi32, #tpu.memory_space<vmem>> -> memref<1x100xi32, #tpu.memory_space<vmem>>
        %dma_wait3A_274 = tpu.memref_squeeze %dma_wait3A_273 : memref<1x100xi32, #tpu.memory_space<vmem>> -> memref<100xi32, #tpu.memory_space<vmem>>
        %dma_wait3A_275 = arith.constant 0 : i32
        %dma_wait3A_276 = arith.constant 0 : i32
        %dma_wait3A_277 = tpu.memref_slice %arg8[%dma_wait3A_275, %dma_wait3A_276] : memref<10112x128xf32, #tpu.memory_space<vmem_shared>> -> memref<10112x128xf32, #tpu.memory_space<vmem_shared>>
        tpu.wait_indirect_dma semaphore(%run_scoped3A_257 : memref<!tpu.dma_semaphore, #tpu.memory_space<semaphore_mem>>) src(%dma_wait3A_271 : memref<100x128xf32, #tpu.memory_space<vmem>>) dst(%dma_wait3A_277 : memref<10112x128xf32, #tpu.memory_space<vmem_shared>>)
        tpu.yield
      }) : () -> ()
    }
    %scan3A_60 = arith.constant 10 : i32
    %dma_wait3A = arith.constant 30 : i32
    %dma_wait3A_61 = arith.constant 0 : i32
    %dma_wait3A_62 = arith.constant 0 : i32
    %dma_wait3A_63 = arith.constant 0 : i32
    %dma_wait3A_64 = tpu.memref_slice %arg7[%dma_wait3A_61, %dma_wait3A_62, %dma_wait3A_63] : memref<3x100x128xf32, #tpu.memory_space<vmem>> -> memref<1x100x128xf32, #tpu.memory_space<vmem>>
    %dma_wait3A_65 = tpu.memref_squeeze %dma_wait3A_64 : memref<1x100x128xf32, #tpu.memory_space<vmem>> -> memref<100x128xf32, #tpu.memory_space<vmem>>
    %dma_wait3A_66 = arith.constant 0 : i32
    %dma_wait3A_67 = tpu.memref_slice %arg5[%dma_wait3A, %dma_wait3A_66] : memref<36x100xi32, #tpu.memory_space<vmem>> -> memref<1x100xi32, #tpu.memory_space<vmem>>
    %dma_wait3A_68 = tpu.memref_squeeze %dma_wait3A_67 : memref<1x100xi32, #tpu.memory_space<vmem>> -> memref<100xi32, #tpu.memory_space<vmem>>
    %dma_wait3A_69 = arith.constant 0 : i32
    %dma_wait3A_70 = arith.constant 0 : i32
    %dma_wait3A_71 = tpu.memref_slice %arg3[%dma_wait3A_69, %dma_wait3A_70] : memref<10000x128xf32, #tpu.memory_space<hbm>> -> memref<10000x128xf32, #tpu.memory_space<hbm>>
    tpu.wait_indirect_dma semaphore(%arg9 : memref<!tpu.dma_semaphore, #tpu.memory_space<semaphore_mem>>) src(%dma_wait3A_71 : memref<10000x128xf32, #tpu.memory_space<hbm>>) dst(%dma_wait3A_65 : memref<100x128xf32, #tpu.memory_space<vmem>>)
    %run_scoped3A_72 = arith.constant 0 : i32
    %run_scoped3A_73 = arith.constant 30 : i32
    "tpu.region"() ({
      %run_scoped3A_185 = tpu.sem_alloc : memref<!tpu.dma_semaphore, #tpu.memory_space<semaphore_mem>>
      %dma_start3A_186 = arith.constant 0 : i32
      %dma_start3A_187 = arith.constant 0 : i32
      %dma_start3A_188 = tpu.memref_slice %arg7[%run_scoped3A_72, %dma_start3A_186, %dma_start3A_187] : memref<3x100x128xf32, #tpu.memory_space<vmem>> -> memref<1x100x128xf32, #tpu.memory_space<vmem>>
      %dma_start3A_189 = tpu.memref_squeeze %dma_start3A_188 : memref<1x100x128xf32, #tpu.memory_space<vmem>> -> memref<100x128xf32, #tpu.memory_space<vmem>>
      %dma_start3A_190 = arith.constant 0 : i32
      %dma_start3A_191 = tpu.memref_slice %arg6[%run_scoped3A_73, %dma_start3A_190] : memref<36x100xi32, #tpu.memory_space<vmem>> -> memref<1x100xi32, #tpu.memory_space<vmem>>
      %dma_start3A_192 = tpu.memref_squeeze %dma_start3A_191 : memref<1x100xi32, #tpu.memory_space<vmem>> -> memref<100xi32, #tpu.memory_space<vmem>>
      %dma_start3A_193 = arith.constant 0 : i32
      %dma_start3A_194 = arith.constant 0 : i32
      %dma_start3A_195 = tpu.memref_slice %arg8[%dma_start3A_193, %dma_start3A_194] : memref<10112x128xf32, #tpu.memory_space<vmem_shared>> -> memref<10112x128xf32, #tpu.memory_space<vmem_shared>>
      tpu.enqueue_indirect_dma source(%dma_start3A_189 : memref<100x128xf32, #tpu.memory_space<vmem>>) target(%dma_start3A_195 : memref<10112x128xf32, #tpu.memory_space<vmem_shared>>) offsets(%dma_start3A_192 : memref<100xi32, #tpu.memory_space<vmem>>) semaphore(%run_scoped3A_185 : memref<!tpu.dma_semaphore, #tpu.memory_space<semaphore_mem>>) {add = true}
      %dma_wait3A_196 = arith.constant 0 : i32
      %dma_wait3A_197 = arith.constant 0 : i32
      %dma_wait3A_198 = tpu.memref_slice %arg7[%run_scoped3A_72, %dma_wait3A_196, %dma_wait3A_197] : memref<3x100x128xf32, #tpu.memory_space<vmem>> -> memref<1x100x128xf32, #tpu.memory_space<vmem>>
      %dma_wait3A_199 = tpu.memref_squeeze %dma_wait3A_198 : memref<1x100x128xf32, #tpu.memory_space<vmem>> -> memref<100x128xf32, #tpu.memory_space<vmem>>
      %dma_wait3A_200 = arith.constant 0 : i32
      %dma_wait3A_201 = tpu.memref_slice %arg6[%run_scoped3A_73, %dma_wait3A_200] : memref<36x100xi32, #tpu.memory_space<vmem>> -> memref<1x100xi32, #tpu.memory_space<vmem>>
      %dma_wait3A_202 = tpu.memref_squeeze %dma_wait3A_201 : memref<1x100xi32, #tpu.memory_space<vmem>> -> memref<100xi32, #tpu.memory_space<vmem>>
      %dma_wait3A_203 = arith.constant 0 : i32
      %dma_wait3A_204 = arith.constant 0 : i32
      %dma_wait3A_205 = tpu.memref_slice %arg8[%dma_wait3A_203, %dma_wait3A_204] : memref<10112x128xf32, #tpu.memory_space<vmem_shared>> -> memref<10112x128xf32, #tpu.memory_space<vmem_shared>>
      tpu.wait_indirect_dma semaphore(%run_scoped3A_185 : memref<!tpu.dma_semaphore, #tpu.memory_space<semaphore_mem>>) src(%dma_wait3A_199 : memref<100x128xf32, #tpu.memory_space<vmem>>) dst(%dma_wait3A_205 : memref<10112x128xf32, #tpu.memory_space<vmem_shared>>)
      tpu.yield
    }) : () -> ()
    %dma_wait3A_74 = arith.constant 31 : i32
    %dma_wait3A_75 = arith.constant 1 : i32
    %dma_wait3A_76 = arith.constant 0 : i32
    %dma_wait3A_77 = arith.constant 0 : i32
    %dma_wait3A_78 = tpu.memref_slice %arg7[%dma_wait3A_75, %dma_wait3A_76, %dma_wait3A_77] : memref<3x100x128xf32, #tpu.memory_space<vmem>> -> memref<1x100x128xf32, #tpu.memory_space<vmem>>
    %dma_wait3A_79 = tpu.memref_squeeze %dma_wait3A_78 : memref<1x100x128xf32, #tpu.memory_space<vmem>> -> memref<100x128xf32, #tpu.memory_space<vmem>>
    %dma_wait3A_80 = arith.constant 0 : i32
    %dma_wait3A_81 = tpu.memref_slice %arg5[%dma_wait3A_74, %dma_wait3A_80] : memref<36x100xi32, #tpu.memory_space<vmem>> -> memref<1x100xi32, #tpu.memory_space<vmem>>
    %dma_wait3A_82 = tpu.memref_squeeze %dma_wait3A_81 : memref<1x100xi32, #tpu.memory_space<vmem>> -> memref<100xi32, #tpu.memory_space<vmem>>
    %dma_wait3A_83 = arith.constant 0 : i32
    %dma_wait3A_84 = arith.constant 0 : i32
    %dma_wait3A_85 = tpu.memref_slice %arg3[%dma_wait3A_83, %dma_wait3A_84] : memref<10000x128xf32, #tpu.memory_space<hbm>> -> memref<10000x128xf32, #tpu.memory_space<hbm>>
    tpu.wait_indirect_dma semaphore(%arg9 : memref<!tpu.dma_semaphore, #tpu.memory_space<semaphore_mem>>) src(%dma_wait3A_85 : memref<10000x128xf32, #tpu.memory_space<hbm>>) dst(%dma_wait3A_79 : memref<100x128xf32, #tpu.memory_space<vmem>>)
    %run_scoped3A_86 = arith.constant 1 : i32
    %run_scoped3A_87 = arith.constant 31 : i32
    "tpu.region"() ({
      %run_scoped3A_185 = tpu.sem_alloc : memref<!tpu.dma_semaphore, #tpu.memory_space<semaphore_mem>>
      %dma_start3A_186 = arith.constant 0 : i32
      %dma_start3A_187 = arith.constant 0 : i32
      %dma_start3A_188 = tpu.memref_slice %arg7[%run_scoped3A_86, %dma_start3A_186, %dma_start3A_187] : memref<3x100x128xf32, #tpu.memory_space<vmem>> -> memref<1x100x128xf32, #tpu.memory_space<vmem>>
      %dma_start3A_189 = tpu.memref_squeeze %dma_start3A_188 : memref<1x100x128xf32, #tpu.memory_space<vmem>> -> memref<100x128xf32, #tpu.memory_space<vmem>>
      %dma_start3A_190 = arith.constant 0 : i32
      %dma_start3A_191 = tpu.memref_slice %arg6[%run_scoped3A_87, %dma_start3A_190] : memref<36x100xi32, #tpu.memory_space<vmem>> -> memref<1x100xi32, #tpu.memory_space<vmem>>
      %dma_start3A_192 = tpu.memref_squeeze %dma_start3A_191 : memref<1x100xi32, #tpu.memory_space<vmem>> -> memref<100xi32, #tpu.memory_space<vmem>>
      %dma_start3A_193 = arith.constant 0 : i32
      %dma_start3A_194 = arith.constant 0 : i32
      %dma_start3A_195 = tpu.memref_slice %arg8[%dma_start3A_193, %dma_start3A_194] : memref<10112x128xf32, #tpu.memory_space<vmem_shared>> -> memref<10112x128xf32, #tpu.memory_space<vmem_shared>>
      tpu.enqueue_indirect_dma source(%dma_start3A_189 : memref<100x128xf32, #tpu.memory_space<vmem>>) target(%dma_start3A_195 : memref<10112x128xf32, #tpu.memory_space<vmem_shared>>) offsets(%dma_start3A_192 : memref<100xi32, #tpu.memory_space<vmem>>) semaphore(%run_scoped3A_185 : memref<!tpu.dma_semaphore, #tpu.memory_space<semaphore_mem>>) {add = true}
      %dma_wait3A_196 = arith.constant 0 : i32
      %dma_wait3A_197 = arith.constant 0 : i32
      %dma_wait3A_198 = tpu.memref_slice %arg7[%run_scoped3A_86, %dma_wait3A_196, %dma_wait3A_197] : memref<3x100x128xf32, #tpu.memory_space<vmem>> -> memref<1x100x128xf32, #tpu.memory_space<vmem>>
      %dma_wait3A_199 = tpu.memref_squeeze %dma_wait3A_198 : memref<1x100x128xf32, #tpu.memory_space<vmem>> -> memref<100x128xf32, #tpu.memory_space<vmem>>
      %dma_wait3A_200 = arith.constant 0 : i32
      %dma_wait3A_201 = tpu.memref_slice %arg6[%run_scoped3A_87, %dma_wait3A_200] : memref<36x100xi32, #tpu.memory_space<vmem>> -> memref<1x100xi32, #tpu.memory_space<vmem>>
      %dma_wait3A_202 = tpu.memref_squeeze %dma_wait3A_201 : memref<1x100xi32, #tpu.memory_space<vmem>> -> memref<100xi32, #tpu.memory_space<vmem>>
      %dma_wait3A_203 = arith.constant 0 : i32
      %dma_wait3A_204 = arith.constant 0 : i32
      %dma_wait3A_205 = tpu.memref_slice %arg8[%dma_wait3A_203, %dma_wait3A_204] : memref<10112x128xf32, #tpu.memory_space<vmem_shared>> -> memref<10112x128xf32, #tpu.memory_space<vmem_shared>>
      tpu.wait_indirect_dma semaphore(%run_scoped3A_185 : memref<!tpu.dma_semaphore, #tpu.memory_space<semaphore_mem>>) src(%dma_wait3A_199 : memref<100x128xf32, #tpu.memory_space<vmem>>) dst(%dma_wait3A_205 : memref<10112x128xf32, #tpu.memory_space<vmem_shared>>)
      tpu.yield
    }) : () -> ()
    %run_scoped3A_88 = arith.constant 0 : i32
    "tpu.region"() ({
      %run_scoped3A_185 = tpu.sem_alloc : memref<!tpu.dma_semaphore, #tpu.memory_space<semaphore_mem>>
      %dma_start3A_186 = arith.constant 0 : i32
      %dma_start3A_187 = arith.constant 0 : i32
      %dma_start3A_188 = tpu.memref_slice %arg5[%dma_start3A_186, %dma_start3A_187] : memref<36x100xi32, #tpu.memory_space<vmem>> -> memref<32x100xi32, #tpu.memory_space<vmem>>
      %dma_start3A_189 = arith.constant 32 : i32
      %dma_start3A_190 = arith.constant 0 : i32
      %dma_start3A_191 = tpu.memref_slice %arg2[%run_scoped3A_88, %add3A, %dma_start3A_189, %dma_start3A_190] : memref<2x32x100x100xi32, #tpu.memory_space<hbm>> -> memref<1x1x32x100xi32, #tpu.memory_space<hbm>>
      %dma_start3A_192 = tpu.memref_squeeze %dma_start3A_191 : memref<1x1x32x100xi32, #tpu.memory_space<hbm>> -> memref<32x100xi32, #tpu.memory_space<hbm>>
      %dma_start3A_193 = arith.constant 0 : i32
      %dma_start3A_194 = arith.constant 0 : i32
      %dma_start3A_195 = tpu.memref_slice %arg5[%dma_start3A_193, %dma_start3A_194] : memref<36x100xi32, #tpu.memory_space<vmem>> -> memref<32x100xi32, #tpu.memory_space<vmem>>
      %dma_start3A_196 = arith.constant 32 : i32
      %dma_start3A_197 = arith.constant 0 : i32
      %dma_start3A_198 = tpu.memref_slice %arg2[%run_scoped3A_88, %add3A, %dma_start3A_196, %dma_start3A_197] : memref<2x32x100x100xi32, #tpu.memory_space<hbm>> -> memref<1x1x32x100xi32, #tpu.memory_space<hbm>>
      %dma_start3A_199 = tpu.memref_squeeze %dma_start3A_198 : memref<1x1x32x100xi32, #tpu.memory_space<hbm>> -> memref<32x100xi32, #tpu.memory_space<hbm>>
      tpu.enqueue_dma source(%dma_start3A_199 : memref<32x100xi32, #tpu.memory_space<hbm>>) target(%dma_start3A_195 : memref<32x100xi32, #tpu.memory_space<vmem>>) target_semaphore(%run_scoped3A_185 : memref<!tpu.dma_semaphore, #tpu.memory_space<semaphore_mem>>)
      %dma_wait3A_200 = arith.constant 0 : i32
      %dma_wait3A_201 = arith.constant 0 : i32
      %dma_wait3A_202 = tpu.memref_slice %arg5[%dma_wait3A_200, %dma_wait3A_201] : memref<36x100xi32, #tpu.memory_space<vmem>> -> memref<32x100xi32, #tpu.memory_space<vmem>>
      %dma_wait3A_203 = arith.constant 32 : i32
      %dma_wait3A_204 = arith.constant 0 : i32
      %dma_wait3A_205 = tpu.memref_slice %arg2[%run_scoped3A_88, %add3A, %dma_wait3A_203, %dma_wait3A_204] : memref<2x32x100x100xi32, #tpu.memory_space<hbm>> -> memref<1x1x32x100xi32, #tpu.memory_space<hbm>>
      %dma_wait3A_206 = tpu.memref_squeeze %dma_wait3A_205 : memref<1x1x32x100xi32, #tpu.memory_space<hbm>> -> memref<32x100xi32, #tpu.memory_space<hbm>>
      %dma_wait3A_207 = arith.constant 0 : i32
      %dma_wait3A_208 = arith.constant 0 : i32
      %dma_wait3A_209 = tpu.memref_slice %arg5[%dma_wait3A_207, %dma_wait3A_208] : memref<36x100xi32, #tpu.memory_space<vmem>> -> memref<32x100xi32, #tpu.memory_space<vmem>>
      %dma_wait3A_210 = arith.constant 32 : i32
      %dma_wait3A_211 = arith.constant 0 : i32
      %dma_wait3A_212 = tpu.memref_slice %arg2[%run_scoped3A_88, %add3A, %dma_wait3A_210, %dma_wait3A_211] : memref<2x32x100x100xi32, #tpu.memory_space<hbm>> -> memref<1x1x32x100xi32, #tpu.memory_space<hbm>>
      %dma_wait3A_213 = tpu.memref_squeeze %dma_wait3A_212 : memref<1x1x32x100xi32, #tpu.memory_space<hbm>> -> memref<32x100xi32, #tpu.memory_space<hbm>>
      tpu.wait_dma2 semaphore(%run_scoped3A_185 : memref<!tpu.dma_semaphore, #tpu.memory_space<semaphore_mem>>) src(%dma_wait3A_213 : memref<32x100xi32, #tpu.memory_space<hbm>>) dst(%dma_wait3A_209 : memref<32x100xi32, #tpu.memory_space<vmem>>)
      tpu.yield
    }) : () -> ()
    %run_scoped3A_89 = arith.constant 1 : i32
    "tpu.region"() ({
      %run_scoped3A_185 = tpu.sem_alloc : memref<!tpu.dma_semaphore, #tpu.memory_space<semaphore_mem>>
      %dma_start3A_186 = arith.constant 0 : i32
      %dma_start3A_187 = arith.constant 0 : i32
      %dma_start3A_188 = tpu.memref_slice %arg6[%dma_start3A_186, %dma_start3A_187] : memref<36x100xi32, #tpu.memory_space<vmem>> -> memref<32x100xi32, #tpu.memory_space<vmem>>
      %dma_start3A_189 = arith.constant 32 : i32
      %dma_start3A_190 = arith.constant 0 : i32
      %dma_start3A_191 = tpu.memref_slice %arg2[%run_scoped3A_89, %add3A, %dma_start3A_189, %dma_start3A_190] : memref<2x32x100x100xi32, #tpu.memory_space<hbm>> -> memref<1x1x32x100xi32, #tpu.memory_space<hbm>>
      %dma_start3A_192 = tpu.memref_squeeze %dma_start3A_191 : memref<1x1x32x100xi32, #tpu.memory_space<hbm>> -> memref<32x100xi32, #tpu.memory_space<hbm>>
      %dma_start3A_193 = arith.constant 0 : i32
      %dma_start3A_194 = arith.constant 0 : i32
      %dma_start3A_195 = tpu.memref_slice %arg6[%dma_start3A_193, %dma_start3A_194] : memref<36x100xi32, #tpu.memory_space<vmem>> -> memref<32x100xi32, #tpu.memory_space<vmem>>
      %dma_start3A_196 = arith.constant 32 : i32
      %dma_start3A_197 = arith.constant 0 : i32
      %dma_start3A_198 = tpu.memref_slice %arg2[%run_scoped3A_89, %add3A, %dma_start3A_196, %dma_start3A_197] : memref<2x32x100x100xi32, #tpu.memory_space<hbm>> -> memref<1x1x32x100xi32, #tpu.memory_space<hbm>>
      %dma_start3A_199 = tpu.memref_squeeze %dma_start3A_198 : memref<1x1x32x100xi32, #tpu.memory_space<hbm>> -> memref<32x100xi32, #tpu.memory_space<hbm>>
      tpu.enqueue_dma source(%dma_start3A_199 : memref<32x100xi32, #tpu.memory_space<hbm>>) target(%dma_start3A_195 : memref<32x100xi32, #tpu.memory_space<vmem>>) target_semaphore(%run_scoped3A_185 : memref<!tpu.dma_semaphore, #tpu.memory_space<semaphore_mem>>)
      %dma_wait3A_200 = arith.constant 0 : i32
      %dma_wait3A_201 = arith.constant 0 : i32
      %dma_wait3A_202 = tpu.memref_slice %arg6[%dma_wait3A_200, %dma_wait3A_201] : memref<36x100xi32, #tpu.memory_space<vmem>> -> memref<32x100xi32, #tpu.memory_space<vmem>>
      %dma_wait3A_203 = arith.constant 32 : i32
      %dma_wait3A_204 = arith.constant 0 : i32
      %dma_wait3A_205 = tpu.memref_slice %arg2[%run_scoped3A_89, %add3A, %dma_wait3A_203, %dma_wait3A_204] : memref<2x32x100x100xi32, #tpu.memory_space<hbm>> -> memref<1x1x32x100xi32, #tpu.memory_space<hbm>>
      %dma_wait3A_206 = tpu.memref_squeeze %dma_wait3A_205 : memref<1x1x32x100xi32, #tpu.memory_space<hbm>> -> memref<32x100xi32, #tpu.memory_space<hbm>>
      %dma_wait3A_207 = arith.constant 0 : i32
      %dma_wait3A_208 = arith.constant 0 : i32
      %dma_wait3A_209 = tpu.memref_slice %arg6[%dma_wait3A_207, %dma_wait3A_208] : memref<36x100xi32, #tpu.memory_space<vmem>> -> memref<32x100xi32, #tpu.memory_space<vmem>>
      %dma_wait3A_210 = arith.constant 32 : i32
      %dma_wait3A_211 = arith.constant 0 : i32
      %dma_wait3A_212 = tpu.memref_slice %arg2[%run_scoped3A_89, %add3A, %dma_wait3A_210, %dma_wait3A_211] : memref<2x32x100x100xi32, #tpu.memory_space<hbm>> -> memref<1x1x32x100xi32, #tpu.memory_space<hbm>>
      %dma_wait3A_213 = tpu.memref_squeeze %dma_wait3A_212 : memref<1x1x32x100xi32, #tpu.memory_space<hbm>> -> memref<32x100xi32, #tpu.memory_space<hbm>>
      tpu.wait_dma2 semaphore(%run_scoped3A_185 : memref<!tpu.dma_semaphore, #tpu.memory_space<semaphore_mem>>) src(%dma_wait3A_213 : memref<32x100xi32, #tpu.memory_space<hbm>>) dst(%dma_wait3A_209 : memref<32x100xi32, #tpu.memory_space<vmem>>)
      tpu.yield
    }) : () -> ()
    %dma_start3A_90 = arith.constant 0 : i32
    %dma_start3A_91 = arith.constant 0 : i32
    %dma_start3A_92 = arith.constant 0 : i32
    %dma_start3A_93 = arith.constant 0 : i32
    %dma_start3A_94 = tpu.memref_slice %arg7[%dma_start3A_91, %dma_start3A_92, %dma_start3A_93] : memref<3x100x128xf32, #tpu.memory_space<vmem>> -> memref<1x100x128xf32, #tpu.memory_space<vmem>>
    %dma_start3A_95 = tpu.memref_squeeze %dma_start3A_94 : memref<1x100x128xf32, #tpu.memory_space<vmem>> -> memref<100x128xf32, #tpu.memory_space<vmem>>
    %dma_start3A_96 = arith.constant 0 : i32
    %dma_start3A_97 = tpu.memref_slice %arg5[%dma_start3A_90, %dma_start3A_96] : memref<36x100xi32, #tpu.memory_space<vmem>> -> memref<1x100xi32, #tpu.memory_space<vmem>>
    %dma_start3A_98 = tpu.memref_squeeze %dma_start3A_97 : memref<1x100xi32, #tpu.memory_space<vmem>> -> memref<100xi32, #tpu.memory_space<vmem>>
    %dma_start3A_99 = arith.constant 0 : i32
    %dma_start3A_100 = arith.constant 0 : i32
    %dma_start3A_101 = tpu.memref_slice %arg3[%dma_start3A_99, %dma_start3A_100] : memref<10000x128xf32, #tpu.memory_space<hbm>> -> memref<10000x128xf32, #tpu.memory_space<hbm>>
    tpu.enqueue_indirect_dma source(%dma_start3A_101 : memref<10000x128xf32, #tpu.memory_space<hbm>>) target(%dma_start3A_95 : memref<100x128xf32, #tpu.memory_space<vmem>>) offsets(%dma_start3A_98 : memref<100xi32, #tpu.memory_space<vmem>>) semaphore(%arg9 : memref<!tpu.dma_semaphore, #tpu.memory_space<semaphore_mem>>)
    %dma_start3A_102 = arith.constant 1 : i32
    %dma_start3A_103 = arith.constant 1 : i32
    %dma_start3A_104 = arith.constant 0 : i32
    %dma_start3A_105 = arith.constant 0 : i32
    %dma_start3A_106 = tpu.memref_slice %arg7[%dma_start3A_103, %dma_start3A_104, %dma_start3A_105] : memref<3x100x128xf32, #tpu.memory_space<vmem>> -> memref<1x100x128xf32, #tpu.memory_space<vmem>>
    %dma_start3A_107 = tpu.memref_squeeze %dma_start3A_106 : memref<1x100x128xf32, #tpu.memory_space<vmem>> -> memref<100x128xf32, #tpu.memory_space<vmem>>
    %dma_start3A_108 = arith.constant 0 : i32
    %dma_start3A_109 = tpu.memref_slice %arg5[%dma_start3A_102, %dma_start3A_108] : memref<36x100xi32, #tpu.memory_space<vmem>> -> memref<1x100xi32, #tpu.memory_space<vmem>>
    %dma_start3A_110 = tpu.memref_squeeze %dma_start3A_109 : memref<1x100xi32, #tpu.memory_space<vmem>> -> memref<100xi32, #tpu.memory_space<vmem>>
    %dma_start3A_111 = arith.constant 0 : i32
    %dma_start3A_112 = arith.constant 0 : i32
    %dma_start3A_113 = tpu.memref_slice %arg3[%dma_start3A_111, %dma_start3A_112] : memref<10000x128xf32, #tpu.memory_space<hbm>> -> memref<10000x128xf32, #tpu.memory_space<hbm>>
    tpu.enqueue_indirect_dma source(%dma_start3A_113 : memref<10000x128xf32, #tpu.memory_space<hbm>>) target(%dma_start3A_107 : memref<100x128xf32, #tpu.memory_space<vmem>>) offsets(%dma_start3A_110 : memref<100xi32, #tpu.memory_space<vmem>>) semaphore(%arg9 : memref<!tpu.dma_semaphore, #tpu.memory_space<semaphore_mem>>)
    %scan3A_114 = arith.constant 0 : i32
    %scan3A_115 = arith.constant 0 : i32
    %scan3A_116 = arith.constant 10 : i32
    %scan3A_117 = arith.addi %scan3A_115, %scan3A_116 : i32
    %scan3A_118 = arith.constant 1 : i32
    scf.for %scan3A_185 = %scan3A_115 to %scan3A_117 step %scan3A_118  : i32 {
      %mul3A_186 = arith.constant 3 : i32
      %mul3A_187 = arith.muli %mul3A_186, %scan3A_185 : i32
      %add3A_188 = arith.constant 0 : i32
      %add3A_189 = arith.addi %mul3A_187, %add3A_188 : i32
      %dma_wait3A_190 = arith.constant 0 : i32
      %dma_wait3A_191 = arith.constant 0 : i32
      %dma_wait3A_192 = arith.constant 0 : i32
      %dma_wait3A_193 = tpu.memref_slice %arg7[%dma_wait3A_190, %dma_wait3A_191, %dma_wait3A_192] : memref<3x100x128xf32, #tpu.memory_space<vmem>> -> memref<1x100x128xf32, #tpu.memory_space<vmem>>
      %dma_wait3A_194 = tpu.memref_squeeze %dma_wait3A_193 : memref<1x100x128xf32, #tpu.memory_space<vmem>> -> memref<100x128xf32, #tpu.memory_space<vmem>>
      %dma_wait3A_195 = arith.constant 0 : i32
      %dma_wait3A_196 = tpu.memref_slice %arg5[%add3A_189, %dma_wait3A_195] : memref<36x100xi32, #tpu.memory_space<vmem>> -> memref<1x100xi32, #tpu.memory_space<vmem>>
      %dma_wait3A_197 = tpu.memref_squeeze %dma_wait3A_196 : memref<1x100xi32, #tpu.memory_space<vmem>> -> memref<100xi32, #tpu.memory_space<vmem>>
      %dma_wait3A_198 = arith.constant 0 : i32
      %dma_wait3A_199 = arith.constant 0 : i32
      %dma_wait3A_200 = tpu.memref_slice %arg3[%dma_wait3A_198, %dma_wait3A_199] : memref<10000x128xf32, #tpu.memory_space<hbm>> -> memref<10000x128xf32, #tpu.memory_space<hbm>>
      tpu.wait_indirect_dma semaphore(%arg9 : memref<!tpu.dma_semaphore, #tpu.memory_space<semaphore_mem>>) src(%dma_wait3A_200 : memref<10000x128xf32, #tpu.memory_space<hbm>>) dst(%dma_wait3A_194 : memref<100x128xf32, #tpu.memory_space<vmem>>)
      %add3A_201 = arith.constant 3 : i32
      %add3A_202 = arith.addi %add3A_189, %add3A_201 : i32
      %sub3A = arith.constant 1 : i32
      %sub3A_203 = arith.subi %add3A_202, %sub3A : i32
      %lt3A = arith.constant 32 : i32
      %lt3A_204 = arith.cmpi slt, %sub3A_203, %lt3A : i32
      %convert_element_type3A = arith.extui %lt3A_204 : i1 to i32
      %cond3A = arith.constant 0 : i32
      %cond3A_205 = arith.cmpi ne, %convert_element_type3A, %cond3A : i32
      scf.if %cond3A_205 {
        %add3A_257 = arith.constant 3 : i32
        %add3A_258 = arith.addi %add3A_189, %add3A_257 : i32
        %sub3A_259 = arith.constant 1 : i32
        %sub3A_260 = arith.subi %add3A_258, %sub3A_259 : i32
        %add3A_261 = arith.constant 3 : i32
        %add3A_262 = arith.addi %add3A_189, %add3A_261 : i32
        %sub3A_263 = arith.constant 1 : i32
        %sub3A_264 = arith.subi %add3A_262, %sub3A_263 : i32
        %jit3A = arith.constant 3 : i32
        %eq3A = arith.constant 0 : i32
        %eq3A_265 = arith.cmpi eq, %jit3A, %eq3A : i32
        %jit3A_266 = arith.constant 1 : i32
        %select_n3A = arith.select %eq3A_265, %jit3A_266, %jit3A : i32
        %rem3A = arith.remsi %sub3A_264, %select_n3A : i32
        %ne3A = arith.constant 0 : i32
        %ne3A_267 = arith.cmpi ne, %rem3A, %ne3A : i32
        %lt3A_268 = arith.constant 0 : i32
        %lt3A_269 = arith.cmpi slt, %rem3A, %lt3A_268 : i32
        %lt3A_270 = arith.constant 0 : i32
        %lt3A_271 = arith.cmpi slt, %select_n3A, %lt3A_270 : i32
        %ne3A_272 = arith.xori %lt3A_269, %lt3A_271 : i1
        %and3A = arith.andi %ne3A_272, %ne3A_267 : i1
        %add3A_273 = arith.addi %rem3A, %select_n3A : i32
        %select_n3A_274 = arith.select %and3A, %add3A_273, %rem3A : i32
        %dma_start3A_275 = arith.constant 0 : i32
        %dma_start3A_276 = arith.constant 0 : i32
        %dma_start3A_277 = tpu.memref_slice %arg7[%select_n3A_274, %dma_start3A_275, %dma_start3A_276] : memref<3x100x128xf32, #tpu.memory_space<vmem>> -> memref<1x100x128xf32, #tpu.memory_space<vmem>>
        %dma_start3A_278 = tpu.memref_squeeze %dma_start3A_277 : memref<1x100x128xf32, #tpu.memory_space<vmem>> -> memref<100x128xf32, #tpu.memory_space<vmem>>
        %dma_start3A_279 = arith.constant 0 : i32
        %dma_start3A_280 = tpu.memref_slice %arg5[%sub3A_260, %dma_start3A_279] : memref<36x100xi32, #tpu.memory_space<vmem>> -> memref<1x100xi32, #tpu.memory_space<vmem>>
        %dma_start3A_281 = tpu.memref_squeeze %dma_start3A_280 : memref<1x100xi32, #tpu.memory_space<vmem>> -> memref<100xi32, #tpu.memory_space<vmem>>
        %dma_start3A_282 = arith.constant 0 : i32
        %dma_start3A_283 = arith.constant 0 : i32
        %dma_start3A_284 = tpu.memref_slice %arg3[%dma_start3A_282, %dma_start3A_283] : memref<10000x128xf32, #tpu.memory_space<hbm>> -> memref<10000x128xf32, #tpu.memory_space<hbm>>
        tpu.enqueue_indirect_dma source(%dma_start3A_284 : memref<10000x128xf32, #tpu.memory_space<hbm>>) target(%dma_start3A_278 : memref<100x128xf32, #tpu.memory_space<vmem>>) offsets(%dma_start3A_281 : memref<100xi32, #tpu.memory_space<vmem>>) semaphore(%arg9 : memref<!tpu.dma_semaphore, #tpu.memory_space<semaphore_mem>>)
      } else {
      }
      %run_scoped3A_206 = arith.constant 0 : i32
      "tpu.region"() ({
        %run_scoped3A_257 = tpu.sem_alloc : memref<!tpu.dma_semaphore, #tpu.memory_space<semaphore_mem>>
        %dma_start3A_258 = arith.constant 0 : i32
        %dma_start3A_259 = arith.constant 0 : i32
        %dma_start3A_260 = tpu.memref_slice %arg7[%run_scoped3A_206, %dma_start3A_258, %dma_start3A_259] : memref<3x100x128xf32, #tpu.memory_space<vmem>> -> memref<1x100x128xf32, #tpu.memory_space<vmem>>
        %dma_start3A_261 = tpu.memref_squeeze %dma_start3A_260 : memref<1x100x128xf32, #tpu.memory_space<vmem>> -> memref<100x128xf32, #tpu.memory_space<vmem>>
        %dma_start3A_262 = arith.constant 0 : i32
        %dma_start3A_263 = tpu.memref_slice %arg6[%add3A_189, %dma_start3A_262] : memref<36x100xi32, #tpu.memory_space<vmem>> -> memref<1x100xi32, #tpu.memory_space<vmem>>
        %dma_start3A_264 = tpu.memref_squeeze %dma_start3A_263 : memref<1x100xi32, #tpu.memory_space<vmem>> -> memref<100xi32, #tpu.memory_space<vmem>>
        %dma_start3A_265 = arith.constant 0 : i32
        %dma_start3A_266 = arith.constant 0 : i32
        %dma_start3A_267 = tpu.memref_slice %arg8[%dma_start3A_265, %dma_start3A_266] : memref<10112x128xf32, #tpu.memory_space<vmem_shared>> -> memref<10112x128xf32, #tpu.memory_space<vmem_shared>>
        tpu.enqueue_indirect_dma source(%dma_start3A_261 : memref<100x128xf32, #tpu.memory_space<vmem>>) target(%dma_start3A_267 : memref<10112x128xf32, #tpu.memory_space<vmem_shared>>) offsets(%dma_start3A_264 : memref<100xi32, #tpu.memory_space<vmem>>) semaphore(%run_scoped3A_257 : memref<!tpu.dma_semaphore, #tpu.memory_space<semaphore_mem>>) {add = true}
        %dma_wait3A_268 = arith.constant 0 : i32
        %dma_wait3A_269 = arith.constant 0 : i32
        %dma_wait3A_270 = tpu.memref_slice %arg7[%run_scoped3A_206, %dma_wait3A_268, %dma_wait3A_269] : memref<3x100x128xf32, #tpu.memory_space<vmem>> -> memref<1x100x128xf32, #tpu.memory_space<vmem>>
        %dma_wait3A_271 = tpu.memref_squeeze %dma_wait3A_270 : memref<1x100x128xf32, #tpu.memory_space<vmem>> -> memref<100x128xf32, #tpu.memory_space<vmem>>
        %dma_wait3A_272 = arith.constant 0 : i32
        %dma_wait3A_273 = tpu.memref_slice %arg6[%add3A_189, %dma_wait3A_272] : memref<36x100xi32, #tpu.memory_space<vmem>> -> memref<1x100xi32, #tpu.memory_space<vmem>>
        %dma_wait3A_274 = tpu.memref_squeeze %dma_wait3A_273 : memref<1x100xi32, #tpu.memory_space<vmem>> -> memref<100xi32, #tpu.memory_space<vmem>>
        %dma_wait3A_275 = arith.constant 0 : i32
        %dma_wait3A_276 = arith.constant 0 : i32
        %dma_wait3A_277 = tpu.memref_slice %arg8[%dma_wait3A_275, %dma_wait3A_276] : memref<10112x128xf32, #tpu.memory_space<vmem_shared>> -> memref<10112x128xf32, #tpu.memory_space<vmem_shared>>
        tpu.wait_indirect_dma semaphore(%run_scoped3A_257 : memref<!tpu.dma_semaphore, #tpu.memory_space<semaphore_mem>>) src(%dma_wait3A_271 : memref<100x128xf32, #tpu.memory_space<vmem>>) dst(%dma_wait3A_277 : memref<10112x128xf32, #tpu.memory_space<vmem_shared>>)
        tpu.yield
      }) : () -> ()
      %mul3A_207 = arith.constant 3 : i32
      %mul3A_208 = arith.muli %mul3A_207, %scan3A_185 : i32
      %add3A_209 = arith.constant 1 : i32
      %add3A_210 = arith.addi %mul3A_208, %add3A_209 : i32
      %dma_wait3A_211 = arith.constant 1 : i32
      %dma_wait3A_212 = arith.constant 0 : i32
      %dma_wait3A_213 = arith.constant 0 : i32
      %dma_wait3A_214 = tpu.memref_slice %arg7[%dma_wait3A_211, %dma_wait3A_212, %dma_wait3A_213] : memref<3x100x128xf32, #tpu.memory_space<vmem>> -> memref<1x100x128xf32, #tpu.memory_space<vmem>>
      %dma_wait3A_215 = tpu.memref_squeeze %dma_wait3A_214 : memref<1x100x128xf32, #tpu.memory_space<vmem>> -> memref<100x128xf32, #tpu.memory_space<vmem>>
      %dma_wait3A_216 = arith.constant 0 : i32
      %dma_wait3A_217 = tpu.memref_slice %arg5[%add3A_210, %dma_wait3A_216] : memref<36x100xi32, #tpu.memory_space<vmem>> -> memref<1x100xi32, #tpu.memory_space<vmem>>
      %dma_wait3A_218 = tpu.memref_squeeze %dma_wait3A_217 : memref<1x100xi32, #tpu.memory_space<vmem>> -> memref<100xi32, #tpu.memory_space<vmem>>
      %dma_wait3A_219 = arith.constant 0 : i32
      %dma_wait3A_220 = arith.constant 0 : i32
      %dma_wait3A_221 = tpu.memref_slice %arg3[%dma_wait3A_219, %dma_wait3A_220] : memref<10000x128xf32, #tpu.memory_space<hbm>> -> memref<10000x128xf32, #tpu.memory_space<hbm>>
      tpu.wait_indirect_dma semaphore(%arg9 : memref<!tpu.dma_semaphore, #tpu.memory_space<semaphore_mem>>) src(%dma_wait3A_221 : memref<10000x128xf32, #tpu.memory_space<hbm>>) dst(%dma_wait3A_215 : memref<100x128xf32, #tpu.memory_space<vmem>>)
      %add3A_222 = arith.constant 3 : i32
      %add3A_223 = arith.addi %add3A_210, %add3A_222 : i32
      %sub3A_224 = arith.constant 1 : i32
      %sub3A_225 = arith.subi %add3A_223, %sub3A_224 : i32
      %lt3A_226 = arith.constant 32 : i32
      %lt3A_227 = arith.cmpi slt, %sub3A_225, %lt3A_226 : i32
      %convert_element_type3A_228 = arith.extui %lt3A_227 : i1 to i32
      %cond3A_229 = arith.constant 0 : i32
      %cond3A_230 = arith.cmpi ne, %convert_element_type3A_228, %cond3A_229 : i32
      scf.if %cond3A_230 {
        %add3A_257 = arith.constant 3 : i32
        %add3A_258 = arith.addi %add3A_210, %add3A_257 : i32
        %sub3A_259 = arith.constant 1 : i32
        %sub3A_260 = arith.subi %add3A_258, %sub3A_259 : i32
        %add3A_261 = arith.constant 3 : i32
        %add3A_262 = arith.addi %add3A_210, %add3A_261 : i32
        %sub3A_263 = arith.constant 1 : i32
        %sub3A_264 = arith.subi %add3A_262, %sub3A_263 : i32
        %jit3A = arith.constant 3 : i32
        %eq3A = arith.constant 0 : i32
        %eq3A_265 = arith.cmpi eq, %jit3A, %eq3A : i32
        %jit3A_266 = arith.constant 1 : i32
        %select_n3A = arith.select %eq3A_265, %jit3A_266, %jit3A : i32
        %rem3A = arith.remsi %sub3A_264, %select_n3A : i32
        %ne3A = arith.constant 0 : i32
        %ne3A_267 = arith.cmpi ne, %rem3A, %ne3A : i32
        %lt3A_268 = arith.constant 0 : i32
        %lt3A_269 = arith.cmpi slt, %rem3A, %lt3A_268 : i32
        %lt3A_270 = arith.constant 0 : i32
        %lt3A_271 = arith.cmpi slt, %select_n3A, %lt3A_270 : i32
        %ne3A_272 = arith.xori %lt3A_269, %lt3A_271 : i1
        %and3A = arith.andi %ne3A_272, %ne3A_267 : i1
        %add3A_273 = arith.addi %rem3A, %select_n3A : i32
        %select_n3A_274 = arith.select %and3A, %add3A_273, %rem3A : i32
        %dma_start3A_275 = arith.constant 0 : i32
        %dma_start3A_276 = arith.constant 0 : i32
        %dma_start3A_277 = tpu.memref_slice %arg7[%select_n3A_274, %dma_start3A_275, %dma_start3A_276] : memref<3x100x128xf32, #tpu.memory_space<vmem>> -> memref<1x100x128xf32, #tpu.memory_space<vmem>>
        %dma_start3A_278 = tpu.memref_squeeze %dma_start3A_277 : memref<1x100x128xf32, #tpu.memory_space<vmem>> -> memref<100x128xf32, #tpu.memory_space<vmem>>
        %dma_start3A_279 = arith.constant 0 : i32
        %dma_start3A_280 = tpu.memref_slice %arg5[%sub3A_260, %dma_start3A_279] : memref<36x100xi32, #tpu.memory_space<vmem>> -> memref<1x100xi32, #tpu.memory_space<vmem>>
        %dma_start3A_281 = tpu.memref_squeeze %dma_start3A_280 : memref<1x100xi32, #tpu.memory_space<vmem>> -> memref<100xi32, #tpu.memory_space<vmem>>
        %dma_start3A_282 = arith.constant 0 : i32
        %dma_start3A_283 = arith.constant 0 : i32
        %dma_start3A_284 = tpu.memref_slice %arg3[%dma_start3A_282, %dma_start3A_283] : memref<10000x128xf32, #tpu.memory_space<hbm>> -> memref<10000x128xf32, #tpu.memory_space<hbm>>
        tpu.enqueue_indirect_dma source(%dma_start3A_284 : memref<10000x128xf32, #tpu.memory_space<hbm>>) target(%dma_start3A_278 : memref<100x128xf32, #tpu.memory_space<vmem>>) offsets(%dma_start3A_281 : memref<100xi32, #tpu.memory_space<vmem>>) semaphore(%arg9 : memref<!tpu.dma_semaphore, #tpu.memory_space<semaphore_mem>>)
      } else {
      }
      %run_scoped3A_231 = arith.constant 1 : i32
      "tpu.region"() ({
        %run_scoped3A_257 = tpu.sem_alloc : memref<!tpu.dma_semaphore, #tpu.memory_space<semaphore_mem>>
        %dma_start3A_258 = arith.constant 0 : i32
        %dma_start3A_259 = arith.constant 0 : i32
        %dma_start3A_260 = tpu.memref_slice %arg7[%run_scoped3A_231, %dma_start3A_258, %dma_start3A_259] : memref<3x100x128xf32, #tpu.memory_space<vmem>> -> memref<1x100x128xf32, #tpu.memory_space<vmem>>
        %dma_start3A_261 = tpu.memref_squeeze %dma_start3A_260 : memref<1x100x128xf32, #tpu.memory_space<vmem>> -> memref<100x128xf32, #tpu.memory_space<vmem>>
        %dma_start3A_262 = arith.constant 0 : i32
        %dma_start3A_263 = tpu.memref_slice %arg6[%add3A_210, %dma_start3A_262] : memref<36x100xi32, #tpu.memory_space<vmem>> -> memref<1x100xi32, #tpu.memory_space<vmem>>
        %dma_start3A_264 = tpu.memref_squeeze %dma_start3A_263 : memref<1x100xi32, #tpu.memory_space<vmem>> -> memref<100xi32, #tpu.memory_space<vmem>>
        %dma_start3A_265 = arith.constant 0 : i32
        %dma_start3A_266 = arith.constant 0 : i32
        %dma_start3A_267 = tpu.memref_slice %arg8[%dma_start3A_265, %dma_start3A_266] : memref<10112x128xf32, #tpu.memory_space<vmem_shared>> -> memref<10112x128xf32, #tpu.memory_space<vmem_shared>>
        tpu.enqueue_indirect_dma source(%dma_start3A_261 : memref<100x128xf32, #tpu.memory_space<vmem>>) target(%dma_start3A_267 : memref<10112x128xf32, #tpu.memory_space<vmem_shared>>) offsets(%dma_start3A_264 : memref<100xi32, #tpu.memory_space<vmem>>) semaphore(%run_scoped3A_257 : memref<!tpu.dma_semaphore, #tpu.memory_space<semaphore_mem>>) {add = true}
        %dma_wait3A_268 = arith.constant 0 : i32
        %dma_wait3A_269 = arith.constant 0 : i32
        %dma_wait3A_270 = tpu.memref_slice %arg7[%run_scoped3A_231, %dma_wait3A_268, %dma_wait3A_269] : memref<3x100x128xf32, #tpu.memory_space<vmem>> -> memref<1x100x128xf32, #tpu.memory_space<vmem>>
        %dma_wait3A_271 = tpu.memref_squeeze %dma_wait3A_270 : memref<1x100x128xf32, #tpu.memory_space<vmem>> -> memref<100x128xf32, #tpu.memory_space<vmem>>
        %dma_wait3A_272 = arith.constant 0 : i32
        %dma_wait3A_273 = tpu.memref_slice %arg6[%add3A_210, %dma_wait3A_272] : memref<36x100xi32, #tpu.memory_space<vmem>> -> memref<1x100xi32, #tpu.memory_space<vmem>>
        %dma_wait3A_274 = tpu.memref_squeeze %dma_wait3A_273 : memref<1x100xi32, #tpu.memory_space<vmem>> -> memref<100xi32, #tpu.memory_space<vmem>>
        %dma_wait3A_275 = arith.constant 0 : i32
        %dma_wait3A_276 = arith.constant 0 : i32
        %dma_wait3A_277 = tpu.memref_slice %arg8[%dma_wait3A_275, %dma_wait3A_276] : memref<10112x128xf32, #tpu.memory_space<vmem_shared>> -> memref<10112x128xf32, #tpu.memory_space<vmem_shared>>
        tpu.wait_indirect_dma semaphore(%run_scoped3A_257 : memref<!tpu.dma_semaphore, #tpu.memory_space<semaphore_mem>>) src(%dma_wait3A_271 : memref<100x128xf32, #tpu.memory_space<vmem>>) dst(%dma_wait3A_277 : memref<10112x128xf32, #tpu.memory_space<vmem_shared>>)
        tpu.yield
      }) : () -> ()
      %mul3A_232 = arith.constant 3 : i32
      %mul3A_233 = arith.muli %mul3A_232, %scan3A_185 : i32
      %add3A_234 = arith.constant 2 : i32
      %add3A_235 = arith.addi %mul3A_233, %add3A_234 : i32
      %dma_wait3A_236 = arith.constant 2 : i32
      %dma_wait3A_237 = arith.constant 0 : i32
      %dma_wait3A_238 = arith.constant 0 : i32
      %dma_wait3A_239 = tpu.memref_slice %arg7[%dma_wait3A_236, %dma_wait3A_237, %dma_wait3A_238] : memref<3x100x128xf32, #tpu.memory_space<vmem>> -> memref<1x100x128xf32, #tpu.memory_space<vmem>>
      %dma_wait3A_240 = tpu.memref_squeeze %dma_wait3A_239 : memref<1x100x128xf32, #tpu.memory_space<vmem>> -> memref<100x128xf32, #tpu.memory_space<vmem>>
      %dma_wait3A_241 = arith.constant 0 : i32
      %dma_wait3A_242 = tpu.memref_slice %arg5[%add3A_235, %dma_wait3A_241] : memref<36x100xi32, #tpu.memory_space<vmem>> -> memref<1x100xi32, #tpu.memory_space<vmem>>
      %dma_wait3A_243 = tpu.memref_squeeze %dma_wait3A_242 : memref<1x100xi32, #tpu.memory_space<vmem>> -> memref<100xi32, #tpu.memory_space<vmem>>
      %dma_wait3A_244 = arith.constant 0 : i32
      %dma_wait3A_245 = arith.constant 0 : i32
      %dma_wait3A_246 = tpu.memref_slice %arg3[%dma_wait3A_244, %dma_wait3A_245] : memref<10000x128xf32, #tpu.memory_space<hbm>> -> memref<10000x128xf32, #tpu.memory_space<hbm>>
      tpu.wait_indirect_dma semaphore(%arg9 : memref<!tpu.dma_semaphore, #tpu.memory_space<semaphore_mem>>) src(%dma_wait3A_246 : memref<10000x128xf32, #tpu.memory_space<hbm>>) dst(%dma_wait3A_240 : memref<100x128xf32, #tpu.memory_space<vmem>>)
      %add3A_247 = arith.constant 3 : i32
      %add3A_248 = arith.addi %add3A_235, %add3A_247 : i32
      %sub3A_249 = arith.constant 1 : i32
      %sub3A_250 = arith.subi %add3A_248, %sub3A_249 : i32
      %lt3A_251 = arith.constant 32 : i32
      %lt3A_252 = arith.cmpi slt, %sub3A_250, %lt3A_251 : i32
      %convert_element_type3A_253 = arith.extui %lt3A_252 : i1 to i32
      %cond3A_254 = arith.constant 0 : i32
      %cond3A_255 = arith.cmpi ne, %convert_element_type3A_253, %cond3A_254 : i32
      scf.if %cond3A_255 {
        %add3A_257 = arith.constant 3 : i32
        %add3A_258 = arith.addi %add3A_235, %add3A_257 : i32
        %sub3A_259 = arith.constant 1 : i32
        %sub3A_260 = arith.subi %add3A_258, %sub3A_259 : i32
        %add3A_261 = arith.constant 3 : i32
        %add3A_262 = arith.addi %add3A_235, %add3A_261 : i32
        %sub3A_263 = arith.constant 1 : i32
        %sub3A_264 = arith.subi %add3A_262, %sub3A_263 : i32
        %jit3A = arith.constant 3 : i32
        %eq3A = arith.constant 0 : i32
        %eq3A_265 = arith.cmpi eq, %jit3A, %eq3A : i32
        %jit3A_266 = arith.constant 1 : i32
        %select_n3A = arith.select %eq3A_265, %jit3A_266, %jit3A : i32
        %rem3A = arith.remsi %sub3A_264, %select_n3A : i32
        %ne3A = arith.constant 0 : i32
        %ne3A_267 = arith.cmpi ne, %rem3A, %ne3A : i32
        %lt3A_268 = arith.constant 0 : i32
        %lt3A_269 = arith.cmpi slt, %rem3A, %lt3A_268 : i32
        %lt3A_270 = arith.constant 0 : i32
        %lt3A_271 = arith.cmpi slt, %select_n3A, %lt3A_270 : i32
        %ne3A_272 = arith.xori %lt3A_269, %lt3A_271 : i1
        %and3A = arith.andi %ne3A_272, %ne3A_267 : i1
        %add3A_273 = arith.addi %rem3A, %select_n3A : i32
        %select_n3A_274 = arith.select %and3A, %add3A_273, %rem3A : i32
        %dma_start3A_275 = arith.constant 0 : i32
        %dma_start3A_276 = arith.constant 0 : i32
        %dma_start3A_277 = tpu.memref_slice %arg7[%select_n3A_274, %dma_start3A_275, %dma_start3A_276] : memref<3x100x128xf32, #tpu.memory_space<vmem>> -> memref<1x100x128xf32, #tpu.memory_space<vmem>>
        %dma_start3A_278 = tpu.memref_squeeze %dma_start3A_277 : memref<1x100x128xf32, #tpu.memory_space<vmem>> -> memref<100x128xf32, #tpu.memory_space<vmem>>
        %dma_start3A_279 = arith.constant 0 : i32
        %dma_start3A_280 = tpu.memref_slice %arg5[%sub3A_260, %dma_start3A_279] : memref<36x100xi32, #tpu.memory_space<vmem>> -> memref<1x100xi32, #tpu.memory_space<vmem>>
        %dma_start3A_281 = tpu.memref_squeeze %dma_start3A_280 : memref<1x100xi32, #tpu.memory_space<vmem>> -> memref<100xi32, #tpu.memory_space<vmem>>
        %dma_start3A_282 = arith.constant 0 : i32
        %dma_start3A_283 = arith.constant 0 : i32
        %dma_start3A_284 = tpu.memref_slice %arg3[%dma_start3A_282, %dma_start3A_283] : memref<10000x128xf32, #tpu.memory_space<hbm>> -> memref<10000x128xf32, #tpu.memory_space<hbm>>
        tpu.enqueue_indirect_dma source(%dma_start3A_284 : memref<10000x128xf32, #tpu.memory_space<hbm>>) target(%dma_start3A_278 : memref<100x128xf32, #tpu.memory_space<vmem>>) offsets(%dma_start3A_281 : memref<100xi32, #tpu.memory_space<vmem>>) semaphore(%arg9 : memref<!tpu.dma_semaphore, #tpu.memory_space<semaphore_mem>>)
      } else {
      }
      %run_scoped3A_256 = arith.constant 2 : i32
      "tpu.region"() ({
        %run_scoped3A_257 = tpu.sem_alloc : memref<!tpu.dma_semaphore, #tpu.memory_space<semaphore_mem>>
        %dma_start3A_258 = arith.constant 0 : i32
        %dma_start3A_259 = arith.constant 0 : i32
        %dma_start3A_260 = tpu.memref_slice %arg7[%run_scoped3A_256, %dma_start3A_258, %dma_start3A_259] : memref<3x100x128xf32, #tpu.memory_space<vmem>> -> memref<1x100x128xf32, #tpu.memory_space<vmem>>
        %dma_start3A_261 = tpu.memref_squeeze %dma_start3A_260 : memref<1x100x128xf32, #tpu.memory_space<vmem>> -> memref<100x128xf32, #tpu.memory_space<vmem>>
        %dma_start3A_262 = arith.constant 0 : i32
        %dma_start3A_263 = tpu.memref_slice %arg6[%add3A_235, %dma_start3A_262] : memref<36x100xi32, #tpu.memory_space<vmem>> -> memref<1x100xi32, #tpu.memory_space<vmem>>
        %dma_start3A_264 = tpu.memref_squeeze %dma_start3A_263 : memref<1x100xi32, #tpu.memory_space<vmem>> -> memref<100xi32, #tpu.memory_space<vmem>>
        %dma_start3A_265 = arith.constant 0 : i32
        %dma_start3A_266 = arith.constant 0 : i32
        %dma_start3A_267 = tpu.memref_slice %arg8[%dma_start3A_265, %dma_start3A_266] : memref<10112x128xf32, #tpu.memory_space<vmem_shared>> -> memref<10112x128xf32, #tpu.memory_space<vmem_shared>>
        tpu.enqueue_indirect_dma source(%dma_start3A_261 : memref<100x128xf32, #tpu.memory_space<vmem>>) target(%dma_start3A_267 : memref<10112x128xf32, #tpu.memory_space<vmem_shared>>) offsets(%dma_start3A_264 : memref<100xi32, #tpu.memory_space<vmem>>) semaphore(%run_scoped3A_257 : memref<!tpu.dma_semaphore, #tpu.memory_space<semaphore_mem>>) {add = true}
        %dma_wait3A_268 = arith.constant 0 : i32
        %dma_wait3A_269 = arith.constant 0 : i32
        %dma_wait3A_270 = tpu.memref_slice %arg7[%run_scoped3A_256, %dma_wait3A_268, %dma_wait3A_269] : memref<3x100x128xf32, #tpu.memory_space<vmem>> -> memref<1x100x128xf32, #tpu.memory_space<vmem>>
        %dma_wait3A_271 = tpu.memref_squeeze %dma_wait3A_270 : memref<1x100x128xf32, #tpu.memory_space<vmem>> -> memref<100x128xf32, #tpu.memory_space<vmem>>
        %dma_wait3A_272 = arith.constant 0 : i32
        %dma_wait3A_273 = tpu.memref_slice %arg6[%add3A_235, %dma_wait3A_272] : memref<36x100xi32, #tpu.memory_space<vmem>> -> memref<1x100xi32, #tpu.memory_space<vmem>>
        %dma_wait3A_274 = tpu.memref_squeeze %dma_wait3A_273 : memref<1x100xi32, #tpu.memory_space<vmem>> -> memref<100xi32, #tpu.memory_space<vmem>>
        %dma_wait3A_275 = arith.constant 0 : i32
        %dma_wait3A_276 = arith.constant 0 : i32
        %dma_wait3A_277 = tpu.memref_slice %arg8[%dma_wait3A_275, %dma_wait3A_276] : memref<10112x128xf32, #tpu.memory_space<vmem_shared>> -> memref<10112x128xf32, #tpu.memory_space<vmem_shared>>
        tpu.wait_indirect_dma semaphore(%run_scoped3A_257 : memref<!tpu.dma_semaphore, #tpu.memory_space<semaphore_mem>>) src(%dma_wait3A_271 : memref<100x128xf32, #tpu.memory_space<vmem>>) dst(%dma_wait3A_277 : memref<10112x128xf32, #tpu.memory_space<vmem_shared>>)
        tpu.yield
      }) : () -> ()
    }
    %scan3A_119 = arith.constant 10 : i32
    %dma_wait3A_120 = arith.constant 30 : i32
    %dma_wait3A_121 = arith.constant 0 : i32
    %dma_wait3A_122 = arith.constant 0 : i32
    %dma_wait3A_123 = arith.constant 0 : i32
    %dma_wait3A_124 = tpu.memref_slice %arg7[%dma_wait3A_121, %dma_wait3A_122, %dma_wait3A_123] : memref<3x100x128xf32, #tpu.memory_space<vmem>> -> memref<1x100x128xf32, #tpu.memory_space<vmem>>
    %dma_wait3A_125 = tpu.memref_squeeze %dma_wait3A_124 : memref<1x100x128xf32, #tpu.memory_space<vmem>> -> memref<100x128xf32, #tpu.memory_space<vmem>>
    %dma_wait3A_126 = arith.constant 0 : i32
    %dma_wait3A_127 = tpu.memref_slice %arg5[%dma_wait3A_120, %dma_wait3A_126] : memref<36x100xi32, #tpu.memory_space<vmem>> -> memref<1x100xi32, #tpu.memory_space<vmem>>
    %dma_wait3A_128 = tpu.memref_squeeze %dma_wait3A_127 : memref<1x100xi32, #tpu.memory_space<vmem>> -> memref<100xi32, #tpu.memory_space<vmem>>
    %dma_wait3A_129 = arith.constant 0 : i32
    %dma_wait3A_130 = arith.constant 0 : i32
    %dma_wait3A_131 = tpu.memref_slice %arg3[%dma_wait3A_129, %dma_wait3A_130] : memref<10000x128xf32, #tpu.memory_space<hbm>> -> memref<10000x128xf32, #tpu.memory_space<hbm>>
    tpu.wait_indirect_dma semaphore(%arg9 : memref<!tpu.dma_semaphore, #tpu.memory_space<semaphore_mem>>) src(%dma_wait3A_131 : memref<10000x128xf32, #tpu.memory_space<hbm>>) dst(%dma_wait3A_125 : memref<100x128xf32, #tpu.memory_space<vmem>>)
    %run_scoped3A_132 = arith.constant 0 : i32
    %run_scoped3A_133 = arith.constant 30 : i32
    "tpu.region"() ({
      %run_scoped3A_185 = tpu.sem_alloc : memref<!tpu.dma_semaphore, #tpu.memory_space<semaphore_mem>>
      %dma_start3A_186 = arith.constant 0 : i32
      %dma_start3A_187 = arith.constant 0 : i32
      %dma_start3A_188 = tpu.memref_slice %arg7[%run_scoped3A_132, %dma_start3A_186, %dma_start3A_187] : memref<3x100x128xf32, #tpu.memory_space<vmem>> -> memref<1x100x128xf32, #tpu.memory_space<vmem>>
      %dma_start3A_189 = tpu.memref_squeeze %dma_start3A_188 : memref<1x100x128xf32, #tpu.memory_space<vmem>> -> memref<100x128xf32, #tpu.memory_space<vmem>>
      %dma_start3A_190 = arith.constant 0 : i32
      %dma_start3A_191 = tpu.memref_slice %arg6[%run_scoped3A_133, %dma_start3A_190] : memref<36x100xi32, #tpu.memory_space<vmem>> -> memref<1x100xi32, #tpu.memory_space<vmem>>
      %dma_start3A_192 = tpu.memref_squeeze %dma_start3A_191 : memref<1x100xi32, #tpu.memory_space<vmem>> -> memref<100xi32, #tpu.memory_space<vmem>>
      %dma_start3A_193 = arith.constant 0 : i32
      %dma_start3A_194 = arith.constant 0 : i32
      %dma_start3A_195 = tpu.memref_slice %arg8[%dma_start3A_193, %dma_start3A_194] : memref<10112x128xf32, #tpu.memory_space<vmem_shared>> -> memref<10112x128xf32, #tpu.memory_space<vmem_shared>>
      tpu.enqueue_indirect_dma source(%dma_start3A_189 : memref<100x128xf32, #tpu.memory_space<vmem>>) target(%dma_start3A_195 : memref<10112x128xf32, #tpu.memory_space<vmem_shared>>) offsets(%dma_start3A_192 : memref<100xi32, #tpu.memory_space<vmem>>) semaphore(%run_scoped3A_185 : memref<!tpu.dma_semaphore, #tpu.memory_space<semaphore_mem>>) {add = true}
      %dma_wait3A_196 = arith.constant 0 : i32
      %dma_wait3A_197 = arith.constant 0 : i32
      %dma_wait3A_198 = tpu.memref_slice %arg7[%run_scoped3A_132, %dma_wait3A_196, %dma_wait3A_197] : memref<3x100x128xf32, #tpu.memory_space<vmem>> -> memref<1x100x128xf32, #tpu.memory_space<vmem>>
      %dma_wait3A_199 = tpu.memref_squeeze %dma_wait3A_198 : memref<1x100x128xf32, #tpu.memory_space<vmem>> -> memref<100x128xf32, #tpu.memory_space<vmem>>
      %dma_wait3A_200 = arith.constant 0 : i32
      %dma_wait3A_201 = tpu.memref_slice %arg6[%run_scoped3A_133, %dma_wait3A_200] : memref<36x100xi32, #tpu.memory_space<vmem>> -> memref<1x100xi32, #tpu.memory_space<vmem>>
      %dma_wait3A_202 = tpu.memref_squeeze %dma_wait3A_201 : memref<1x100xi32, #tpu.memory_space<vmem>> -> memref<100xi32, #tpu.memory_space<vmem>>
      %dma_wait3A_203 = arith.constant 0 : i32
      %dma_wait3A_204 = arith.constant 0 : i32
      %dma_wait3A_205 = tpu.memref_slice %arg8[%dma_wait3A_203, %dma_wait3A_204] : memref<10112x128xf32, #tpu.memory_space<vmem_shared>> -> memref<10112x128xf32, #tpu.memory_space<vmem_shared>>
      tpu.wait_indirect_dma semaphore(%run_scoped3A_185 : memref<!tpu.dma_semaphore, #tpu.memory_space<semaphore_mem>>) src(%dma_wait3A_199 : memref<100x128xf32, #tpu.memory_space<vmem>>) dst(%dma_wait3A_205 : memref<10112x128xf32, #tpu.memory_space<vmem_shared>>)
      tpu.yield
    }) : () -> ()
    %dma_wait3A_134 = arith.constant 31 : i32
    %dma_wait3A_135 = arith.constant 1 : i32
    %dma_wait3A_136 = arith.constant 0 : i32
    %dma_wait3A_137 = arith.constant 0 : i32
    %dma_wait3A_138 = tpu.memref_slice %arg7[%dma_wait3A_135, %dma_wait3A_136, %dma_wait3A_137] : memref<3x100x128xf32, #tpu.memory_space<vmem>> -> memref<1x100x128xf32, #tpu.memory_space<vmem>>
    %dma_wait3A_139 = tpu.memref_squeeze %dma_wait3A_138 : memref<1x100x128xf32, #tpu.memory_space<vmem>> -> memref<100x128xf32, #tpu.memory_space<vmem>>
    %dma_wait3A_140 = arith.constant 0 : i32
    %dma_wait3A_141 = tpu.memref_slice %arg5[%dma_wait3A_134, %dma_wait3A_140] : memref<36x100xi32, #tpu.memory_space<vmem>> -> memref<1x100xi32, #tpu.memory_space<vmem>>
    %dma_wait3A_142 = tpu.memref_squeeze %dma_wait3A_141 : memref<1x100xi32, #tpu.memory_space<vmem>> -> memref<100xi32, #tpu.memory_space<vmem>>
    %dma_wait3A_143 = arith.constant 0 : i32
    %dma_wait3A_144 = arith.constant 0 : i32
    %dma_wait3A_145 = tpu.memref_slice %arg3[%dma_wait3A_143, %dma_wait3A_144] : memref<10000x128xf32, #tpu.memory_space<hbm>> -> memref<10000x128xf32, #tpu.memory_space<hbm>>
    tpu.wait_indirect_dma semaphore(%arg9 : memref<!tpu.dma_semaphore, #tpu.memory_space<semaphore_mem>>) src(%dma_wait3A_145 : memref<10000x128xf32, #tpu.memory_space<hbm>>) dst(%dma_wait3A_139 : memref<100x128xf32, #tpu.memory_space<vmem>>)
    %run_scoped3A_146 = arith.constant 1 : i32
    %run_scoped3A_147 = arith.constant 31 : i32
    "tpu.region"() ({
      %run_scoped3A_185 = tpu.sem_alloc : memref<!tpu.dma_semaphore, #tpu.memory_space<semaphore_mem>>
      %dma_start3A_186 = arith.constant 0 : i32
      %dma_start3A_187 = arith.constant 0 : i32
      %dma_start3A_188 = tpu.memref_slice %arg7[%run_scoped3A_146, %dma_start3A_186, %dma_start3A_187] : memref<3x100x128xf32, #tpu.memory_space<vmem>> -> memref<1x100x128xf32, #tpu.memory_space<vmem>>
      %dma_start3A_189 = tpu.memref_squeeze %dma_start3A_188 : memref<1x100x128xf32, #tpu.memory_space<vmem>> -> memref<100x128xf32, #tpu.memory_space<vmem>>
      %dma_start3A_190 = arith.constant 0 : i32
      %dma_start3A_191 = tpu.memref_slice %arg6[%run_scoped3A_147, %dma_start3A_190] : memref<36x100xi32, #tpu.memory_space<vmem>> -> memref<1x100xi32, #tpu.memory_space<vmem>>
      %dma_start3A_192 = tpu.memref_squeeze %dma_start3A_191 : memref<1x100xi32, #tpu.memory_space<vmem>> -> memref<100xi32, #tpu.memory_space<vmem>>
      %dma_start3A_193 = arith.constant 0 : i32
      %dma_start3A_194 = arith.constant 0 : i32
      %dma_start3A_195 = tpu.memref_slice %arg8[%dma_start3A_193, %dma_start3A_194] : memref<10112x128xf32, #tpu.memory_space<vmem_shared>> -> memref<10112x128xf32, #tpu.memory_space<vmem_shared>>
      tpu.enqueue_indirect_dma source(%dma_start3A_189 : memref<100x128xf32, #tpu.memory_space<vmem>>) target(%dma_start3A_195 : memref<10112x128xf32, #tpu.memory_space<vmem_shared>>) offsets(%dma_start3A_192 : memref<100xi32, #tpu.memory_space<vmem>>) semaphore(%run_scoped3A_185 : memref<!tpu.dma_semaphore, #tpu.memory_space<semaphore_mem>>) {add = true}
      %dma_wait3A_196 = arith.constant 0 : i32
      %dma_wait3A_197 = arith.constant 0 : i32
      %dma_wait3A_198 = tpu.memref_slice %arg7[%run_scoped3A_146, %dma_wait3A_196, %dma_wait3A_197] : memref<3x100x128xf32, #tpu.memory_space<vmem>> -> memref<1x100x128xf32, #tpu.memory_space<vmem>>
      %dma_wait3A_199 = tpu.memref_squeeze %dma_wait3A_198 : memref<1x100x128xf32, #tpu.memory_space<vmem>> -> memref<100x128xf32, #tpu.memory_space<vmem>>
      %dma_wait3A_200 = arith.constant 0 : i32
      %dma_wait3A_201 = tpu.memref_slice %arg6[%run_scoped3A_147, %dma_wait3A_200] : memref<36x100xi32, #tpu.memory_space<vmem>> -> memref<1x100xi32, #tpu.memory_space<vmem>>
      %dma_wait3A_202 = tpu.memref_squeeze %dma_wait3A_201 : memref<1x100xi32, #tpu.memory_space<vmem>> -> memref<100xi32, #tpu.memory_space<vmem>>
      %dma_wait3A_203 = arith.constant 0 : i32
      %dma_wait3A_204 = arith.constant 0 : i32
      %dma_wait3A_205 = tpu.memref_slice %arg8[%dma_wait3A_203, %dma_wait3A_204] : memref<10112x128xf32, #tpu.memory_space<vmem_shared>> -> memref<10112x128xf32, #tpu.memory_space<vmem_shared>>
      tpu.wait_indirect_dma semaphore(%run_scoped3A_185 : memref<!tpu.dma_semaphore, #tpu.memory_space<semaphore_mem>>) src(%dma_wait3A_199 : memref<100x128xf32, #tpu.memory_space<vmem>>) dst(%dma_wait3A_205 : memref<10112x128xf32, #tpu.memory_space<vmem_shared>>)
      tpu.yield
    }) : () -> ()
    %run_scoped3A_148 = arith.constant 0 : i32
    "tpu.region"() ({
      %run_scoped3A_185 = tpu.sem_alloc : memref<!tpu.dma_semaphore, #tpu.memory_space<semaphore_mem>>
      %dma_start3A_186 = arith.constant 0 : i32
      %dma_start3A_187 = arith.constant 0 : i32
      %dma_start3A_188 = tpu.memref_slice %arg5[%dma_start3A_186, %dma_start3A_187] : memref<36x100xi32, #tpu.memory_space<vmem>> -> memref<36x100xi32, #tpu.memory_space<vmem>>
      %dma_start3A_189 = arith.constant 64 : i32
      %dma_start3A_190 = arith.constant 0 : i32
      %dma_start3A_191 = tpu.memref_slice %arg2[%run_scoped3A_148, %add3A, %dma_start3A_189, %dma_start3A_190] : memref<2x32x100x100xi32, #tpu.memory_space<hbm>> -> memref<1x1x36x100xi32, #tpu.memory_space<hbm>>
      %dma_start3A_192 = tpu.memref_squeeze %dma_start3A_191 : memref<1x1x36x100xi32, #tpu.memory_space<hbm>> -> memref<36x100xi32, #tpu.memory_space<hbm>>
      %dma_start3A_193 = arith.constant 0 : i32
      %dma_start3A_194 = arith.constant 0 : i32
      %dma_start3A_195 = tpu.memref_slice %arg5[%dma_start3A_193, %dma_start3A_194] : memref<36x100xi32, #tpu.memory_space<vmem>> -> memref<36x100xi32, #tpu.memory_space<vmem>>
      %dma_start3A_196 = arith.constant 64 : i32
      %dma_start3A_197 = arith.constant 0 : i32
      %dma_start3A_198 = tpu.memref_slice %arg2[%run_scoped3A_148, %add3A, %dma_start3A_196, %dma_start3A_197] : memref<2x32x100x100xi32, #tpu.memory_space<hbm>> -> memref<1x1x36x100xi32, #tpu.memory_space<hbm>>
      %dma_start3A_199 = tpu.memref_squeeze %dma_start3A_198 : memref<1x1x36x100xi32, #tpu.memory_space<hbm>> -> memref<36x100xi32, #tpu.memory_space<hbm>>
      tpu.enqueue_dma source(%dma_start3A_199 : memref<36x100xi32, #tpu.memory_space<hbm>>) target(%dma_start3A_195 : memref<36x100xi32, #tpu.memory_space<vmem>>) target_semaphore(%run_scoped3A_185 : memref<!tpu.dma_semaphore, #tpu.memory_space<semaphore_mem>>)
      %dma_wait3A_200 = arith.constant 0 : i32
      %dma_wait3A_201 = arith.constant 0 : i32
      %dma_wait3A_202 = tpu.memref_slice %arg5[%dma_wait3A_200, %dma_wait3A_201] : memref<36x100xi32, #tpu.memory_space<vmem>> -> memref<36x100xi32, #tpu.memory_space<vmem>>
      %dma_wait3A_203 = arith.constant 64 : i32
      %dma_wait3A_204 = arith.constant 0 : i32
      %dma_wait3A_205 = tpu.memref_slice %arg2[%run_scoped3A_148, %add3A, %dma_wait3A_203, %dma_wait3A_204] : memref<2x32x100x100xi32, #tpu.memory_space<hbm>> -> memref<1x1x36x100xi32, #tpu.memory_space<hbm>>
      %dma_wait3A_206 = tpu.memref_squeeze %dma_wait3A_205 : memref<1x1x36x100xi32, #tpu.memory_space<hbm>> -> memref<36x100xi32, #tpu.memory_space<hbm>>
      %dma_wait3A_207 = arith.constant 0 : i32
      %dma_wait3A_208 = arith.constant 0 : i32
      %dma_wait3A_209 = tpu.memref_slice %arg5[%dma_wait3A_207, %dma_wait3A_208] : memref<36x100xi32, #tpu.memory_space<vmem>> -> memref<36x100xi32, #tpu.memory_space<vmem>>
      %dma_wait3A_210 = arith.constant 64 : i32
      %dma_wait3A_211 = arith.constant 0 : i32
      %dma_wait3A_212 = tpu.memref_slice %arg2[%run_scoped3A_148, %add3A, %dma_wait3A_210, %dma_wait3A_211] : memref<2x32x100x100xi32, #tpu.memory_space<hbm>> -> memref<1x1x36x100xi32, #tpu.memory_space<hbm>>
      %dma_wait3A_213 = tpu.memref_squeeze %dma_wait3A_212 : memref<1x1x36x100xi32, #tpu.memory_space<hbm>> -> memref<36x100xi32, #tpu.memory_space<hbm>>
      tpu.wait_dma2 semaphore(%run_scoped3A_185 : memref<!tpu.dma_semaphore, #tpu.memory_space<semaphore_mem>>) src(%dma_wait3A_213 : memref<36x100xi32, #tpu.memory_space<hbm>>) dst(%dma_wait3A_209 : memref<36x100xi32, #tpu.memory_space<vmem>>)
      tpu.yield
    }) : () -> ()
    %run_scoped3A_149 = arith.constant 1 : i32
    "tpu.region"() ({
      %run_scoped3A_185 = tpu.sem_alloc : memref<!tpu.dma_semaphore, #tpu.memory_space<semaphore_mem>>
      %dma_start3A_186 = arith.constant 0 : i32
      %dma_start3A_187 = arith.constant 0 : i32
      %dma_start3A_188 = tpu.memref_slice %arg6[%dma_start3A_186, %dma_start3A_187] : memref<36x100xi32, #tpu.memory_space<vmem>> -> memref<36x100xi32, #tpu.memory_space<vmem>>
      %dma_start3A_189 = arith.constant 64 : i32
      %dma_start3A_190 = arith.constant 0 : i32
      %dma_start3A_191 = tpu.memref_slice %arg2[%run_scoped3A_149, %add3A, %dma_start3A_189, %dma_start3A_190] : memref<2x32x100x100xi32, #tpu.memory_space<hbm>> -> memref<1x1x36x100xi32, #tpu.memory_space<hbm>>
      %dma_start3A_192 = tpu.memref_squeeze %dma_start3A_191 : memref<1x1x36x100xi32, #tpu.memory_space<hbm>> -> memref<36x100xi32, #tpu.memory_space<hbm>>
      %dma_start3A_193 = arith.constant 0 : i32
      %dma_start3A_194 = arith.constant 0 : i32
      %dma_start3A_195 = tpu.memref_slice %arg6[%dma_start3A_193, %dma_start3A_194] : memref<36x100xi32, #tpu.memory_space<vmem>> -> memref<36x100xi32, #tpu.memory_space<vmem>>
      %dma_start3A_196 = arith.constant 64 : i32
      %dma_start3A_197 = arith.constant 0 : i32
      %dma_start3A_198 = tpu.memref_slice %arg2[%run_scoped3A_149, %add3A, %dma_start3A_196, %dma_start3A_197] : memref<2x32x100x100xi32, #tpu.memory_space<hbm>> -> memref<1x1x36x100xi32, #tpu.memory_space<hbm>>
      %dma_start3A_199 = tpu.memref_squeeze %dma_start3A_198 : memref<1x1x36x100xi32, #tpu.memory_space<hbm>> -> memref<36x100xi32, #tpu.memory_space<hbm>>
      tpu.enqueue_dma source(%dma_start3A_199 : memref<36x100xi32, #tpu.memory_space<hbm>>) target(%dma_start3A_195 : memref<36x100xi32, #tpu.memory_space<vmem>>) target_semaphore(%run_scoped3A_185 : memref<!tpu.dma_semaphore, #tpu.memory_space<semaphore_mem>>)
      %dma_wait3A_200 = arith.constant 0 : i32
      %dma_wait3A_201 = arith.constant 0 : i32
      %dma_wait3A_202 = tpu.memref_slice %arg6[%dma_wait3A_200, %dma_wait3A_201] : memref<36x100xi32, #tpu.memory_space<vmem>> -> memref<36x100xi32, #tpu.memory_space<vmem>>
      %dma_wait3A_203 = arith.constant 64 : i32
      %dma_wait3A_204 = arith.constant 0 : i32
      %dma_wait3A_205 = tpu.memref_slice %arg2[%run_scoped3A_149, %add3A, %dma_wait3A_203, %dma_wait3A_204] : memref<2x32x100x100xi32, #tpu.memory_space<hbm>> -> memref<1x1x36x100xi32, #tpu.memory_space<hbm>>
      %dma_wait3A_206 = tpu.memref_squeeze %dma_wait3A_205 : memref<1x1x36x100xi32, #tpu.memory_space<hbm>> -> memref<36x100xi32, #tpu.memory_space<hbm>>
      %dma_wait3A_207 = arith.constant 0 : i32
      %dma_wait3A_208 = arith.constant 0 : i32
      %dma_wait3A_209 = tpu.memref_slice %arg6[%dma_wait3A_207, %dma_wait3A_208] : memref<36x100xi32, #tpu.memory_space<vmem>> -> memref<36x100xi32, #tpu.memory_space<vmem>>
      %dma_wait3A_210 = arith.constant 64 : i32
      %dma_wait3A_211 = arith.constant 0 : i32
      %dma_wait3A_212 = tpu.memref_slice %arg2[%run_scoped3A_149, %add3A, %dma_wait3A_210, %dma_wait3A_211] : memref<2x32x100x100xi32, #tpu.memory_space<hbm>> -> memref<1x1x36x100xi32, #tpu.memory_space<hbm>>
      %dma_wait3A_213 = tpu.memref_squeeze %dma_wait3A_212 : memref<1x1x36x100xi32, #tpu.memory_space<hbm>> -> memref<36x100xi32, #tpu.memory_space<hbm>>
      tpu.wait_dma2 semaphore(%run_scoped3A_185 : memref<!tpu.dma_semaphore, #tpu.memory_space<semaphore_mem>>) src(%dma_wait3A_213 : memref<36x100xi32, #tpu.memory_space<hbm>>) dst(%dma_wait3A_209 : memref<36x100xi32, #tpu.memory_space<vmem>>)
      tpu.yield
    }) : () -> ()
    %dma_start3A_150 = arith.constant 0 : i32
    %dma_start3A_151 = arith.constant 0 : i32
    %dma_start3A_152 = arith.constant 0 : i32
    %dma_start3A_153 = arith.constant 0 : i32
    %dma_start3A_154 = tpu.memref_slice %arg7[%dma_start3A_151, %dma_start3A_152, %dma_start3A_153] : memref<3x100x128xf32, #tpu.memory_space<vmem>> -> memref<1x100x128xf32, #tpu.memory_space<vmem>>
    %dma_start3A_155 = tpu.memref_squeeze %dma_start3A_154 : memref<1x100x128xf32, #tpu.memory_space<vmem>> -> memref<100x128xf32, #tpu.memory_space<vmem>>
    %dma_start3A_156 = arith.constant 0 : i32
    %dma_start3A_157 = tpu.memref_slice %arg5[%dma_start3A_150, %dma_start3A_156] : memref<36x100xi32, #tpu.memory_space<vmem>> -> memref<1x100xi32, #tpu.memory_space<vmem>>
    %dma_start3A_158 = tpu.memref_squeeze %dma_start3A_157 : memref<1x100xi32, #tpu.memory_space<vmem>> -> memref<100xi32, #tpu.memory_space<vmem>>
    %dma_start3A_159 = arith.constant 0 : i32
    %dma_start3A_160 = arith.constant 0 : i32
    %dma_start3A_161 = tpu.memref_slice %arg3[%dma_start3A_159, %dma_start3A_160] : memref<10000x128xf32, #tpu.memory_space<hbm>> -> memref<10000x128xf32, #tpu.memory_space<hbm>>
    tpu.enqueue_indirect_dma source(%dma_start3A_161 : memref<10000x128xf32, #tpu.memory_space<hbm>>) target(%dma_start3A_155 : memref<100x128xf32, #tpu.memory_space<vmem>>) offsets(%dma_start3A_158 : memref<100xi32, #tpu.memory_space<vmem>>) semaphore(%arg9 : memref<!tpu.dma_semaphore, #tpu.memory_space<semaphore_mem>>)
    %dma_start3A_162 = arith.constant 1 : i32
    %dma_start3A_163 = arith.constant 1 : i32
    %dma_start3A_164 = arith.constant 0 : i32
    %dma_start3A_165 = arith.constant 0 : i32
    %dma_start3A_166 = tpu.memref_slice %arg7[%dma_start3A_163, %dma_start3A_164, %dma_start3A_165] : memref<3x100x128xf32, #tpu.memory_space<vmem>> -> memref<1x100x128xf32, #tpu.memory_space<vmem>>
    %dma_start3A_167 = tpu.memref_squeeze %dma_start3A_166 : memref<1x100x128xf32, #tpu.memory_space<vmem>> -> memref<100x128xf32, #tpu.memory_space<vmem>>
    %dma_start3A_168 = arith.constant 0 : i32
    %dma_start3A_169 = tpu.memref_slice %arg5[%dma_start3A_162, %dma_start3A_168] : memref<36x100xi32, #tpu.memory_space<vmem>> -> memref<1x100xi32, #tpu.memory_space<vmem>>
    %dma_start3A_170 = tpu.memref_squeeze %dma_start3A_169 : memref<1x100xi32, #tpu.memory_space<vmem>> -> memref<100xi32, #tpu.memory_space<vmem>>
    %dma_start3A_171 = arith.constant 0 : i32
    %dma_start3A_172 = arith.constant 0 : i32
    %dma_start3A_173 = tpu.memref_slice %arg3[%dma_start3A_171, %dma_start3A_172] : memref<10000x128xf32, #tpu.memory_space<hbm>> -> memref<10000x128xf32, #tpu.memory_space<hbm>>
    tpu.enqueue_indirect_dma source(%dma_start3A_173 : memref<10000x128xf32, #tpu.memory_space<hbm>>) target(%dma_start3A_167 : memref<100x128xf32, #tpu.memory_space<vmem>>) offsets(%dma_start3A_170 : memref<100xi32, #tpu.memory_space<vmem>>) semaphore(%arg9 : memref<!tpu.dma_semaphore, #tpu.memory_space<semaphore_mem>>)
    %scan3A_174 = arith.constant 0 : i32
    %scan3A_175 = arith.constant 0 : i32
    %scan3A_176 = arith.constant 12 : i32
    %scan3A_177 = arith.addi %scan3A_175, %scan3A_176 : i32
    %scan3A_178 = arith.constant 1 : i32
    scf.for %scan3A_185 = %scan3A_175 to %scan3A_177 step %scan3A_178  : i32 {
      %mul3A_186 = arith.constant 3 : i32
      %mul3A_187 = arith.muli %mul3A_186, %scan3A_185 : i32
      %add3A_188 = arith.constant 0 : i32
      %add3A_189 = arith.addi %mul3A_187, %add3A_188 : i32
      %dma_wait3A_190 = arith.constant 0 : i32
      %dma_wait3A_191 = arith.constant 0 : i32
      %dma_wait3A_192 = arith.constant 0 : i32
      %dma_wait3A_193 = tpu.memref_slice %arg7[%dma_wait3A_190, %dma_wait3A_191, %dma_wait3A_192] : memref<3x100x128xf32, #tpu.memory_space<vmem>> -> memref<1x100x128xf32, #tpu.memory_space<vmem>>
      %dma_wait3A_194 = tpu.memref_squeeze %dma_wait3A_193 : memref<1x100x128xf32, #tpu.memory_space<vmem>> -> memref<100x128xf32, #tpu.memory_space<vmem>>
      %dma_wait3A_195 = arith.constant 0 : i32
      %dma_wait3A_196 = tpu.memref_slice %arg5[%add3A_189, %dma_wait3A_195] : memref<36x100xi32, #tpu.memory_space<vmem>> -> memref<1x100xi32, #tpu.memory_space<vmem>>
      %dma_wait3A_197 = tpu.memref_squeeze %dma_wait3A_196 : memref<1x100xi32, #tpu.memory_space<vmem>> -> memref<100xi32, #tpu.memory_space<vmem>>
      %dma_wait3A_198 = arith.constant 0 : i32
      %dma_wait3A_199 = arith.constant 0 : i32
      %dma_wait3A_200 = tpu.memref_slice %arg3[%dma_wait3A_198, %dma_wait3A_199] : memref<10000x128xf32, #tpu.memory_space<hbm>> -> memref<10000x128xf32, #tpu.memory_space<hbm>>
      tpu.wait_indirect_dma semaphore(%arg9 : memref<!tpu.dma_semaphore, #tpu.memory_space<semaphore_mem>>) src(%dma_wait3A_200 : memref<10000x128xf32, #tpu.memory_space<hbm>>) dst(%dma_wait3A_194 : memref<100x128xf32, #tpu.memory_space<vmem>>)
      %add3A_201 = arith.constant 3 : i32
      %add3A_202 = arith.addi %add3A_189, %add3A_201 : i32
      %sub3A = arith.constant 1 : i32
      %sub3A_203 = arith.subi %add3A_202, %sub3A : i32
      %lt3A = arith.constant 36 : i32
      %lt3A_204 = arith.cmpi slt, %sub3A_203, %lt3A : i32
      %convert_element_type3A = arith.extui %lt3A_204 : i1 to i32
      %cond3A = arith.constant 0 : i32
      %cond3A_205 = arith.cmpi ne, %convert_element_type3A, %cond3A : i32
      scf.if %cond3A_205 {
        %add3A_257 = arith.constant 3 : i32
        %add3A_258 = arith.addi %add3A_189, %add3A_257 : i32
        %sub3A_259 = arith.constant 1 : i32
        %sub3A_260 = arith.subi %add3A_258, %sub3A_259 : i32
        %add3A_261 = arith.constant 3 : i32
        %add3A_262 = arith.addi %add3A_189, %add3A_261 : i32
        %sub3A_263 = arith.constant 1 : i32
        %sub3A_264 = arith.subi %add3A_262, %sub3A_263 : i32
        %jit3A = arith.constant 3 : i32
        %eq3A = arith.constant 0 : i32
        %eq3A_265 = arith.cmpi eq, %jit3A, %eq3A : i32
        %jit3A_266 = arith.constant 1 : i32
        %select_n3A = arith.select %eq3A_265, %jit3A_266, %jit3A : i32
        %rem3A = arith.remsi %sub3A_264, %select_n3A : i32
        %ne3A = arith.constant 0 : i32
        %ne3A_267 = arith.cmpi ne, %rem3A, %ne3A : i32
        %lt3A_268 = arith.constant 0 : i32
        %lt3A_269 = arith.cmpi slt, %rem3A, %lt3A_268 : i32
        %lt3A_270 = arith.constant 0 : i32
        %lt3A_271 = arith.cmpi slt, %select_n3A, %lt3A_270 : i32
        %ne3A_272 = arith.xori %lt3A_269, %lt3A_271 : i1
        %and3A = arith.andi %ne3A_272, %ne3A_267 : i1
        %add3A_273 = arith.addi %rem3A, %select_n3A : i32
        %select_n3A_274 = arith.select %and3A, %add3A_273, %rem3A : i32
        %dma_start3A_275 = arith.constant 0 : i32
        %dma_start3A_276 = arith.constant 0 : i32
        %dma_start3A_277 = tpu.memref_slice %arg7[%select_n3A_274, %dma_start3A_275, %dma_start3A_276] : memref<3x100x128xf32, #tpu.memory_space<vmem>> -> memref<1x100x128xf32, #tpu.memory_space<vmem>>
        %dma_start3A_278 = tpu.memref_squeeze %dma_start3A_277 : memref<1x100x128xf32, #tpu.memory_space<vmem>> -> memref<100x128xf32, #tpu.memory_space<vmem>>
        %dma_start3A_279 = arith.constant 0 : i32
        %dma_start3A_280 = tpu.memref_slice %arg5[%sub3A_260, %dma_start3A_279] : memref<36x100xi32, #tpu.memory_space<vmem>> -> memref<1x100xi32, #tpu.memory_space<vmem>>
        %dma_start3A_281 = tpu.memref_squeeze %dma_start3A_280 : memref<1x100xi32, #tpu.memory_space<vmem>> -> memref<100xi32, #tpu.memory_space<vmem>>
        %dma_start3A_282 = arith.constant 0 : i32
        %dma_start3A_283 = arith.constant 0 : i32
        %dma_start3A_284 = tpu.memref_slice %arg3[%dma_start3A_282, %dma_start3A_283] : memref<10000x128xf32, #tpu.memory_space<hbm>> -> memref<10000x128xf32, #tpu.memory_space<hbm>>
        tpu.enqueue_indirect_dma source(%dma_start3A_284 : memref<10000x128xf32, #tpu.memory_space<hbm>>) target(%dma_start3A_278 : memref<100x128xf32, #tpu.memory_space<vmem>>) offsets(%dma_start3A_281 : memref<100xi32, #tpu.memory_space<vmem>>) semaphore(%arg9 : memref<!tpu.dma_semaphore, #tpu.memory_space<semaphore_mem>>)
      } else {
      }
      %run_scoped3A_206 = arith.constant 0 : i32
      "tpu.region"() ({
        %run_scoped3A_257 = tpu.sem_alloc : memref<!tpu.dma_semaphore, #tpu.memory_space<semaphore_mem>>
        %dma_start3A_258 = arith.constant 0 : i32
        %dma_start3A_259 = arith.constant 0 : i32
        %dma_start3A_260 = tpu.memref_slice %arg7[%run_scoped3A_206, %dma_start3A_258, %dma_start3A_259] : memref<3x100x128xf32, #tpu.memory_space<vmem>> -> memref<1x100x128xf32, #tpu.memory_space<vmem>>
        %dma_start3A_261 = tpu.memref_squeeze %dma_start3A_260 : memref<1x100x128xf32, #tpu.memory_space<vmem>> -> memref<100x128xf32, #tpu.memory_space<vmem>>
        %dma_start3A_262 = arith.constant 0 : i32
        %dma_start3A_263 = tpu.memref_slice %arg6[%add3A_189, %dma_start3A_262] : memref<36x100xi32, #tpu.memory_space<vmem>> -> memref<1x100xi32, #tpu.memory_space<vmem>>
        %dma_start3A_264 = tpu.memref_squeeze %dma_start3A_263 : memref<1x100xi32, #tpu.memory_space<vmem>> -> memref<100xi32, #tpu.memory_space<vmem>>
        %dma_start3A_265 = arith.constant 0 : i32
        %dma_start3A_266 = arith.constant 0 : i32
        %dma_start3A_267 = tpu.memref_slice %arg8[%dma_start3A_265, %dma_start3A_266] : memref<10112x128xf32, #tpu.memory_space<vmem_shared>> -> memref<10112x128xf32, #tpu.memory_space<vmem_shared>>
        tpu.enqueue_indirect_dma source(%dma_start3A_261 : memref<100x128xf32, #tpu.memory_space<vmem>>) target(%dma_start3A_267 : memref<10112x128xf32, #tpu.memory_space<vmem_shared>>) offsets(%dma_start3A_264 : memref<100xi32, #tpu.memory_space<vmem>>) semaphore(%run_scoped3A_257 : memref<!tpu.dma_semaphore, #tpu.memory_space<semaphore_mem>>) {add = true}
        %dma_wait3A_268 = arith.constant 0 : i32
        %dma_wait3A_269 = arith.constant 0 : i32
        %dma_wait3A_270 = tpu.memref_slice %arg7[%run_scoped3A_206, %dma_wait3A_268, %dma_wait3A_269] : memref<3x100x128xf32, #tpu.memory_space<vmem>> -> memref<1x100x128xf32, #tpu.memory_space<vmem>>
        %dma_wait3A_271 = tpu.memref_squeeze %dma_wait3A_270 : memref<1x100x128xf32, #tpu.memory_space<vmem>> -> memref<100x128xf32, #tpu.memory_space<vmem>>
        %dma_wait3A_272 = arith.constant 0 : i32
        %dma_wait3A_273 = tpu.memref_slice %arg6[%add3A_189, %dma_wait3A_272] : memref<36x100xi32, #tpu.memory_space<vmem>> -> memref<1x100xi32, #tpu.memory_space<vmem>>
        %dma_wait3A_274 = tpu.memref_squeeze %dma_wait3A_273 : memref<1x100xi32, #tpu.memory_space<vmem>> -> memref<100xi32, #tpu.memory_space<vmem>>
        %dma_wait3A_275 = arith.constant 0 : i32
        %dma_wait3A_276 = arith.constant 0 : i32
        %dma_wait3A_277 = tpu.memref_slice %arg8[%dma_wait3A_275, %dma_wait3A_276] : memref<10112x128xf32, #tpu.memory_space<vmem_shared>> -> memref<10112x128xf32, #tpu.memory_space<vmem_shared>>
        tpu.wait_indirect_dma semaphore(%run_scoped3A_257 : memref<!tpu.dma_semaphore, #tpu.memory_space<semaphore_mem>>) src(%dma_wait3A_271 : memref<100x128xf32, #tpu.memory_space<vmem>>) dst(%dma_wait3A_277 : memref<10112x128xf32, #tpu.memory_space<vmem_shared>>)
        tpu.yield
      }) : () -> ()
      %mul3A_207 = arith.constant 3 : i32
      %mul3A_208 = arith.muli %mul3A_207, %scan3A_185 : i32
      %add3A_209 = arith.constant 1 : i32
      %add3A_210 = arith.addi %mul3A_208, %add3A_209 : i32
      %dma_wait3A_211 = arith.constant 1 : i32
      %dma_wait3A_212 = arith.constant 0 : i32
      %dma_wait3A_213 = arith.constant 0 : i32
      %dma_wait3A_214 = tpu.memref_slice %arg7[%dma_wait3A_211, %dma_wait3A_212, %dma_wait3A_213] : memref<3x100x128xf32, #tpu.memory_space<vmem>> -> memref<1x100x128xf32, #tpu.memory_space<vmem>>
      %dma_wait3A_215 = tpu.memref_squeeze %dma_wait3A_214 : memref<1x100x128xf32, #tpu.memory_space<vmem>> -> memref<100x128xf32, #tpu.memory_space<vmem>>
      %dma_wait3A_216 = arith.constant 0 : i32
      %dma_wait3A_217 = tpu.memref_slice %arg5[%add3A_210, %dma_wait3A_216] : memref<36x100xi32, #tpu.memory_space<vmem>> -> memref<1x100xi32, #tpu.memory_space<vmem>>
      %dma_wait3A_218 = tpu.memref_squeeze %dma_wait3A_217 : memref<1x100xi32, #tpu.memory_space<vmem>> -> memref<100xi32, #tpu.memory_space<vmem>>
      %dma_wait3A_219 = arith.constant 0 : i32
      %dma_wait3A_220 = arith.constant 0 : i32
      %dma_wait3A_221 = tpu.memref_slice %arg3[%dma_wait3A_219, %dma_wait3A_220] : memref<10000x128xf32, #tpu.memory_space<hbm>> -> memref<10000x128xf32, #tpu.memory_space<hbm>>
      tpu.wait_indirect_dma semaphore(%arg9 : memref<!tpu.dma_semaphore, #tpu.memory_space<semaphore_mem>>) src(%dma_wait3A_221 : memref<10000x128xf32, #tpu.memory_space<hbm>>) dst(%dma_wait3A_215 : memref<100x128xf32, #tpu.memory_space<vmem>>)
      %add3A_222 = arith.constant 3 : i32
      %add3A_223 = arith.addi %add3A_210, %add3A_222 : i32
      %sub3A_224 = arith.constant 1 : i32
      %sub3A_225 = arith.subi %add3A_223, %sub3A_224 : i32
      %lt3A_226 = arith.constant 36 : i32
      %lt3A_227 = arith.cmpi slt, %sub3A_225, %lt3A_226 : i32
      %convert_element_type3A_228 = arith.extui %lt3A_227 : i1 to i32
      %cond3A_229 = arith.constant 0 : i32
      %cond3A_230 = arith.cmpi ne, %convert_element_type3A_228, %cond3A_229 : i32
      scf.if %cond3A_230 {
        %add3A_257 = arith.constant 3 : i32
        %add3A_258 = arith.addi %add3A_210, %add3A_257 : i32
        %sub3A_259 = arith.constant 1 : i32
        %sub3A_260 = arith.subi %add3A_258, %sub3A_259 : i32
        %add3A_261 = arith.constant 3 : i32
        %add3A_262 = arith.addi %add3A_210, %add3A_261 : i32
        %sub3A_263 = arith.constant 1 : i32
        %sub3A_264 = arith.subi %add3A_262, %sub3A_263 : i32
        %jit3A = arith.constant 3 : i32
        %eq3A = arith.constant 0 : i32
        %eq3A_265 = arith.cmpi eq, %jit3A, %eq3A : i32
        %jit3A_266 = arith.constant 1 : i32
        %select_n3A = arith.select %eq3A_265, %jit3A_266, %jit3A : i32
        %rem3A = arith.remsi %sub3A_264, %select_n3A : i32
        %ne3A = arith.constant 0 : i32
        %ne3A_267 = arith.cmpi ne, %rem3A, %ne3A : i32
        %lt3A_268 = arith.constant 0 : i32
        %lt3A_269 = arith.cmpi slt, %rem3A, %lt3A_268 : i32
        %lt3A_270 = arith.constant 0 : i32
        %lt3A_271 = arith.cmpi slt, %select_n3A, %lt3A_270 : i32
        %ne3A_272 = arith.xori %lt3A_269, %lt3A_271 : i1
        %and3A = arith.andi %ne3A_272, %ne3A_267 : i1
        %add3A_273 = arith.addi %rem3A, %select_n3A : i32
        %select_n3A_274 = arith.select %and3A, %add3A_273, %rem3A : i32
        %dma_start3A_275 = arith.constant 0 : i32
        %dma_start3A_276 = arith.constant 0 : i32
        %dma_start3A_277 = tpu.memref_slice %arg7[%select_n3A_274, %dma_start3A_275, %dma_start3A_276] : memref<3x100x128xf32, #tpu.memory_space<vmem>> -> memref<1x100x128xf32, #tpu.memory_space<vmem>>
        %dma_start3A_278 = tpu.memref_squeeze %dma_start3A_277 : memref<1x100x128xf32, #tpu.memory_space<vmem>> -> memref<100x128xf32, #tpu.memory_space<vmem>>
        %dma_start3A_279 = arith.constant 0 : i32
        %dma_start3A_280 = tpu.memref_slice %arg5[%sub3A_260, %dma_start3A_279] : memref<36x100xi32, #tpu.memory_space<vmem>> -> memref<1x100xi32, #tpu.memory_space<vmem>>
        %dma_start3A_281 = tpu.memref_squeeze %dma_start3A_280 : memref<1x100xi32, #tpu.memory_space<vmem>> -> memref<100xi32, #tpu.memory_space<vmem>>
        %dma_start3A_282 = arith.constant 0 : i32
        %dma_start3A_283 = arith.constant 0 : i32
        %dma_start3A_284 = tpu.memref_slice %arg3[%dma_start3A_282, %dma_start3A_283] : memref<10000x128xf32, #tpu.memory_space<hbm>> -> memref<10000x128xf32, #tpu.memory_space<hbm>>
        tpu.enqueue_indirect_dma source(%dma_start3A_284 : memref<10000x128xf32, #tpu.memory_space<hbm>>) target(%dma_start3A_278 : memref<100x128xf32, #tpu.memory_space<vmem>>) offsets(%dma_start3A_281 : memref<100xi32, #tpu.memory_space<vmem>>) semaphore(%arg9 : memref<!tpu.dma_semaphore, #tpu.memory_space<semaphore_mem>>)
      } else {
      }
      %run_scoped3A_231 = arith.constant 1 : i32
      "tpu.region"() ({
        %run_scoped3A_257 = tpu.sem_alloc : memref<!tpu.dma_semaphore, #tpu.memory_space<semaphore_mem>>
        %dma_start3A_258 = arith.constant 0 : i32
        %dma_start3A_259 = arith.constant 0 : i32
        %dma_start3A_260 = tpu.memref_slice %arg7[%run_scoped3A_231, %dma_start3A_258, %dma_start3A_259] : memref<3x100x128xf32, #tpu.memory_space<vmem>> -> memref<1x100x128xf32, #tpu.memory_space<vmem>>
        %dma_start3A_261 = tpu.memref_squeeze %dma_start3A_260 : memref<1x100x128xf32, #tpu.memory_space<vmem>> -> memref<100x128xf32, #tpu.memory_space<vmem>>
        %dma_start3A_262 = arith.constant 0 : i32
        %dma_start3A_263 = tpu.memref_slice %arg6[%add3A_210, %dma_start3A_262] : memref<36x100xi32, #tpu.memory_space<vmem>> -> memref<1x100xi32, #tpu.memory_space<vmem>>
        %dma_start3A_264 = tpu.memref_squeeze %dma_start3A_263 : memref<1x100xi32, #tpu.memory_space<vmem>> -> memref<100xi32, #tpu.memory_space<vmem>>
        %dma_start3A_265 = arith.constant 0 : i32
        %dma_start3A_266 = arith.constant 0 : i32
        %dma_start3A_267 = tpu.memref_slice %arg8[%dma_start3A_265, %dma_start3A_266] : memref<10112x128xf32, #tpu.memory_space<vmem_shared>> -> memref<10112x128xf32, #tpu.memory_space<vmem_shared>>
        tpu.enqueue_indirect_dma source(%dma_start3A_261 : memref<100x128xf32, #tpu.memory_space<vmem>>) target(%dma_start3A_267 : memref<10112x128xf32, #tpu.memory_space<vmem_shared>>) offsets(%dma_start3A_264 : memref<100xi32, #tpu.memory_space<vmem>>) semaphore(%run_scoped3A_257 : memref<!tpu.dma_semaphore, #tpu.memory_space<semaphore_mem>>) {add = true}
        %dma_wait3A_268 = arith.constant 0 : i32
        %dma_wait3A_269 = arith.constant 0 : i32
        %dma_wait3A_270 = tpu.memref_slice %arg7[%run_scoped3A_231, %dma_wait3A_268, %dma_wait3A_269] : memref<3x100x128xf32, #tpu.memory_space<vmem>> -> memref<1x100x128xf32, #tpu.memory_space<vmem>>
        %dma_wait3A_271 = tpu.memref_squeeze %dma_wait3A_270 : memref<1x100x128xf32, #tpu.memory_space<vmem>> -> memref<100x128xf32, #tpu.memory_space<vmem>>
        %dma_wait3A_272 = arith.constant 0 : i32
        %dma_wait3A_273 = tpu.memref_slice %arg6[%add3A_210, %dma_wait3A_272] : memref<36x100xi32, #tpu.memory_space<vmem>> -> memref<1x100xi32, #tpu.memory_space<vmem>>
        %dma_wait3A_274 = tpu.memref_squeeze %dma_wait3A_273 : memref<1x100xi32, #tpu.memory_space<vmem>> -> memref<100xi32, #tpu.memory_space<vmem>>
        %dma_wait3A_275 = arith.constant 0 : i32
        %dma_wait3A_276 = arith.constant 0 : i32
        %dma_wait3A_277 = tpu.memref_slice %arg8[%dma_wait3A_275, %dma_wait3A_276] : memref<10112x128xf32, #tpu.memory_space<vmem_shared>> -> memref<10112x128xf32, #tpu.memory_space<vmem_shared>>
        tpu.wait_indirect_dma semaphore(%run_scoped3A_257 : memref<!tpu.dma_semaphore, #tpu.memory_space<semaphore_mem>>) src(%dma_wait3A_271 : memref<100x128xf32, #tpu.memory_space<vmem>>) dst(%dma_wait3A_277 : memref<10112x128xf32, #tpu.memory_space<vmem_shared>>)
        tpu.yield
      }) : () -> ()
      %mul3A_232 = arith.constant 3 : i32
      %mul3A_233 = arith.muli %mul3A_232, %scan3A_185 : i32
      %add3A_234 = arith.constant 2 : i32
      %add3A_235 = arith.addi %mul3A_233, %add3A_234 : i32
      %dma_wait3A_236 = arith.constant 2 : i32
      %dma_wait3A_237 = arith.constant 0 : i32
      %dma_wait3A_238 = arith.constant 0 : i32
      %dma_wait3A_239 = tpu.memref_slice %arg7[%dma_wait3A_236, %dma_wait3A_237, %dma_wait3A_238] : memref<3x100x128xf32, #tpu.memory_space<vmem>> -> memref<1x100x128xf32, #tpu.memory_space<vmem>>
      %dma_wait3A_240 = tpu.memref_squeeze %dma_wait3A_239 : memref<1x100x128xf32, #tpu.memory_space<vmem>> -> memref<100x128xf32, #tpu.memory_space<vmem>>
      %dma_wait3A_241 = arith.constant 0 : i32
      %dma_wait3A_242 = tpu.memref_slice %arg5[%add3A_235, %dma_wait3A_241] : memref<36x100xi32, #tpu.memory_space<vmem>> -> memref<1x100xi32, #tpu.memory_space<vmem>>
      %dma_wait3A_243 = tpu.memref_squeeze %dma_wait3A_242 : memref<1x100xi32, #tpu.memory_space<vmem>> -> memref<100xi32, #tpu.memory_space<vmem>>
      %dma_wait3A_244 = arith.constant 0 : i32
      %dma_wait3A_245 = arith.constant 0 : i32
      %dma_wait3A_246 = tpu.memref_slice %arg3[%dma_wait3A_244, %dma_wait3A_245] : memref<10000x128xf32, #tpu.memory_space<hbm>> -> memref<10000x128xf32, #tpu.memory_space<hbm>>
      tpu.wait_indirect_dma semaphore(%arg9 : memref<!tpu.dma_semaphore, #tpu.memory_space<semaphore_mem>>) src(%dma_wait3A_246 : memref<10000x128xf32, #tpu.memory_space<hbm>>) dst(%dma_wait3A_240 : memref<100x128xf32, #tpu.memory_space<vmem>>)
      %add3A_247 = arith.constant 3 : i32
      %add3A_248 = arith.addi %add3A_235, %add3A_247 : i32
      %sub3A_249 = arith.constant 1 : i32
      %sub3A_250 = arith.subi %add3A_248, %sub3A_249 : i32
      %lt3A_251 = arith.constant 36 : i32
      %lt3A_252 = arith.cmpi slt, %sub3A_250, %lt3A_251 : i32
      %convert_element_type3A_253 = arith.extui %lt3A_252 : i1 to i32
      %cond3A_254 = arith.constant 0 : i32
      %cond3A_255 = arith.cmpi ne, %convert_element_type3A_253, %cond3A_254 : i32
      scf.if %cond3A_255 {
        %add3A_257 = arith.constant 3 : i32
        %add3A_258 = arith.addi %add3A_235, %add3A_257 : i32
        %sub3A_259 = arith.constant 1 : i32
        %sub3A_260 = arith.subi %add3A_258, %sub3A_259 : i32
        %add3A_261 = arith.constant 3 : i32
        %add3A_262 = arith.addi %add3A_235, %add3A_261 : i32
        %sub3A_263 = arith.constant 1 : i32
        %sub3A_264 = arith.subi %add3A_262, %sub3A_263 : i32
        %jit3A = arith.constant 3 : i32
        %eq3A = arith.constant 0 : i32
        %eq3A_265 = arith.cmpi eq, %jit3A, %eq3A : i32
        %jit3A_266 = arith.constant 1 : i32
        %select_n3A = arith.select %eq3A_265, %jit3A_266, %jit3A : i32
        %rem3A = arith.remsi %sub3A_264, %select_n3A : i32
        %ne3A = arith.constant 0 : i32
        %ne3A_267 = arith.cmpi ne, %rem3A, %ne3A : i32
        %lt3A_268 = arith.constant 0 : i32
        %lt3A_269 = arith.cmpi slt, %rem3A, %lt3A_268 : i32
        %lt3A_270 = arith.constant 0 : i32
        %lt3A_271 = arith.cmpi slt, %select_n3A, %lt3A_270 : i32
        %ne3A_272 = arith.xori %lt3A_269, %lt3A_271 : i1
        %and3A = arith.andi %ne3A_272, %ne3A_267 : i1
        %add3A_273 = arith.addi %rem3A, %select_n3A : i32
        %select_n3A_274 = arith.select %and3A, %add3A_273, %rem3A : i32
        %dma_start3A_275 = arith.constant 0 : i32
        %dma_start3A_276 = arith.constant 0 : i32
        %dma_start3A_277 = tpu.memref_slice %arg7[%select_n3A_274, %dma_start3A_275, %dma_start3A_276] : memref<3x100x128xf32, #tpu.memory_space<vmem>> -> memref<1x100x128xf32, #tpu.memory_space<vmem>>
        %dma_start3A_278 = tpu.memref_squeeze %dma_start3A_277 : memref<1x100x128xf32, #tpu.memory_space<vmem>> -> memref<100x128xf32, #tpu.memory_space<vmem>>
        %dma_start3A_279 = arith.constant 0 : i32
        %dma_start3A_280 = tpu.memref_slice %arg5[%sub3A_260, %dma_start3A_279] : memref<36x100xi32, #tpu.memory_space<vmem>> -> memref<1x100xi32, #tpu.memory_space<vmem>>
        %dma_start3A_281 = tpu.memref_squeeze %dma_start3A_280 : memref<1x100xi32, #tpu.memory_space<vmem>> -> memref<100xi32, #tpu.memory_space<vmem>>
        %dma_start3A_282 = arith.constant 0 : i32
        %dma_start3A_283 = arith.constant 0 : i32
        %dma_start3A_284 = tpu.memref_slice %arg3[%dma_start3A_282, %dma_start3A_283] : memref<10000x128xf32, #tpu.memory_space<hbm>> -> memref<10000x128xf32, #tpu.memory_space<hbm>>
        tpu.enqueue_indirect_dma source(%dma_start3A_284 : memref<10000x128xf32, #tpu.memory_space<hbm>>) target(%dma_start3A_278 : memref<100x128xf32, #tpu.memory_space<vmem>>) offsets(%dma_start3A_281 : memref<100xi32, #tpu.memory_space<vmem>>) semaphore(%arg9 : memref<!tpu.dma_semaphore, #tpu.memory_space<semaphore_mem>>)
      } else {
      }
      %run_scoped3A_256 = arith.constant 2 : i32
      "tpu.region"() ({
        %run_scoped3A_257 = tpu.sem_alloc : memref<!tpu.dma_semaphore, #tpu.memory_space<semaphore_mem>>
        %dma_start3A_258 = arith.constant 0 : i32
        %dma_start3A_259 = arith.constant 0 : i32
        %dma_start3A_260 = tpu.memref_slice %arg7[%run_scoped3A_256, %dma_start3A_258, %dma_start3A_259] : memref<3x100x128xf32, #tpu.memory_space<vmem>> -> memref<1x100x128xf32, #tpu.memory_space<vmem>>
        %dma_start3A_261 = tpu.memref_squeeze %dma_start3A_260 : memref<1x100x128xf32, #tpu.memory_space<vmem>> -> memref<100x128xf32, #tpu.memory_space<vmem>>
        %dma_start3A_262 = arith.constant 0 : i32
        %dma_start3A_263 = tpu.memref_slice %arg6[%add3A_235, %dma_start3A_262] : memref<36x100xi32, #tpu.memory_space<vmem>> -> memref<1x100xi32, #tpu.memory_space<vmem>>
        %dma_start3A_264 = tpu.memref_squeeze %dma_start3A_263 : memref<1x100xi32, #tpu.memory_space<vmem>> -> memref<100xi32, #tpu.memory_space<vmem>>
        %dma_start3A_265 = arith.constant 0 : i32
        %dma_start3A_266 = arith.constant 0 : i32
        %dma_start3A_267 = tpu.memref_slice %arg8[%dma_start3A_265, %dma_start3A_266] : memref<10112x128xf32, #tpu.memory_space<vmem_shared>> -> memref<10112x128xf32, #tpu.memory_space<vmem_shared>>
        tpu.enqueue_indirect_dma source(%dma_start3A_261 : memref<100x128xf32, #tpu.memory_space<vmem>>) target(%dma_start3A_267 : memref<10112x128xf32, #tpu.memory_space<vmem_shared>>) offsets(%dma_start3A_264 : memref<100xi32, #tpu.memory_space<vmem>>) semaphore(%run_scoped3A_257 : memref<!tpu.dma_semaphore, #tpu.memory_space<semaphore_mem>>) {add = true}
        %dma_wait3A_268 = arith.constant 0 : i32
        %dma_wait3A_269 = arith.constant 0 : i32
        %dma_wait3A_270 = tpu.memref_slice %arg7[%run_scoped3A_256, %dma_wait3A_268, %dma_wait3A_269] : memref<3x100x128xf32, #tpu.memory_space<vmem>> -> memref<1x100x128xf32, #tpu.memory_space<vmem>>
        %dma_wait3A_271 = tpu.memref_squeeze %dma_wait3A_270 : memref<1x100x128xf32, #tpu.memory_space<vmem>> -> memref<100x128xf32, #tpu.memory_space<vmem>>
        %dma_wait3A_272 = arith.constant 0 : i32
        %dma_wait3A_273 = tpu.memref_slice %arg6[%add3A_235, %dma_wait3A_272] : memref<36x100xi32, #tpu.memory_space<vmem>> -> memref<1x100xi32, #tpu.memory_space<vmem>>
        %dma_wait3A_274 = tpu.memref_squeeze %dma_wait3A_273 : memref<1x100xi32, #tpu.memory_space<vmem>> -> memref<100xi32, #tpu.memory_space<vmem>>
        %dma_wait3A_275 = arith.constant 0 : i32
        %dma_wait3A_276 = arith.constant 0 : i32
        %dma_wait3A_277 = tpu.memref_slice %arg8[%dma_wait3A_275, %dma_wait3A_276] : memref<10112x128xf32, #tpu.memory_space<vmem_shared>> -> memref<10112x128xf32, #tpu.memory_space<vmem_shared>>
        tpu.wait_indirect_dma semaphore(%run_scoped3A_257 : memref<!tpu.dma_semaphore, #tpu.memory_space<semaphore_mem>>) src(%dma_wait3A_271 : memref<100x128xf32, #tpu.memory_space<vmem>>) dst(%dma_wait3A_277 : memref<10112x128xf32, #tpu.memory_space<vmem_shared>>)
        tpu.yield
      }) : () -> ()
    }
    %scan3A_179 = arith.constant 12 : i32
    %barrier3A_180 = arith.constant 0 : index
    tpu.barrier barrier_id(%barrier3A_180)
    %mul3A_181 = arith.constant 632 : i32
    %mul3A_182 = arith.muli %arg1, %mul3A_181 : i32
    %mul3A_183 = arith.constant 632 : i32
    %mul3A_184 = arith.muli %arg1, %mul3A_183 : i32
    "tpu.region"() ({
      %run_scoped3A_185 = tpu.sem_alloc : memref<!tpu.dma_semaphore, #tpu.memory_space<semaphore_mem>>
      %dma_start3A_186 = arith.constant 0 : i32
      %dma_start3A_187 = tpu.memref_slice %arg4[%arg0, %mul3A_184, %dma_start3A_186] : memref<2x10112x128xf32, #tpu.memory_space<hbm>> -> memref<1x632x128xf32, #tpu.memory_space<hbm>>
      %dma_start3A_188 = tpu.memref_squeeze %dma_start3A_187 : memref<1x632x128xf32, #tpu.memory_space<hbm>> -> memref<632x128xf32, #tpu.memory_space<hbm>>
      %dma_start3A_189 = arith.constant 0 : i32
      %dma_start3A_190 = tpu.memref_slice %arg8[%mul3A_182, %dma_start3A_189] : memref<10112x128xf32, #tpu.memory_space<vmem_shared>> -> memref<632x128xf32, #tpu.memory_space<vmem_shared>>
      tpu.enqueue_dma source(%dma_start3A_190 : memref<632x128xf32, #tpu.memory_space<vmem_shared>>) target(%dma_start3A_188 : memref<632x128xf32, #tpu.memory_space<hbm>>) target_semaphore(%run_scoped3A_185 : memref<!tpu.dma_semaphore, #tpu.memory_space<semaphore_mem>>)
      %dma_wait3A_191 = arith.constant 0 : i32
      %dma_wait3A_192 = tpu.memref_slice %arg4[%arg0, %mul3A_184, %dma_wait3A_191] : memref<2x10112x128xf32, #tpu.memory_space<hbm>> -> memref<1x632x128xf32, #tpu.memory_space<hbm>>
      %dma_wait3A_193 = tpu.memref_squeeze %dma_wait3A_192 : memref<1x632x128xf32, #tpu.memory_space<hbm>> -> memref<632x128xf32, #tpu.memory_space<hbm>>
      %dma_wait3A_194 = arith.constant 0 : i32
      %dma_wait3A_195 = tpu.memref_slice %arg8[%mul3A_182, %dma_wait3A_194] : memref<10112x128xf32, #tpu.memory_space<vmem_shared>> -> memref<632x128xf32, #tpu.memory_space<vmem_shared>>
      tpu.wait_dma2 semaphore(%run_scoped3A_185 : memref<!tpu.dma_semaphore, #tpu.memory_space<semaphore_mem>>) src(%dma_wait3A_195 : memref<632x128xf32, #tpu.memory_space<vmem_shared>>) dst(%dma_wait3A_193 : memref<632x128xf32, #tpu.memory_space<hbm>>)
      tpu.yield
    }) : () -> ()
    return
  }
}

module attributes {stable_mosaic.version = 14 : i64} {
  func.func @_combine_body(%arg0: i32, %arg1: memref<2x1000x128xf32, #tpu.memory_space<vmem>>, %arg2: memref<1000x128xf32, #tpu.memory_space<vmem>>) attributes {dimension_semantics = [#tpu.dimension_semantics<arbitrary>], iteration_bounds = array<i64: 10>, scalar_prefetch = 0 : i64, scratch_operands = 0 : i64, tpu.core_type = #tpu.core_type<tc>, window_params = [{transform_indices = @transform_0, window_bounds = array<i64: 2, 1000, 128>}, {transform_indices = @transform_1, window_bounds = array<i64: 1000, 128>}]} {
    %get3A = arith.constant 0 : index
    %get3A_0 = arith.constant 0 : index
    %get3A_1 = arith.constant 0 : index
    %get3A_2 = vector.load %arg1[%get3A, %get3A_0, %get3A_1] : memref<2x1000x128xf32, #tpu.memory_space<vmem>>, vector<1x1000x128xf32>
    %get3A_3 = vector.shape_cast %get3A_2 : vector<1x1000x128xf32> to vector<1000x128xf32>
    %get3A_4 = arith.constant 1 : index
    %get3A_5 = arith.constant 0 : index
    %get3A_6 = arith.constant 0 : index
    %get3A_7 = vector.load %arg1[%get3A_4, %get3A_5, %get3A_6] : memref<2x1000x128xf32, #tpu.memory_space<vmem>>, vector<1x1000x128xf32>
    %get3A_8 = vector.shape_cast %get3A_7 : vector<1x1000x128xf32> to vector<1000x128xf32>
    %add3A = arith.addf %get3A_3, %get3A_8 : vector<1000x128xf32>
    %swap3A = arith.constant 0 : index
    %swap3A_9 = arith.constant 0 : index
    %swap3A_10 = vector.load %arg2[%swap3A, %swap3A_9] : memref<1000x128xf32, #tpu.memory_space<vmem>>, vector<1000x128xf32>
    tpu.vector_store %arg2[%swap3A, %swap3A_9], %add3A {strides = array<i32>} : memref<1000x128xf32, #tpu.memory_space<vmem>>, vector<1000x128xf32>,
    return
  }
  func.func @transform_0(%arg0: i32) -> (i32, i32, i32) {
    %c0_i32 = arith.constant 0 : i32
    %c0_i32_0 = arith.constant 0 : i32
    %c0_i32_1 = arith.constant 0 : i32
    return %c0_i32, %arg0, %c0_i32_0 : i32, i32, i32
  }
  func.func @transform_1(%arg0: i32) -> (i32, i32) {
    %c0_i32 = arith.constant 0 : i32
    %c0_i32_0 = arith.constant 0 : i32
    return %arg0, %c0_i32 : i32, i32
  }
}

</mosaic_0001>

<sc_bundles>
// kernel: kernel.4.cloned.1.call-start
scs
__scs_entry_jumppad:
0x0: {  	(pc) =	sbr.rel $0x88, $3  }
0x1: {  	(tag) =	ssettag $0x0;
	lr =	simm.s32 $0x1  }
0x2: {  	[smem:$0x3F9F] =	sst lr;
	_ =	strace $0xD0000000  }
0x3: {  	_ = 	snop  }
0x4: {  	_ = 	snop  }
0x5: {  	_ = 	snop  }
0x6: {  	_ = 	snop  }
0x7: {  	_ = 	snop  }
__scs_overlays_trampoline_lowered:
0x8: {  	[smem:$0x3FAE] =	sst s0  }
0x9: {  	[smem:$0x3FAF] =	sst s1  }
0xa: {  	[smem:$0x3FB0] =	sst s2  }
0xb: {  	[smem:$0x3FB1] =	sst s3  }
0xc: {  	[smem:$0x3FB2] =	sst s4  }
0xd: {  	[smem:$0x3FB3] =	sst s5  }
0xe: {  	[smem:$0x3FB4] =	sst s6  }
0xf: {  	[smem:$0x3FB5] =	sst s7  }
0x10: {  	[smem:$0x3FB6] =	sst s8  }
0x11: {  	[smem:$0x3FB7] =	sst s9;
	s0 =	simm.s32 @!p0 $0x0  }
0x12: {  	s1 =	sld [smem:$0x3F9D];
	s0 =	simm.s32 @p0 $0x1  }
0x13: {  	[smem:$0x3FB8] =	sst s0;
	s0 =	simm.s32 @!p1 $0x0  }
0x14: {  	s2 =	sld [smem:$0x3F9C];
	s0 =	simm.s32 @p1 $0x1  }
0x15: {  	[smem:$0x3FB9] =	sst s0;
	s0 =	simm.s32 @!p2 $0x0  }
0x16: {  	s3 =	sld [smem:$0x3FDB];
	s0 =	simm.s32 @p2 $0x1  }
0x17: {  	s4 =	simm.s32 $0x1BF5;
	[smem:$0x3FBB] =	sst s0  }
0x18: {  	s0 =	sld [smem:$0x3F9E];
	_ =	swait.ge [sflag:s4], $0x0  }
0x19: {  	s7 =	sld [smem:$0x3F9F]  }
0x1a: {  	s8 =	sadd.s32 $0xFFFFE003, lr  }
0x1b: {  	s9 =	sadd.s32 $0xFFFFFEF7, lr;
	s5 =	simm.s32 $0xFFFFFFFF;
	p2 =	slt.u32 s8, $0xFFFFF086  }
0x1c: {  	p1 =	slt.u32 s9, $0xF7A;
	s5 =	simm.s32 @!p2 $0x0  }
0x1d: {  	s5 =	simm.s32 @p1 $0x1;
	p0 =	seq.s32 s7, s2  }
0x1e: {  	s7 =	smul.u32 @!p0 $0xF7A, s2;
	p2 =	seq.s32 @!p0 s5, $0x0  }
0x1f: {  	s9 =	smul.u32 $0xF7A, s1;
	s8 =	simm.s32 @!p0 $0x1BF5;
	p2 =	por !p2, p0  }
0x20: {  	[sflag:s8] =	ssyncset.s32 @!p0 $0xFFFFF086;
	s6 =	sadd.s32 @!p0 s3, s7;
	s7 =	simm.s32 @!p0 $0x108  }
0x21: {  	s3 =	sadd.s32 s3, s9;
	s6 =	sadd.s32 @!p0 $0x88, s6;
	s7 =	simm.s32 @p2 $0x1082  }
0x22: {  	[simem:s7], [sflag:s8] =	dma.local @!p0 [hbm:s6], $0xF7A  }
0x23: {  	s9 =	sor.u32 $0xD0000000, s2;
	s6 =	simm.s32 $0x108;
	_ =	swait.ge @!p0 [sflag:s8], $0x0  }
0x24: {  	s3 =	sadd.s32 $0x88, s3;
	s6 =	simm.s32 @!p1 $0x1082;
	[sflag:s4] =	ssyncset.s32 $0xFFFFF086  }
0x25: {  	[simem:s6], [sflag:s4] =	dma.local [hbm:s3], $0xF7A  }
0x26: {  	[smem:$0x3F9F] =	sst s1;
	(tag) =	ssettag s2;
	_ =	strace s9  }
0x27: {  	s1 =	sld [smem:$0x3FAF]  }
0x28: {  	s2 =	sld [smem:$0x3FB0]  }
0x29: {  	s4 =	sld [smem:$0x3FB2]  }
0x2a: {  	p0 =	seq.s32 s5, $0x0;
	s5 =	sld [smem:$0x3FB3]  }
0x2b: {  	s6 =	sld [smem:$0x3FB4]  }
0x2c: {  	s7 =	sld [smem:$0x3FB5]  }
0x2d: {  	s3 =	simm.s32 $0x108;
	s8 =	sld [smem:$0x3FB6]  }
0x2e: {  	s3 =	simm.s32 @!p0 $0x1082;
	s9 =	sld [smem:$0x3FB7]  }
0x2f: {  	lr =	sadd.s32 s0, s3;
	s0 =	sld [smem:$0x3FAE]  }
0x30: {  	s3 =	sld [smem:$0x3FB1]  }
0x31: {  	[smem:$0x3FBA] =	sst s10  }
0x32: {  	s10 =	sld [smem:$0x3FB8];
	_ =	sdelay $0x3  }
0x33: {  	p0 =	seq.s32 s10, $0x1;
	s10 =	sld [smem:$0x3FBA];
	_ =	sdelay $0x3  }
0x34: {  	[smem:$0x3FBA] =	sst s10  }
0x35: {  	s10 =	sld [smem:$0x3FB9];
	_ =	sdelay $0x3  }
0x36: {  	p1 =	seq.s32 s10, $0x1;
	s10 =	sld [smem:$0x3FBA];
	_ =	sdelay $0x3  }
0x37: {  	[smem:$0x3FBA] =	sst s10  }
0x38: {  	s10 =	sld [smem:$0x3FBB]  }
0x39: {  	_ = 	snop;
	(pc) =	sbr.ind lr, $3  }
0x3a: {  	_ = 	snop  }
0x3b: {  	_ = 	snop  }
0x3c: {  	p2 =	seq.s32 s10, $0x1;
	s10 =	sld [smem:$0x3FBA]  }
0x3d: {  	_ =	shalt  }
0x3e: {  	_ =	shalt  }
0x3f: {  	_ =	shalt  }
0x40: {  	_ =	shalt  }
0x41: {  	_ =	shalt  }
0x42: {  	_ =	shalt  }
0x43: {  	_ =	shalt  }
0x44: {  	_ =	shalt  }
0x45: {  	_ =	shalt  }
0x46: {  	_ =	shalt  }
0x47: {  	_ =	shalt  }
0x48: {  	_ =	shalt  }
0x49: {  	_ =	shalt  }
0x4a: {  	_ =	shalt  }
0x4b: {  	_ =	shalt  }
0x4c: {  	_ =	shalt  }
0x4d: {  	_ =	shalt  }
0x4e: {  	_ =	shalt  }
0x4f: {  	_ =	shalt  }
0x50: {  	_ =	shalt  }
0x51: {  	_ =	shalt  }
0x52: {  	_ =	shalt  }
0x53: {  	_ =	shalt  }
0x54: {  	_ =	shalt  }
0x55: {  	_ =	shalt  }
0x56: {  	_ =	shalt  }
0x57: {  	_ =	shalt  }
0x58: {  	_ =	shalt  }
0x59: {  	_ =	shalt  }
0x5a: {  	_ =	shalt  }
0x5b: {  	_ =	shalt  }
0x5c: {  	_ =	shalt  }
0x5d: {  	_ =	shalt  }
0x5e: {  	_ =	shalt  }
0x5f: {  	_ =	shalt  }
0x60: {  	_ =	shalt  }
0x61: {  	_ =	shalt  }
0x62: {  	_ =	shalt  }
0x63: {  	_ =	shalt  }
0x64: {  	_ =	shalt  }
0x65: {  	_ =	shalt  }
0x66: {  	_ =	shalt  }
0x67: {  	_ =	shalt  }
0x68: {  	_ =	shalt  }
0x69: {  	_ =	shalt  }
0x6a: {  	_ =	shalt  }
0x6b: {  	_ =	shalt  }
0x6c: {  	_ =	shalt  }
0x6d: {  	_ =	shalt  }
0x6e: {  	_ =	shalt  }
0x6f: {  	_ =	shalt  }
0x70: {  	_ =	shalt  }
0x71: {  	_ =	shalt  }
0x72: {  	_ =	shalt  }
0x73: {  	_ =	shalt  }
0x74: {  	_ =	shalt  }
0x75: {  	_ =	shalt  }
0x76: {  	_ =	shalt  }
0x77: {  	_ =	shalt  }
0x78: {  	_ =	shalt  }
0x79: {  	_ =	shalt  }
0x7a: {  	_ =	shalt  }
0x7b: {  	_ =	shalt  }
0x7c: {  	_ =	shalt  }
0x7d: {  	_ =	shalt  }
0x7e: {  	_ =	shalt  }
0x7f: {  	_ =	shalt  }
0x80: {  	_ =	shalt  }
0x81: {  	_ =	shalt  }
0x82: {  	_ =	shalt  }
0x83: {  	_ =	shalt  }
0x84: {  	_ =	shalt  }
0x85: {  	_ =	shalt  }
0x86: {  	_ =	shalt  }
0x87: {  	_ =	shalt  }
.Lfunc_end0:
.L_simem_size_0:
called_computation_lowered:
.L_overlay_start_0:
0x88: {  	s2 =	sld [smem:$0x3FD9]  }
0x89: {  	s3 =	sld [smem:$0x3FFE];
	_ =	sdelay $0x1  }
0x8a: {  	s1 =	srdreg.scid  }
0x8b: {  	s0 =	sand.u32 $0x1, s1  }
0x8c: {  	s17 =	sshll.u32 s0, $0xA;
	s2 =	sadd.s32 s3, s2  }
0x8d: {  	s2 =	sadd.s32 s2, s17  }
0x8e: {  	[smem:$0x3FC6] =	sst s2  }
0x8f: {  	_ = 	snop  }
0x90: {  	s2 =	sld [smem:$0x3FC9]  }
0x91: {  	s18 =	sld [smem:$0x3FD0];
	(tm) =	ssettm $0x1  }
0x92: {  	s4 =	sld [smem:$0x3FFB];
	_ =	sdelay $0x3  }
0x93: {  	_ =	strace s4  }
0x94: {  	s4 =	sld [smem:$0x3FFC];
	_ =	sdelay $0x3  }
0x95: {  	_ =	strace s4  }
0x96: {  	s4 =	sld [smem:$0x3FFD];
	_ =	sdelay $0x3  }
0x97: {  	_ =	strace s4  }
0x98: {  	_ =	strace $0x8FFFFFFF  }
0x99: {  	s19 =	sld [smem:$0x3FDB];
	_ =	sdelay $0x1  }
0x9a: {  	s5 =	simm.s32 $_scs_section_size  }
0x9b: {  	s6 =	simm.s32 $_size__tile_overlayer_lowered;
	s7 =	simm.s32 $_tile_overlayer_lowered  }
0x9c: {  	s22 =	simm.s32 $0x1BFF;
	s21 =	sshll.u32 s7, $0x1;
	s4 =	sadd.s32 s5, s19  }
0x9d: {  	s8 =	simm.s32 $0x0;
	s20 =	sshll.u32 s6, $0x1;
	s6 =	sadd.s32 s21, s4  }
0x9e: {  	[timem:s8], [sflag:s22] =	dma.local [hbm:s6], s20  }
0x9f: {  	_ =	swait.ge [sflag:s22], s20  }
0xa0: {  	s5 =	ssub.s32 $0x0, s20;
	[sflag:s22] =	ssyncset.done $0x0  }
0xa1: {  	[sflag:s22] =	ssyncadd.s32 s5;
	_ =	sdelay $0x1  }
0xa2: {  	s23 =	simm.s32 $0x1B8B  }
0xa3: {  	_ =	swait.ge [sflag:s23], $0x1  }
0xa4: {  	[sflag:s23] =	ssyncset.done $0x0  }
0xa5: {  	s25 =	simm.s32 $0x1B8E;
	s24 =	sld [smem:$0x3FFE];
	[sflag:s23] =	ssyncadd.s32 $0xFFFFFFFF  }
0xa6: {  	s26 =	simm.s32 $execute0_lowered;
	[smem:$0x3FD2] =	sst s25  }
0xa7: {  	s6 =	sshll.u32 s26, $0x1;
	_ =	strace $0x80000046;
	[dreg:$0x1] =	wrdreg $0xFFFFFFFF  }
0xa8: {  	s28 =	simm.s32 $_size_execute0_lowered;
	s4 =	sadd.s32 s4, s6;
	[dreg:$0x0] =	wrdreg $0x0  }
0xa9: {  	s6 =	sshll.u32 s28, $0x1;
	[dreg:$0x2] =	wrdreg s4  }
0xaa: {  	[dreg:$0x3] =	wrdreg s6  }
0xab: {  	[dreg:$0x4] =	wrdreg $0xC0  }
0xac: {  	_ =	task [dreg:s8], $0x5FFFF  }
0xad: {  	[dreg:$0x1] =	wrdreg $0xFFFFFFFF  }
0xae: {  	[dreg:$0x0] =	wrdreg $0x60  }
0xaf: {  	[dreg:$0x2] =	wrdreg s18  }
0xb0: {  	[dreg:$0x3] =	wrdreg s2  }
0xb1: {  	[dreg:$0x4] =	wrdreg s24  }
0xb2: {  	[dreg:$0x5] =	wrdreg $0xC4000  }
0xb3: {  	[dreg:$0x6] =	wrdreg $0x9  }
0xb4: {  	_ =	task.clear_ibuf [dreg:s8], $0x7FFFF;
	_ =	strace $0x90000046  }
0xb5: {  	s29 =	simm.s32 $0x9;
	_ =	strace $0x80000048  }
0xb6: {  	_ =	swait.ge [sflag:s29], $0x1  }
0xb7: {  	[sflag:s29] =	ssyncadd.s32 $0xFFFFFFFF  }
0xb8: {  	_ =	strace $0x90000048  }
0xb9: {  	_ =	sfence  }
0xba: {  	s30 =	sld [smem:$0x0];
	_ =	sdelay $0x2  }
0xbb: {  	s31 =	sshll.u32 s1, $0xD;
	s1 =	sshrl.u32 s1, $0x2  }
0xbc: {  	s3 =	sand.u32 $0x4000, s31;
	s1 =	sadd.s32 s1, s30  }
0xbd: {  	s0 =	sor.u32 s3, s0;
	s1 =	sshll.u32 s1, $0x11  }
0xbe: {  	s0 =	sor.u32 s1, s0  }
0xbf: {  	s0 =	sadd.s32 $0x8F2B, s0  }
0xc0: {  	[sflag:s0] =	ssyncadd.remote.s32 $0x1  }
0xc1: {  	_ =	sfence.sel $0xFFFF  }
0xc2: {  	[dreg:$0x0] =	wrdreg $0xFFFFFFFF;
	(pc) =	sbr.abs _section_cstart, $3  }
0xc3: {  	[dreg:$0x1] =	wrdreg $0xFFFFFFFF  }
0xc4: {  	_ =	task.clear_ibuf [dreg:s8], $0x2FFFF;
	_ =	strace $0x9FFFFFFF  }
0xc5: {  	(tm) =	ssettm $0x7FFFFFFF  }
tec
execute0_lowered:
.L_overlay_start_1:
0x0: {  	(tag) =	ssettag $0x1  }
0x1: {  	s0 =	rddreg [dreg:$0x0]  }
0x2: {  	s1 =	rddreg [dreg:$0x1]  }
0x3: {  	s2 =	srdreg.scid;
	s6 =	rddreg [dreg:$0x2]  }
0x4: {  	s9 =	stileid.u32;
	s3 =	rddreg [dreg:$0x3];
	s4 =	simm.s32 $0x0  }
0x5: {  	s29 =	simm.s32 $0x9000;
	s28 =	simm.s32 $0x1500;
	s30 =	simm.s32 $0x300  }
0x6: {  	s31 =	simm.s32 $0x380;
	s2 =	sand.u32 $0x1, s2;
	s7 =	smul.u32 $0x13C00, s9  }
0x7: {  	[smem:$0x7FF] =	sst s4;
	s5 =	smul.u32 $0x13C000, s2;
	s11 =	ssub.s32 $0x2, s2  }
0x8: {  	s26 =	smul.u32 $0x4F000, s9;
	s10 =	sshll.u32 s9, $0x1;
	s13 =	sshrl.u32 s11, $0x1  }
0x9: {  	_ =	strace $0x80000047;
	s5 =	sadd.s32 s7, s5;
	s7 =	ssub.s32 s11, s13  }
0xa: {  	s2 =	sor.u32 s2, s10;
	s12 =	sshrl.u32 s26, $0x2;
	s26 =	smax.u32 s7, $0x1  }
0xb: {  	s8 =	sshrl.u32 s5, $0x3;
	s5 =	sadd.s32 s12, s3;
	[dreg:$0x11] =	wrdreg s26  }
0xc: {  	s2 =	smul.u32 $0x3400, s2;
	s14 =	sadd.s32 $0x3000, s5;
	[dreg:$0x13] =	wrdreg s5  }
0xd: {  	s13 =	simm.s32 $0x1480;
	s15 =	sadd.s32 $0x6000, s5;
	[dreg:$0x5] =	wrdreg s14  }
0xe: {  	s11 =	simm.s32 $0x1800;
	s16 =	sadd.s32 $0x9000, s5;
	[dreg:$0x6] =	wrdreg s15  }
0xf: {  	s2 =	sshrl.u32 s2, $0x3;
	s17 =	sadd.s32 $0xC000, s5;
	[dreg:$0x7] =	wrdreg s16  }
0x10: {  	s12 =	simm.s32 $0x180;
	s18 =	sadd.s32 $0xF000, s5;
	[dreg:$0x8] =	wrdreg s17  }
0x11: {  	s7 =	simm.s32 $0x500;
	s19 =	sadd.s32 $0x12000, s5;
	[dreg:$0x9] =	wrdreg s18  }
0x12: {  	s6 =	sadd.s32 s8, s6;
	s2 =	sadd.s32 s0, s2;
	[dreg:$0xa] =	wrdreg s19  }
0x13: {  	s26 =	simm.s32 $0x1;
	s20 =	sadd.s32 $0xD000, s2;
	[dreg:$0x12] =	wrdreg s2  }
0x14: {  	s21 =	sadd.s32 $0x200, s2;
	s22 =	sadd.s32 $0xD200, s2;
	[dreg:$0xb] =	wrdreg s20  }
0x15: {  	s23 =	sadd.s32 $0x400, s2;
	s24 =	sadd.s32 $0xD400, s2;
	[dreg:$0xc] =	wrdreg s21  }
0x16: {  	s25 =	sadd.s32 $0x600, s6;
	s14 =	simm.s32 $0x200;
	[dreg:$0xd] =	wrdreg s22  }
0x17: {  	s15 =	simm.s32 $0x280;
	s16 =	simm.s32 $0x1580;
	[dreg:$0xe] =	wrdreg s23  }
0x18: {  	s17 =	simm.s32 $0x1600;
	s18 =	simm.s32 $0x1680;
	[dreg:$0xf] =	wrdreg s24  }
0x19: {  	s19 =	simm.s32 $0x1700;
	s6 =	simm.s32 $0x1780;
	[dreg:$0x10] =	wrdreg s25  }
0x1a: {  	s20 =	simm.s32 $0x2800;
	s21 =	simm.s32 $0x2;
	s23 =	simm.s32 $0x64  }
0x1b: {  	v0 =	vimm.f32 $0.0e+00;
	s25 =	simm.s32 $0x5C00;
	s24 =	simm.s32 $0x580;
	s22 =	simm.s32 $0x1880  }
.LBB2_1:
0x1c: {  	s8 =	simm.s32 $0x0;
	s9 =	simm.s32 $0x200  }
.LBB2_2:
0x1d: {  	p0 =	sne.s32 s9, $0xC600;
	[tilespmem:s8+$0x2870] =	vst v0  }
0x1e: {  	[tilespmem:s8+$0x2800] =	vst v0  }
0x1f: {  	[tilespmem:s8+$0x2810] =	vst v0  }
.Ltmp0:
0x20: {  	[tilespmem:s8+$0x2820] =	vst v0;
	(pc) =	sbr.rel @p0 .LBB2_2-.Ltmp0, $4  }
0x21: {  	[tilespmem:s8+$0x2830] =	vst v0  }
0x22: {  	[tilespmem:s8+$0x2840] =	vst v0  }
0x23: {  	[tilespmem:s8+$0x2850] =	vst v0  }
0x24: {  	[tilespmem:s8+$0x2860] =	vst v0;
	s8 =	sshra.s32 s9, $0x2;
	s9 =	sadd.s32 $0x200, s9  }
0x25: {  	[tilespmem:s8+$0x2870] =	vst v0  }
0x26: {  	[tilespmem:s8+$0x2800] =	vst v0  }
0x27: {  	[tilespmem:s8+$0x2810] =	vst v0  }
0x28: {  	[tilespmem:s8+$0x2820] =	vst v0  }
0x29: {  	[tilespmem:s8+$0x2830] =	vst v0  }
0x2a: {  	[tilespmem:s8+$0x2840] =	vst v0  }
0x2b: {  	[tilespmem:s8+$0x2850] =	vst v0  }
0x2c: {  	[tilespmem:s8+$0x2860] =	vst v0  }
0x2d: {  	[spmem:s5] =	stream.linear.scatter [tilespmem:s20], [sflag:$0x2], $0x3000, $0x38;
	v63 =	vld [tilespmem:$0x0]  }
0x2e: {  	_ =	swait.ge [sflag:s21], $0x3000  }
0x2f: {  	[sflag:s21] =	ssyncset.done $0x0  }
0x30: {  	s2 =	rddreg [dreg:$0x5];
	[sflag:s21] =	ssyncadd.s32 $0xFFFFD000  }
0x31: {  	[spmem:s2] =	stream.linear.scatter [tilespmem:s20], [sflag:$0x2], $0x3000, $0x38;
	v63 =	vld [tilespmem:$0x0]  }
0x32: {  	_ =	swait.ge [sflag:s21], $0x3000  }
0x33: {  	[sflag:s21] =	ssyncset.done $0x0  }
0x34: {  	s5 =	rddreg [dreg:$0x6];
	[sflag:s21] =	ssyncadd.s32 $0xFFFFD000  }
0x35: {  	[spmem:s5] =	stream.linear.scatter [tilespmem:s20], [sflag:$0x2], $0x3000, $0x38;
	v63 =	vld [tilespmem:$0x0]  }
0x36: {  	_ =	swait.ge [sflag:s21], $0x3000  }
0x37: {  	[sflag:s21] =	ssyncset.done $0x0  }
0x38: {  	s9 =	rddreg [dreg:$0x7];
	[sflag:s21] =	ssyncadd.s32 $0xFFFFD000  }
0x39: {  	[spmem:s9] =	stream.linear.scatter [tilespmem:s20], [sflag:$0x2], $0x3000, $0x38;
	v63 =	vld [tilespmem:$0x0]  }
0x3a: {  	_ =	swait.ge [sflag:s21], $0x3000  }
0x3b: {  	[sflag:s21] =	ssyncset.done $0x0  }
0x3c: {  	s10 =	rddreg [dreg:$0x8];
	[sflag:s21] =	ssyncadd.s32 $0xFFFFD000  }
0x3d: {  	[spmem:s10] =	stream.linear.scatter [tilespmem:s20], [sflag:$0x2], $0x3000, $0x38;
	v63 =	vld [tilespmem:$0x0]  }
0x3e: {  	_ =	swait.ge [sflag:s21], $0x3000  }
0x3f: {  	[sflag:s21] =	ssyncset.done $0x0  }
0x40: {  	s0 =	rddreg [dreg:$0x9];
	[sflag:s21] =	ssyncadd.s32 $0xFFFFD000  }
0x41: {  	[spmem:s0] =	stream.linear.scatter [tilespmem:s20], [sflag:$0x2], $0x3000, $0x38;
	v63 =	vld [tilespmem:$0x0]  }
0x42: {  	_ =	swait.ge [sflag:s21], $0x3000  }
0x43: {  	[sflag:s21] =	ssyncset.done $0x0  }
0x44: {  	s2 =	rddreg [dreg:$0xa];
	[sflag:s21] =	ssyncadd.s32 $0xFFFFD000  }
0x45: {  	[spmem:s2] =	stream.linear.scatter [tilespmem:s20], [sflag:$0x2], $0x1C00, $0x38;
	v63 =	vld [tilespmem:$0x0]  }
0x46: {  	_ =	swait.ge [sflag:s21], $0x1C00  }
0x47: {  	[sflag:s21] =	ssyncset.done $0x0  }
0x48: {  	[sflag:s21] =	ssyncadd.s32 $0xFFFFE400  }
0x49: {  	[bflag:$0x0] =	sbarrier.arrive $0xFFFF  }
0x4a: {  	s8 =	simm.s32 $0x0;
	s0 =	rddreg [dreg:$0x12]  }
0x4b: {  	[tilespmem:s8], [sflag:$0x2] =	stream.linear.gather [hbm4b:s0+s8], $0x1000, $0x38;
	v63 =	vld [tilespmem:$0x0]  }
0x4c: {  	_ =	swait.ge [sflag:s21], $0x1000  }
0x4d: {  	[sflag:s21] =	ssyncset.done $0x0  }
0x4e: {  	s0 =	simm.s32 $0x1400;
	s9 =	rddreg [dreg:$0xb];
	[sflag:s21] =	ssyncadd.s32 $0xFFFFF000  }
0x4f: {  	[tilespmem:s0], [sflag:$0x2] =	stream.linear.gather [hbm4b:s9+s8], $0x1000, $0x38;
	v63 =	vld [tilespmem:$0x0]  }
0x50: {  	_ =	swait.ge [sflag:s21], $0x1000  }
0x51: {  	[sflag:s21] =	ssyncset.done $0x0  }
0x52: {  	[sflag:s21] =	ssyncadd.s32 $0xFFFFF000  }
0x53: {  	[tilespmem:s20], [sflag:$0x1] =	stream.indirect.gather [hbm4b:s1+s23], $0x80, s8, s23, $0xb8;
	v63 =	vld [tilespmem:$0x0]  }
0x54: {  	s2 =	simm.s32 $0x80  }
0x55: {  	[tilespmem:s25], [sflag:$0x1] =	stream.indirect.gather [hbm4b:s1+s23], $0x80, s2, s23, $0xb8;
	v63 =	vld [tilespmem:$0x0]  }
0x56: {  	_ =	swait.ge [sflag:s26], $0x3200  }
0x57: {  	[sflag:s26] =	ssyncset.done $0x0  }
0x58: {  	s10 =	simm.s32 $0x100;
	[sflag:s26] =	ssyncadd.s32 $0xFFFFCE00  }
0x59: {  	[tilespmem:s29], [sflag:$0x1] =	stream.indirect.gather [hbm4b:s1+s23], $0x80, s10, s23, $0xb8;
	v63 =	vld [tilespmem:$0x0]  }
0x5a: {  	_ = 	snop  }
0x5b: {  	[spmem:s3] =	stream.indirect.scatter.add.f32 [tilespmem:s20], [sflag:$0x2], $0x80, s0, s23, $0xb8;
	v63 =	vld [tilespmem:$0x0]  }
0x5c: {  	_ =	swait.ge [sflag:s21], $0x3200  }
0x5d: {  	[sflag:s21] =	ssyncset.done $0x0  }
0x5e: {  	[sflag:s21] =	ssyncadd.s32 $0xFFFFCE00  }
0x5f: {  	_ =	swait.ge [sflag:s26], $0x3200  }
0x60: {  	[sflag:s26] =	ssyncset.done $0x0  }
0x61: {  	[sflag:s26] =	ssyncadd.s32 $0xFFFFCE00  }
0x62: {  	[tilespmem:s20], [sflag:$0x1] =	stream.indirect.gather [hbm4b:s1+s23], $0x80, s12, s23, $0xb8;
	v63 =	vld [tilespmem:$0x0]  }
0x63: {  	_ = 	snop  }
0x64: {  	[spmem:s3] =	stream.indirect.scatter.add.f32 [tilespmem:s25], [sflag:$0x2], $0x80, s13, s23, $0xb8;
	v63 =	vld [tilespmem:$0x0]  }
0x65: {  	_ =	swait.ge [sflag:s21], $0x3200  }
0x66: {  	[sflag:s21] =	ssyncset.done $0x0  }
0x67: {  	[sflag:s21] =	ssyncadd.s32 $0xFFFFCE00  }
0x68: {  	_ =	swait.ge [sflag:s26], $0x3200  }
0x69: {  	[sflag:s26] =	ssyncset.done $0x0  }
0x6a: {  	[sflag:s26] =	ssyncadd.s32 $0xFFFFCE00  }
0x6b: {  	[tilespmem:s25], [sflag:$0x1] =	stream.indirect.gather [hbm4b:s1+s23], $0x80, s14, s23, $0xb8;
	v63 =	vld [tilespmem:$0x0]  }
0x6c: {  	_ = 	snop  }
0x6d: {  	[spmem:s3] =	stream.indirect.scatter.add.f32 [tilespmem:s29], [sflag:$0x2], $0x80, s28, s23, $0xb8;
	v63 =	vld [tilespmem:$0x0]  }
0x6e: {  	_ =	swait.ge [sflag:s21], $0x3200  }
0x6f: {  	[sflag:s21] =	ssyncset.done $0x0  }
0x70: {  	[sflag:s21] =	ssyncadd.s32 $0xFFFFCE00  }
0x71: {  	_ =	swait.ge [sflag:s26], $0x3200  }
0x72: {  	[sflag:s26] =	ssyncset.done $0x0  }
0x73: {  	[sflag:s26] =	ssyncadd.s32 $0xFFFFCE00  }
0x74: {  	[tilespmem:s29], [sflag:$0x1] =	stream.indirect.gather [hbm4b:s1+s23], $0x80, s15, s23, $0xb8;
	v63 =	vld [tilespmem:$0x0]  }
0x75: {  	_ = 	snop  }
0x76: {  	[spmem:s3] =	stream.indirect.scatter.add.f32 [tilespmem:s20], [sflag:$0x2], $0x80, s16, s23, $0xb8;
	v63 =	vld [tilespmem:$0x0]  }
0x77: {  	_ =	swait.ge [sflag:s21], $0x3200  }
0x78: {  	[sflag:s21] =	ssyncset.done $0x0  }
0x79: {  	[sflag:s21] =	ssyncadd.s32 $0xFFFFCE00  }
0x7a: {  	_ =	swait.ge [sflag:s26], $0x3200  }
0x7b: {  	[sflag:s26] =	ssyncset.done $0x0  }
0x7c: {  	[sflag:s26] =	ssyncadd.s32 $0xFFFFCE00  }
0x7d: {  	[tilespmem:s20], [sflag:$0x1] =	stream.indirect.gather [hbm4b:s1+s23], $0x80, s30, s23, $0xb8;
	v63 =	vld [tilespmem:$0x0]  }
0x7e: {  	_ = 	snop  }
0x7f: {  	[spmem:s3] =	stream.indirect.scatter.add.f32 [tilespmem:s25], [sflag:$0x2], $0x80, s17, s23, $0xb8;
	v63 =	vld [tilespmem:$0x0]  }
0x80: {  	_ =	swait.ge [sflag:s21], $0x3200  }
0x81: {  	[sflag:s21] =	ssyncset.done $0x0  }
0x82: {  	[sflag:s21] =	ssyncadd.s32 $0xFFFFCE00  }
0x83: {  	_ =	swait.ge [sflag:s26], $0x3200  }
0x84: {  	[sflag:s26] =	ssyncset.done $0x0  }
0x85: {  	[sflag:s26] =	ssyncadd.s32 $0xFFFFCE00  }
0x86: {  	[tilespmem:s25], [sflag:$0x1] =	stream.indirect.gather [hbm4b:s1+s23], $0x80, s31, s23, $0xb8;
	v63 =	vld [tilespmem:$0x0]  }
0x87: {  	_ = 	snop  }
0x88: {  	[spmem:s3] =	stream.indirect.scatter.add.f32 [tilespmem:s29], [sflag:$0x2], $0x80, s18, s23, $0xb8;
	v63 =	vld [tilespmem:$0x0]  }
0x89: {  	_ =	swait.ge [sflag:s21], $0x3200  }
0x8a: {  	[sflag:s21] =	ssyncset.done $0x0  }
0x8b: {  	[sflag:s21] =	ssyncadd.s32 $0xFFFFCE00  }
0x8c: {  	_ =	swait.ge [sflag:s26], $0x3200  }
0x8d: {  	[sflag:s26] =	ssyncset.done $0x0  }
0x8e: {  	s2 =	simm.s32 $0x400;
	[sflag:s26] =	ssyncadd.s32 $0xFFFFCE00  }
0x8f: {  	[tilespmem:s29], [sflag:$0x1] =	stream.indirect.gather [hbm4b:s1+s23], $0x80, s2, s23, $0xb8;
	v63 =	vld [tilespmem:$0x0]  }
0x90: {  	_ = 	snop  }
0x91: {  	[spmem:s3] =	stream.indirect.scatter.add.f32 [tilespmem:s20], [sflag:$0x2], $0x80, s19, s23, $0xb8;
	v63 =	vld [tilespmem:$0x0]  }
0x92: {  	_ =	swait.ge [sflag:s21], $0x3200  }
0x93: {  	[sflag:s21] =	ssyncset.done $0x0  }
0x94: {  	[sflag:s21] =	ssyncadd.s32 $0xFFFFCE00  }
0x95: {  	_ =	swait.ge [sflag:s26], $0x3200  }
0x96: {  	[sflag:s26] =	ssyncset.done $0x0  }
0x97: {  	s5 =	simm.s32 $0x480;
	[sflag:s26] =	ssyncadd.s32 $0xFFFFCE00  }
0x98: {  	[tilespmem:s20], [sflag:$0x1] =	stream.indirect.gather [hbm4b:s1+s23], $0x80, s5, s23, $0xb8;
	v63 =	vld [tilespmem:$0x0]  }
0x99: {  	_ = 	snop  }
0x9a: {  	[spmem:s3] =	stream.indirect.scatter.add.f32 [tilespmem:s25], [sflag:$0x2], $0x80, s6, s23, $0xb8;
	v63 =	vld [tilespmem:$0x0]  }
0x9b: {  	_ =	swait.ge [sflag:s21], $0x3200  }
0x9c: {  	[sflag:s21] =	ssyncset.done $0x0  }
0x9d: {  	[sflag:s21] =	ssyncadd.s32 $0xFFFFCE00  }
0x9e: {  	_ =	swait.ge [sflag:s26], $0x3200  }
0x9f: {  	[sflag:s26] =	ssyncset.done $0x0  }
0xa0: {  	[sflag:s26] =	ssyncadd.s32 $0xFFFFCE00  }
0xa1: {  	[tilespmem:s25], [sflag:$0x1] =	stream.indirect.gather [hbm4b:s1+s23], $0x80, s7, s23, $0xb8;
	v63 =	vld [tilespmem:$0x0]  }
0xa2: {  	_ = 	snop  }
0xa3: {  	[spmem:s3] =	stream.indirect.scatter.add.f32 [tilespmem:s29], [sflag:$0x2], $0x80, s11, s23, $0xb8;
	v63 =	vld [tilespmem:$0x0]  }
0xa4: {  	_ =	swait.ge [sflag:s21], $0x3200  }
0xa5: {  	[sflag:s21] =	ssyncset.done $0x0  }
0xa6: {  	[sflag:s21] =	ssyncadd.s32 $0xFFFFCE00  }
0xa7: {  	_ =	swait.ge [sflag:s26], $0x3200  }
0xa8: {  	[sflag:s26] =	ssyncset.done $0x0  }
0xa9: {  	[sflag:s26] =	ssyncadd.s32 $0xFFFFCE00  }
0xaa: {  	[tilespmem:s29], [sflag:$0x1] =	stream.indirect.gather [hbm4b:s1+s23], $0x80, s24, s23, $0xb8;
	v63 =	vld [tilespmem:$0x0]  }
0xab: {  	_ = 	snop  }
0xac: {  	[spmem:s3] =	stream.indirect.scatter.add.f32 [tilespmem:s20], [sflag:$0x2], $0x80, s22, s23, $0xb8;
	v63 =	vld [tilespmem:$0x0]  }
0xad: {  	_ =	swait.ge [sflag:s21], $0x3200  }
0xae: {  	[sflag:s21] =	ssyncset.done $0x0  }
0xaf: {  	[sflag:s21] =	ssyncadd.s32 $0xFFFFCE00  }
0xb0: {  	_ =	swait.ge [sflag:s26], $0x3200  }
0xb1: {  	[sflag:s26] =	ssyncset.done $0x0  }
0xb2: {  	s9 =	simm.s32 $0x600;
	[sflag:s26] =	ssyncadd.s32 $0xFFFFCE00  }
0xb3: {  	[tilespmem:s20], [sflag:$0x1] =	stream.indirect.gather [hbm4b:s1+s23], $0x80, s9, s23, $0xb8;
	v63 =	vld [tilespmem:$0x0]  }
0xb4: {  	s9 =	simm.s32 $0x1900  }
0xb5: {  	[spmem:s3] =	stream.indirect.scatter.add.f32 [tilespmem:s25], [sflag:$0x2], $0x80, s9, s23, $0xb8;
	v63 =	vld [tilespmem:$0x0]  }
0xb6: {  	_ =	swait.ge [sflag:s21], $0x3200  }
0xb7: {  	[sflag:s21] =	ssyncset.done $0x0  }
0xb8: {  	[sflag:s21] =	ssyncadd.s32 $0xFFFFCE00  }
0xb9: {  	_ =	swait.ge [sflag:s26], $0x3200  }
0xba: {  	[sflag:s26] =	ssyncset.done $0x0  }
0xbb: {  	s9 =	simm.s32 $0x680;
	[sflag:s26] =	ssyncadd.s32 $0xFFFFCE00  }
0xbc: {  	[tilespmem:s25], [sflag:$0x1] =	stream.indirect.gather [hbm4b:s1+s23], $0x80, s9, s23, $0xb8;
	v63 =	vld [tilespmem:$0x0]  }
0xbd: {  	s9 =	simm.s32 $0x1980  }
0xbe: {  	[spmem:s3] =	stream.indirect.scatter.add.f32 [tilespmem:s29], [sflag:$0x2], $0x80, s9, s23, $0xb8;
	v63 =	vld [tilespmem:$0x0]  }
0xbf: {  	_ =	swait.ge [sflag:s21], $0x3200  }
0xc0: {  	[sflag:s21] =	ssyncset.done $0x0  }
0xc1: {  	[sflag:s21] =	ssyncadd.s32 $0xFFFFCE00  }
0xc2: {  	_ =	swait.ge [sflag:s26], $0x3200  }
0xc3: {  	[sflag:s26] =	ssyncset.done $0x0  }
0xc4: {  	s9 =	simm.s32 $0x700;
	[sflag:s26] =	ssyncadd.s32 $0xFFFFCE00  }
0xc5: {  	[tilespmem:s29], [sflag:$0x1] =	stream.indirect.gather [hbm4b:s1+s23], $0x80, s9, s23, $0xb8;
	v63 =	vld [tilespmem:$0x0]  }
0xc6: {  	s9 =	simm.s32 $0x1A00  }
0xc7: {  	[spmem:s3] =	stream.indirect.scatter.add.f32 [tilespmem:s20], [sflag:$0x2], $0x80, s9, s23, $0xb8;
	v63 =	vld [tilespmem:$0x0]  }
0xc8: {  	_ =	swait.ge [sflag:s21], $0x3200  }
0xc9: {  	[sflag:s21] =	ssyncset.done $0x0  }
0xca: {  	[sflag:s21] =	ssyncadd.s32 $0xFFFFCE00  }
0xcb: {  	_ =	swait.ge [sflag:s26], $0x3200  }
0xcc: {  	[sflag:s26] =	ssyncset.done $0x0  }
0xcd: {  	s9 =	simm.s32 $0x780;
	[sflag:s26] =	ssyncadd.s32 $0xFFFFCE00  }
0xce: {  	[tilespmem:s20], [sflag:$0x1] =	stream.indirect.gather [hbm4b:s1+s23], $0x80, s9, s23, $0xb8;
	v63 =	vld [tilespmem:$0x0]  }
0xcf: {  	s9 =	simm.s32 $0x1A80  }
0xd0: {  	[spmem:s3] =	stream.indirect.scatter.add.f32 [tilespmem:s25], [sflag:$0x2], $0x80, s9, s23, $0xb8;
	v63 =	vld [tilespmem:$0x0]  }
0xd1: {  	_ =	swait.ge [sflag:s21], $0x3200  }
0xd2: {  	[sflag:s21] =	ssyncset.done $0x0  }
0xd3: {  	[sflag:s21] =	ssyncadd.s32 $0xFFFFCE00  }
0xd4: {  	_ =	swait.ge [sflag:s26], $0x3200  }
0xd5: {  	[sflag:s26] =	ssyncset.done $0x0  }
0xd6: {  	s9 =	simm.s32 $0x800;
	[sflag:s26] =	ssyncadd.s32 $0xFFFFCE00  }
0xd7: {  	[tilespmem:s25], [sflag:$0x1] =	stream.indirect.gather [hbm4b:s1+s23], $0x80, s9, s23, $0xb8;
	v63 =	vld [tilespmem:$0x0]  }
0xd8: {  	s9 =	simm.s32 $0x1B00  }
0xd9: {  	[spmem:s3] =	stream.indirect.scatter.add.f32 [tilespmem:s29], [sflag:$0x2], $0x80, s9, s23, $0xb8;
	v63 =	vld [tilespmem:$0x0]  }
0xda: {  	_ =	swait.ge [sflag:s21], $0x3200  }
0xdb: {  	[sflag:s21] =	ssyncset.done $0x0  }
0xdc: {  	[sflag:s21] =	ssyncadd.s32 $0xFFFFCE00  }
0xdd: {  	_ =	swait.ge [sflag:s26], $0x3200  }
0xde: {  	[sflag:s26] =	ssyncset.done $0x0  }
0xdf: {  	s9 =	simm.s32 $0x880;
	[sflag:s26] =	ssyncadd.s32 $0xFFFFCE00  }
0xe0: {  	[tilespmem:s29], [sflag:$0x1] =	stream.indirect.gather [hbm4b:s1+s23], $0x80, s9, s23, $0xb8;
	v63 =	vld [tilespmem:$0x0]  }
0xe1: {  	s9 =	simm.s32 $0x1B80  }
0xe2: {  	[spmem:s3] =	stream.indirect.scatter.add.f32 [tilespmem:s20], [sflag:$0x2], $0x80, s9, s23, $0xb8;
	v63 =	vld [tilespmem:$0x0]  }
0xe3: {  	_ =	swait.ge [sflag:s21], $0x3200  }
0xe4: {  	[sflag:s21] =	ssyncset.done $0x0  }
0xe5: {  	[sflag:s21] =	ssyncadd.s32 $0xFFFFCE00  }
0xe6: {  	_ =	swait.ge [sflag:s26], $0x3200  }
0xe7: {  	[sflag:s26] =	ssyncset.done $0x0  }
0xe8: {  	s9 =	simm.s32 $0x900;
	[sflag:s26] =	ssyncadd.s32 $0xFFFFCE00  }
0xe9: {  	[tilespmem:s20], [sflag:$0x1] =	stream.indirect.gather [hbm4b:s1+s23], $0x80, s9, s23, $0xb8;
	v63 =	vld [tilespmem:$0x0]  }
0xea: {  	s9 =	simm.s32 $0x1C00  }
0xeb: {  	[spmem:s3] =	stream.indirect.scatter.add.f32 [tilespmem:s25], [sflag:$0x2], $0x80, s9, s23, $0xb8;
	v63 =	vld [tilespmem:$0x0]  }
0xec: {  	_ =	swait.ge [sflag:s21], $0x3200  }
0xed: {  	[sflag:s21] =	ssyncset.done $0x0  }
0xee: {  	[sflag:s21] =	ssyncadd.s32 $0xFFFFCE00  }
0xef: {  	_ =	swait.ge [sflag:s26], $0x3200  }
0xf0: {  	[sflag:s26] =	ssyncset.done $0x0  }
0xf1: {  	s9 =	simm.s32 $0x980;
	[sflag:s26] =	ssyncadd.s32 $0xFFFFCE00  }
0xf2: {  	[tilespmem:s25], [sflag:$0x1] =	stream.indirect.gather [hbm4b:s1+s23], $0x80, s9, s23, $0xb8;
	v63 =	vld [tilespmem:$0x0]  }
0xf3: {  	s9 =	simm.s32 $0x1C80  }
0xf4: {  	[spmem:s3] =	stream.indirect.scatter.add.f32 [tilespmem:s29], [sflag:$0x2], $0x80, s9, s23, $0xb8;
	v63 =	vld [tilespmem:$0x0]  }
0xf5: {  	_ =	swait.ge [sflag:s21], $0x3200  }
0xf6: {  	[sflag:s21] =	ssyncset.done $0x0  }
0xf7: {  	[sflag:s21] =	ssyncadd.s32 $0xFFFFCE00  }
0xf8: {  	_ =	swait.ge [sflag:s26], $0x3200  }
0xf9: {  	[sflag:s26] =	ssyncset.done $0x0  }
0xfa: {  	s9 =	simm.s32 $0xA00;
	[sflag:s26] =	ssyncadd.s32 $0xFFFFCE00  }
0xfb: {  	[tilespmem:s29], [sflag:$0x1] =	stream.indirect.gather [hbm4b:s1+s23], $0x80, s9, s23, $0xb8;
	v63 =	vld [tilespmem:$0x0]  }
0xfc: {  	s9 =	simm.s32 $0x1D00  }
0xfd: {  	[spmem:s3] =	stream.indirect.scatter.add.f32 [tilespmem:s20], [sflag:$0x2], $0x80, s9, s23, $0xb8;
	v63 =	vld [tilespmem:$0x0]  }
0xfe: {  	_ =	swait.ge [sflag:s21], $0x3200  }
0xff: {  	[sflag:s21] =	ssyncset.done $0x0  }
0x100: {  	[sflag:s21] =	ssyncadd.s32 $0xFFFFCE00  }
0x101: {  	_ =	swait.ge [sflag:s26], $0x3200  }
0x102: {  	[sflag:s26] =	ssyncset.done $0x0  }
0x103: {  	s9 =	simm.s32 $0xA80;
	[sflag:s26] =	ssyncadd.s32 $0xFFFFCE00  }
0x104: {  	[tilespmem:s20], [sflag:$0x1] =	stream.indirect.gather [hbm4b:s1+s23], $0x80, s9, s23, $0xb8;
	v63 =	vld [tilespmem:$0x0]  }
0x105: {  	s9 =	simm.s32 $0x1D80  }
0x106: {  	[spmem:s3] =	stream.indirect.scatter.add.f32 [tilespmem:s25], [sflag:$0x2], $0x80, s9, s23, $0xb8;
	v63 =	vld [tilespmem:$0x0]  }
0x107: {  	_ =	swait.ge [sflag:s21], $0x3200  }
0x108: {  	[sflag:s21] =	ssyncset.done $0x0  }
0x109: {  	[sflag:s21] =	ssyncadd.s32 $0xFFFFCE00  }
0x10a: {  	_ =	swait.ge [sflag:s26], $0x3200  }
0x10b: {  	[sflag:s26] =	ssyncset.done $0x0  }
0x10c: {  	s9 =	simm.s32 $0xB00;
	[sflag:s26] =	ssyncadd.s32 $0xFFFFCE00  }
0x10d: {  	[tilespmem:s25], [sflag:$0x1] =	stream.indirect.gather [hbm4b:s1+s23], $0x80, s9, s23, $0xb8;
	v63 =	vld [tilespmem:$0x0]  }
0x10e: {  	s9 =	simm.s32 $0x1E00  }
0x10f: {  	[spmem:s3] =	stream.indirect.scatter.add.f32 [tilespmem:s29], [sflag:$0x2], $0x80, s9, s23, $0xb8;
	v63 =	vld [tilespmem:$0x0]  }
0x110: {  	_ =	swait.ge [sflag:s21], $0x3200  }
0x111: {  	[sflag:s21] =	ssyncset.done $0x0  }
0x112: {  	[sflag:s21] =	ssyncadd.s32 $0xFFFFCE00  }
0x113: {  	_ =	swait.ge [sflag:s26], $0x3200  }
0x114: {  	[sflag:s26] =	ssyncset.done $0x0  }
0x115: {  	s9 =	simm.s32 $0xB80;
	[sflag:s26] =	ssyncadd.s32 $0xFFFFCE00  }
0x116: {  	[tilespmem:s29], [sflag:$0x1] =	stream.indirect.gather [hbm4b:s1+s23], $0x80, s9, s23, $0xb8;
	v63 =	vld [tilespmem:$0x0]  }
0x117: {  	s9 =	simm.s32 $0x1E80  }
0x118: {  	[spmem:s3] =	stream.indirect.scatter.add.f32 [tilespmem:s20], [sflag:$0x2], $0x80, s9, s23, $0xb8;
	v63 =	vld [tilespmem:$0x0]  }
0x119: {  	_ =	swait.ge [sflag:s21], $0x3200  }
0x11a: {  	[sflag:s21] =	ssyncset.done $0x0  }
0x11b: {  	[sflag:s21] =	ssyncadd.s32 $0xFFFFCE00  }
0x11c: {  	_ =	swait.ge [sflag:s26], $0x3200  }
0x11d: {  	[sflag:s26] =	ssyncset.done $0x0  }
0x11e: {  	s9 =	simm.s32 $0xC00;
	[sflag:s26] =	ssyncadd.s32 $0xFFFFCE00  }
0x11f: {  	[tilespmem:s20], [sflag:$0x1] =	stream.indirect.gather [hbm4b:s1+s23], $0x80, s9, s23, $0xb8;
	v63 =	vld [tilespmem:$0x0]  }
0x120: {  	s9 =	simm.s32 $0x1F00  }
0x121: {  	[spmem:s3] =	stream.indirect.scatter.add.f32 [tilespmem:s25], [sflag:$0x2], $0x80, s9, s23, $0xb8;
	v63 =	vld [tilespmem:$0x0]  }
0x122: {  	_ =	swait.ge [sflag:s21], $0x3200  }
0x123: {  	[sflag:s21] =	ssyncset.done $0x0  }
0x124: {  	[sflag:s21] =	ssyncadd.s32 $0xFFFFCE00  }
0x125: {  	_ =	swait.ge [sflag:s26], $0x3200  }
0x126: {  	[sflag:s26] =	ssyncset.done $0x0  }
0x127: {  	s9 =	simm.s32 $0xC80;
	[sflag:s26] =	ssyncadd.s32 $0xFFFFCE00  }
0x128: {  	[tilespmem:s25], [sflag:$0x1] =	stream.indirect.gather [hbm4b:s1+s23], $0x80, s9, s23, $0xb8;
	v63 =	vld [tilespmem:$0x0]  }
0x129: {  	s9 =	simm.s32 $0x1F80  }
0x12a: {  	[spmem:s3] =	stream.indirect.scatter.add.f32 [tilespmem:s29], [sflag:$0x2], $0x80, s9, s23, $0xb8;
	v63 =	vld [tilespmem:$0x0]  }
0x12b: {  	_ =	swait.ge [sflag:s21], $0x3200  }
0x12c: {  	[sflag:s21] =	ssyncset.done $0x0  }
0x12d: {  	[sflag:s21] =	ssyncadd.s32 $0xFFFFCE00  }
0x12e: {  	_ =	swait.ge [sflag:s26], $0x3200  }
0x12f: {  	[sflag:s26] =	ssyncset.done $0x0  }
0x130: {  	s9 =	simm.s32 $0xD00;
	[sflag:s26] =	ssyncadd.s32 $0xFFFFCE00  }
0x131: {  	[tilespmem:s29], [sflag:$0x1] =	stream.indirect.gather [hbm4b:s1+s23], $0x80, s9, s23, $0xb8;
	v63 =	vld [tilespmem:$0x0]  }
0x132: {  	s9 =	simm.s32 $0x2000  }
0x133: {  	[spmem:s3] =	stream.indirect.scatter.add.f32 [tilespmem:s20], [sflag:$0x2], $0x80, s9, s23, $0xb8;
	v63 =	vld [tilespmem:$0x0]  }
0x134: {  	_ =	swait.ge [sflag:s21], $0x3200  }
0x135: {  	[sflag:s21] =	ssyncset.done $0x0  }
0x136: {  	[sflag:s21] =	ssyncadd.s32 $0xFFFFCE00  }
0x137: {  	_ =	swait.ge [sflag:s26], $0x3200  }
0x138: {  	[sflag:s26] =	ssyncset.done $0x0  }
0x139: {  	s9 =	simm.s32 $0xD80;
	[sflag:s26] =	ssyncadd.s32 $0xFFFFCE00  }
0x13a: {  	[tilespmem:s20], [sflag:$0x1] =	stream.indirect.gather [hbm4b:s1+s23], $0x80, s9, s23, $0xb8;
	v63 =	vld [tilespmem:$0x0]  }
0x13b: {  	s9 =	simm.s32 $0x2080  }
0x13c: {  	[spmem:s3] =	stream.indirect.scatter.add.f32 [tilespmem:s25], [sflag:$0x2], $0x80, s9, s23, $0xb8;
	v63 =	vld [tilespmem:$0x0]  }
0x13d: {  	_ =	swait.ge [sflag:s21], $0x3200  }
0x13e: {  	[sflag:s21] =	ssyncset.done $0x0  }
0x13f: {  	[sflag:s21] =	ssyncadd.s32 $0xFFFFCE00  }
0x140: {  	_ =	swait.ge [sflag:s26], $0x3200  }
0x141: {  	[sflag:s26] =	ssyncset.done $0x0  }
0x142: {  	s9 =	simm.s32 $0xE00;
	[sflag:s26] =	ssyncadd.s32 $0xFFFFCE00  }
0x143: {  	[tilespmem:s25], [sflag:$0x1] =	stream.indirect.gather [hbm4b:s1+s23], $0x80, s9, s23, $0xb8;
	v63 =	vld [tilespmem:$0x0]  }
0x144: {  	s9 =	simm.s32 $0x2100  }
0x145: {  	[spmem:s3] =	stream.indirect.scatter.add.f32 [tilespmem:s29], [sflag:$0x2], $0x80, s9, s23, $0xb8;
	v63 =	vld [tilespmem:$0x0]  }
0x146: {  	_ =	swait.ge [sflag:s21], $0x3200  }
0x147: {  	[sflag:s21] =	ssyncset.done $0x0  }
0x148: {  	[sflag:s21] =	ssyncadd.s32 $0xFFFFCE00  }
0x149: {  	_ =	swait.ge [sflag:s26], $0x3200  }
0x14a: {  	[sflag:s26] =	ssyncset.done $0x0  }
0x14b: {  	s9 =	simm.s32 $0xE80;
	[sflag:s26] =	ssyncadd.s32 $0xFFFFCE00  }
0x14c: {  	[tilespmem:s29], [sflag:$0x1] =	stream.indirect.gather [hbm4b:s1+s23], $0x80, s9, s23, $0xb8;
	v63 =	vld [tilespmem:$0x0]  }
0x14d: {  	s9 =	simm.s32 $0x2180  }
0x14e: {  	[spmem:s3] =	stream.indirect.scatter.add.f32 [tilespmem:s20], [sflag:$0x2], $0x80, s9, s23, $0xb8;
	v63 =	vld [tilespmem:$0x0]  }
0x14f: {  	_ =	swait.ge [sflag:s21], $0x3200  }
0x150: {  	[sflag:s21] =	ssyncset.done $0x0  }
0x151: {  	[sflag:s21] =	ssyncadd.s32 $0xFFFFCE00  }
0x152: {  	_ =	swait.ge [sflag:s26], $0x3200  }
0x153: {  	[sflag:s26] =	ssyncset.done $0x0  }
0x154: {  	s9 =	simm.s32 $0xF00;
	[sflag:s26] =	ssyncadd.s32 $0xFFFFCE00  }
0x155: {  	[tilespmem:s20], [sflag:$0x1] =	stream.indirect.gather [hbm4b:s1+s23], $0x80, s9, s23, $0xb8;
	v63 =	vld [tilespmem:$0x0]  }
0x156: {  	s9 =	simm.s32 $0x2200  }
0x157: {  	[spmem:s3] =	stream.indirect.scatter.add.f32 [tilespmem:s25], [sflag:$0x2], $0x80, s9, s23, $0xb8;
	v63 =	vld [tilespmem:$0x0]  }
0x158: {  	_ =	swait.ge [sflag:s21], $0x3200  }
0x159: {  	[sflag:s21] =	ssyncset.done $0x0  }
0x15a: {  	[sflag:s21] =	ssyncadd.s32 $0xFFFFCE00  }
0x15b: {  	_ =	swait.ge [sflag:s26], $0x3200  }
0x15c: {  	[sflag:s26] =	ssyncset.done $0x0  }
0x15d: {  	s9 =	simm.s32 $0xF80;
	[sflag:s26] =	ssyncadd.s32 $0xFFFFCE00  }
0x15e: {  	[tilespmem:s25], [sflag:$0x1] =	stream.indirect.gather [hbm4b:s1+s23], $0x80, s9, s23, $0xb8;
	v63 =	vld [tilespmem:$0x0]  }
0x15f: {  	s9 =	simm.s32 $0x2280  }
0x160: {  	[spmem:s3] =	stream.indirect.scatter.add.f32 [tilespmem:s29], [sflag:$0x2], $0x80, s9, s23, $0xb8;
	v63 =	vld [tilespmem:$0x0]  }
0x161: {  	_ =	swait.ge [sflag:s21], $0x3200  }
0x162: {  	[sflag:s21] =	ssyncset.done $0x0  }
0x163: {  	[sflag:s21] =	ssyncadd.s32 $0xFFFFCE00  }
0x164: {  	_ =	swait.ge [sflag:s26], $0x3200  }
0x165: {  	[sflag:s26] =	ssyncset.done $0x0  }
0x166: {  	s9 =	simm.s32 $0x2300;
	[sflag:s26] =	ssyncadd.s32 $0xFFFFCE00  }
0x167: {  	[spmem:s3] =	stream.indirect.scatter.add.f32 [tilespmem:s20], [sflag:$0x2], $0x80, s9, s23, $0xb8;
	v63 =	vld [tilespmem:$0x0]  }
0x168: {  	_ =	swait.ge [sflag:s21], $0x3200  }
0x169: {  	[sflag:s21] =	ssyncset.done $0x0  }
0x16a: {  	[sflag:s21] =	ssyncadd.s32 $0xFFFFCE00  }
0x16b: {  	_ =	swait.ge [sflag:s26], $0x3200  }
0x16c: {  	[sflag:s26] =	ssyncset.done $0x0  }
0x16d: {  	s9 =	simm.s32 $0x2380;
	[sflag:s26] =	ssyncadd.s32 $0xFFFFCE00  }
0x16e: {  	[spmem:s3] =	stream.indirect.scatter.add.f32 [tilespmem:s25], [sflag:$0x2], $0x80, s9, s23, $0xb8;
	v63 =	vld [tilespmem:$0x0]  }
0x16f: {  	_ =	swait.ge [sflag:s21], $0x3200  }
0x170: {  	[sflag:s21] =	ssyncset.done $0x0  }
0x171: {  	s9 =	rddreg [dreg:$0xc];
	[sflag:s21] =	ssyncadd.s32 $0xFFFFCE00  }
0x172: {  	[tilespmem:s8], [sflag:$0x2] =	stream.linear.gather [hbm4b:s9+s8], $0x1000, $0x38;
	v63 =	vld [tilespmem:$0x0]  }
0x173: {  	_ =	swait.ge [sflag:s21], $0x1000  }
0x174: {  	[sflag:s21] =	ssyncset.done $0x0  }
0x175: {  	s9 =	rddreg [dreg:$0xd];
	[sflag:s21] =	ssyncadd.s32 $0xFFFFF000  }
0x176: {  	[tilespmem:s0], [sflag:$0x2] =	stream.linear.gather [hbm4b:s9+s8], $0x1000, $0x38;
	v63 =	vld [tilespmem:$0x0]  }
0x177: {  	_ =	swait.ge [sflag:s21], $0x1000  }
0x178: {  	[sflag:s21] =	ssyncset.done $0x0  }
0x179: {  	[sflag:s21] =	ssyncadd.s32 $0xFFFFF000  }
0x17a: {  	[tilespmem:s20], [sflag:$0x1] =	stream.indirect.gather [hbm4b:s1+s23], $0x80, s8, s23, $0xb8;
	v63 =	vld [tilespmem:$0x0]  }
0x17b: {  	s9 =	simm.s32 $0x80  }
0x17c: {  	[tilespmem:s25], [sflag:$0x1] =	stream.indirect.gather [hbm4b:s1+s23], $0x80, s9, s23, $0xb8;
	v63 =	vld [tilespmem:$0x0]  }
0x17d: {  	_ =	swait.ge [sflag:s26], $0x3200  }
0x17e: {  	[sflag:s26] =	ssyncset.done $0x0  }
0x17f: {  	[sflag:s26] =	ssyncadd.s32 $0xFFFFCE00  }
0x180: {  	[tilespmem:s29], [sflag:$0x1] =	stream.indirect.gather [hbm4b:s1+s23], $0x80, s10, s23, $0xb8;
	v63 =	vld [tilespmem:$0x0]  }
0x181: {  	_ = 	snop  }
0x182: {  	[spmem:s3] =	stream.indirect.scatter.add.f32 [tilespmem:s20], [sflag:$0x2], $0x80, s0, s23, $0xb8;
	v63 =	vld [tilespmem:$0x0]  }
0x183: {  	_ =	swait.ge [sflag:s21], $0x3200  }
0x184: {  	[sflag:s21] =	ssyncset.done $0x0  }
0x185: {  	[sflag:s21] =	ssyncadd.s32 $0xFFFFCE00  }
0x186: {  	_ =	swait.ge [sflag:s26], $0x3200  }
0x187: {  	[sflag:s26] =	ssyncset.done $0x0  }
0x188: {  	[sflag:s26] =	ssyncadd.s32 $0xFFFFCE00  }
0x189: {  	[tilespmem:s20], [sflag:$0x1] =	stream.indirect.gather [hbm4b:s1+s23], $0x80, s12, s23, $0xb8;
	v63 =	vld [tilespmem:$0x0]  }
0x18a: {  	_ = 	snop  }
0x18b: {  	[spmem:s3] =	stream.indirect.scatter.add.f32 [tilespmem:s25], [sflag:$0x2], $0x80, s13, s23, $0xb8;
	v63 =	vld [tilespmem:$0x0]  }
0x18c: {  	_ =	swait.ge [sflag:s21], $0x3200  }
0x18d: {  	[sflag:s21] =	ssyncset.done $0x0  }
0x18e: {  	[sflag:s21] =	ssyncadd.s32 $0xFFFFCE00  }
0x18f: {  	_ =	swait.ge [sflag:s26], $0x3200  }
0x190: {  	[sflag:s26] =	ssyncset.done $0x0  }
0x191: {  	[sflag:s26] =	ssyncadd.s32 $0xFFFFCE00  }
0x192: {  	[tilespmem:s25], [sflag:$0x1] =	stream.indirect.gather [hbm4b:s1+s23], $0x80, s14, s23, $0xb8;
	v63 =	vld [tilespmem:$0x0]  }
0x193: {  	_ = 	snop  }
0x194: {  	[spmem:s3] =	stream.indirect.scatter.add.f32 [tilespmem:s29], [sflag:$0x2], $0x80, s28, s23, $0xb8;
	v63 =	vld [tilespmem:$0x0]  }
0x195: {  	_ =	swait.ge [sflag:s21], $0x3200  }
0x196: {  	[sflag:s21] =	ssyncset.done $0x0  }
0x197: {  	[sflag:s21] =	ssyncadd.s32 $0xFFFFCE00  }
0x198: {  	_ =	swait.ge [sflag:s26], $0x3200  }
0x199: {  	[sflag:s26] =	ssyncset.done $0x0  }
0x19a: {  	[sflag:s26] =	ssyncadd.s32 $0xFFFFCE00  }
0x19b: {  	[tilespmem:s29], [sflag:$0x1] =	stream.indirect.gather [hbm4b:s1+s23], $0x80, s15, s23, $0xb8;
	v63 =	vld [tilespmem:$0x0]  }
0x19c: {  	_ = 	snop  }
0x19d: {  	[spmem:s3] =	stream.indirect.scatter.add.f32 [tilespmem:s20], [sflag:$0x2], $0x80, s16, s23, $0xb8;
	v63 =	vld [tilespmem:$0x0]  }
0x19e: {  	_ =	swait.ge [sflag:s21], $0x3200  }
0x19f: {  	[sflag:s21] =	ssyncset.done $0x0  }
0x1a0: {  	[sflag:s21] =	ssyncadd.s32 $0xFFFFCE00  }
0x1a1: {  	_ =	swait.ge [sflag:s26], $0x3200  }
0x1a2: {  	[sflag:s26] =	ssyncset.done $0x0  }
0x1a3: {  	[sflag:s26] =	ssyncadd.s32 $0xFFFFCE00  }
0x1a4: {  	[tilespmem:s20], [sflag:$0x1] =	stream.indirect.gather [hbm4b:s1+s23], $0x80, s30, s23, $0xb8;
	v63 =	vld [tilespmem:$0x0]  }
0x1a5: {  	_ = 	snop  }
0x1a6: {  	[spmem:s3] =	stream.indirect.scatter.add.f32 [tilespmem:s25], [sflag:$0x2], $0x80, s17, s23, $0xb8;
	v63 =	vld [tilespmem:$0x0]  }
0x1a7: {  	_ =	swait.ge [sflag:s21], $0x3200  }
0x1a8: {  	[sflag:s21] =	ssyncset.done $0x0  }
0x1a9: {  	[sflag:s21] =	ssyncadd.s32 $0xFFFFCE00  }
0x1aa: {  	_ =	swait.ge [sflag:s26], $0x3200  }
0x1ab: {  	[sflag:s26] =	ssyncset.done $0x0  }
0x1ac: {  	[sflag:s26] =	ssyncadd.s32 $0xFFFFCE00  }
0x1ad: {  	[tilespmem:s25], [sflag:$0x1] =	stream.indirect.gather [hbm4b:s1+s23], $0x80, s31, s23, $0xb8;
	v63 =	vld [tilespmem:$0x0]  }
0x1ae: {  	_ = 	snop  }
0x1af: {  	[spmem:s3] =	stream.indirect.scatter.add.f32 [tilespmem:s29], [sflag:$0x2], $0x80, s18, s23, $0xb8;
	v63 =	vld [tilespmem:$0x0]  }
0x1b0: {  	_ =	swait.ge [sflag:s21], $0x3200  }
0x1b1: {  	[sflag:s21] =	ssyncset.done $0x0  }
0x1b2: {  	[sflag:s21] =	ssyncadd.s32 $0xFFFFCE00  }
0x1b3: {  	_ =	swait.ge [sflag:s26], $0x3200  }
0x1b4: {  	[sflag:s26] =	ssyncset.done $0x0  }
0x1b5: {  	[sflag:s26] =	ssyncadd.s32 $0xFFFFCE00  }
0x1b6: {  	[tilespmem:s29], [sflag:$0x1] =	stream.indirect.gather [hbm4b:s1+s23], $0x80, s2, s23, $0xb8;
	v63 =	vld [tilespmem:$0x0]  }
0x1b7: {  	_ = 	snop  }
0x1b8: {  	[spmem:s3] =	stream.indirect.scatter.add.f32 [tilespmem:s20], [sflag:$0x2], $0x80, s19, s23, $0xb8;
	v63 =	vld [tilespmem:$0x0]  }
0x1b9: {  	_ =	swait.ge [sflag:s21], $0x3200  }
0x1ba: {  	[sflag:s21] =	ssyncset.done $0x0  }
0x1bb: {  	[sflag:s21] =	ssyncadd.s32 $0xFFFFCE00  }
0x1bc: {  	_ =	swait.ge [sflag:s26], $0x3200  }
0x1bd: {  	[sflag:s26] =	ssyncset.done $0x0  }
0x1be: {  	[sflag:s26] =	ssyncadd.s32 $0xFFFFCE00  }
0x1bf: {  	[tilespmem:s20], [sflag:$0x1] =	stream.indirect.gather [hbm4b:s1+s23], $0x80, s5, s23, $0xb8;
	v63 =	vld [tilespmem:$0x0]  }
0x1c0: {  	_ = 	snop  }
0x1c1: {  	[spmem:s3] =	stream.indirect.scatter.add.f32 [tilespmem:s25], [sflag:$0x2], $0x80, s6, s23, $0xb8;
	v63 =	vld [tilespmem:$0x0]  }
0x1c2: {  	_ =	swait.ge [sflag:s21], $0x3200  }
0x1c3: {  	[sflag:s21] =	ssyncset.done $0x0  }
0x1c4: {  	[sflag:s21] =	ssyncadd.s32 $0xFFFFCE00  }
0x1c5: {  	_ =	swait.ge [sflag:s26], $0x3200  }
0x1c6: {  	[sflag:s26] =	ssyncset.done $0x0  }
0x1c7: {  	[sflag:s26] =	ssyncadd.s32 $0xFFFFCE00  }
0x1c8: {  	[tilespmem:s25], [sflag:$0x1] =	stream.indirect.gather [hbm4b:s1+s23], $0x80, s7, s23, $0xb8;
	v63 =	vld [tilespmem:$0x0]  }
0x1c9: {  	_ = 	snop  }
0x1ca: {  	[spmem:s3] =	stream.indirect.scatter.add.f32 [tilespmem:s29], [sflag:$0x2], $0x80, s11, s23, $0xb8;
	v63 =	vld [tilespmem:$0x0]  }
0x1cb: {  	_ =	swait.ge [sflag:s21], $0x3200  }
0x1cc: {  	[sflag:s21] =	ssyncset.done $0x0  }
0x1cd: {  	[sflag:s21] =	ssyncadd.s32 $0xFFFFCE00  }
0x1ce: {  	_ =	swait.ge [sflag:s26], $0x3200  }
0x1cf: {  	[sflag:s26] =	ssyncset.done $0x0  }
0x1d0: {  	[sflag:s26] =	ssyncadd.s32 $0xFFFFCE00  }
0x1d1: {  	[tilespmem:s29], [sflag:$0x1] =	stream.indirect.gather [hbm4b:s1+s23], $0x80, s24, s23, $0xb8;
	v63 =	vld [tilespmem:$0x0]  }
0x1d2: {  	_ = 	snop  }
0x1d3: {  	[spmem:s3] =	stream.indirect.scatter.add.f32 [tilespmem:s20], [sflag:$0x2], $0x80, s22, s23, $0xb8;
	v63 =	vld [tilespmem:$0x0]  }
0x1d4: {  	_ =	swait.ge [sflag:s21], $0x3200  }
0x1d5: {  	[sflag:s21] =	ssyncset.done $0x0  }
0x1d6: {  	[sflag:s21] =	ssyncadd.s32 $0xFFFFCE00  }
0x1d7: {  	_ =	swait.ge [sflag:s26], $0x3200  }
0x1d8: {  	[sflag:s26] =	ssyncset.done $0x0  }
0x1d9: {  	s5 =	simm.s32 $0x600;
	[sflag:s26] =	ssyncadd.s32 $0xFFFFCE00  }
0x1da: {  	[tilespmem:s20], [sflag:$0x1] =	stream.indirect.gather [hbm4b:s1+s23], $0x80, s5, s23, $0xb8;
	v63 =	vld [tilespmem:$0x0]  }
0x1db: {  	s9 =	simm.s32 $0x1900  }
0x1dc: {  	[spmem:s3] =	stream.indirect.scatter.add.f32 [tilespmem:s25], [sflag:$0x2], $0x80, s9, s23, $0xb8;
	v63 =	vld [tilespmem:$0x0]  }
0x1dd: {  	_ =	swait.ge [sflag:s21], $0x3200  }
0x1de: {  	[sflag:s21] =	ssyncset.done $0x0  }
0x1df: {  	[sflag:s21] =	ssyncadd.s32 $0xFFFFCE00  }
0x1e0: {  	_ =	swait.ge [sflag:s26], $0x3200  }
0x1e1: {  	[sflag:s26] =	ssyncset.done $0x0  }
0x1e2: {  	s10 =	simm.s32 $0x680;
	[sflag:s26] =	ssyncadd.s32 $0xFFFFCE00  }
0x1e3: {  	[tilespmem:s25], [sflag:$0x1] =	stream.indirect.gather [hbm4b:s1+s23], $0x80, s10, s23, $0xb8;
	v63 =	vld [tilespmem:$0x0]  }
0x1e4: {  	s5 =	simm.s32 $0x1980  }
0x1e5: {  	[spmem:s3] =	stream.indirect.scatter.add.f32 [tilespmem:s29], [sflag:$0x2], $0x80, s5, s23, $0xb8;
	v63 =	vld [tilespmem:$0x0]  }
0x1e6: {  	_ =	swait.ge [sflag:s21], $0x3200  }
0x1e7: {  	[sflag:s21] =	ssyncset.done $0x0  }
0x1e8: {  	[sflag:s21] =	ssyncadd.s32 $0xFFFFCE00  }
0x1e9: {  	_ =	swait.ge [sflag:s26], $0x3200  }
0x1ea: {  	[sflag:s26] =	ssyncset.done $0x0  }
0x1eb: {  	s9 =	simm.s32 $0x700;
	[sflag:s26] =	ssyncadd.s32 $0xFFFFCE00  }
0x1ec: {  	[tilespmem:s29], [sflag:$0x1] =	stream.indirect.gather [hbm4b:s1+s23], $0x80, s9, s23, $0xb8;
	v63 =	vld [tilespmem:$0x0]  }
0x1ed: {  	s10 =	simm.s32 $0x1A00  }
0x1ee: {  	[spmem:s3] =	stream.indirect.scatter.add.f32 [tilespmem:s20], [sflag:$0x2], $0x80, s10, s23, $0xb8;
	v63 =	vld [tilespmem:$0x0]  }
0x1ef: {  	_ =	swait.ge [sflag:s21], $0x3200  }
0x1f0: {  	[sflag:s21] =	ssyncset.done $0x0  }
0x1f1: {  	[sflag:s21] =	ssyncadd.s32 $0xFFFFCE00  }
0x1f2: {  	_ =	swait.ge [sflag:s26], $0x3200  }
0x1f3: {  	[sflag:s26] =	ssyncset.done $0x0  }
0x1f4: {  	s5 =	simm.s32 $0x780;
	[sflag:s26] =	ssyncadd.s32 $0xFFFFCE00  }
0x1f5: {  	[tilespmem:s20], [sflag:$0x1] =	stream.indirect.gather [hbm4b:s1+s23], $0x80, s5, s23, $0xb8;
	v63 =	vld [tilespmem:$0x0]  }
0x1f6: {  	s9 =	simm.s32 $0x1A80  }
0x1f7: {  	[spmem:s3] =	stream.indirect.scatter.add.f32 [tilespmem:s25], [sflag:$0x2], $0x80, s9, s23, $0xb8;
	v63 =	vld [tilespmem:$0x0]  }
0x1f8: {  	_ =	swait.ge [sflag:s21], $0x3200  }
0x1f9: {  	[sflag:s21] =	ssyncset.done $0x0  }
0x1fa: {  	[sflag:s21] =	ssyncadd.s32 $0xFFFFCE00  }
0x1fb: {  	_ =	swait.ge [sflag:s26], $0x3200  }
0x1fc: {  	[sflag:s26] =	ssyncset.done $0x0  }
0x1fd: {  	s10 =	simm.s32 $0x800;
	[sflag:s26] =	ssyncadd.s32 $0xFFFFCE00  }
0x1fe: {  	[tilespmem:s25], [sflag:$0x1] =	stream.indirect.gather [hbm4b:s1+s23], $0x80, s10, s23, $0xb8;
	v63 =	vld [tilespmem:$0x0]  }
0x1ff: {  	s5 =	simm.s32 $0x1B00  }
0x200: {  	[spmem:s3] =	stream.indirect.scatter.add.f32 [tilespmem:s29], [sflag:$0x2], $0x80, s5, s23, $0xb8;
	v63 =	vld [tilespmem:$0x0]  }
0x201: {  	_ =	swait.ge [sflag:s21], $0x3200  }
0x202: {  	[sflag:s21] =	ssyncset.done $0x0  }
0x203: {  	[sflag:s21] =	ssyncadd.s32 $0xFFFFCE00  }
0x204: {  	_ =	swait.ge [sflag:s26], $0x3200  }
0x205: {  	[sflag:s26] =	ssyncset.done $0x0  }
0x206: {  	s9 =	simm.s32 $0x880;
	[sflag:s26] =	ssyncadd.s32 $0xFFFFCE00  }
0x207: {  	[tilespmem:s29], [sflag:$0x1] =	stream.indirect.gather [hbm4b:s1+s23], $0x80, s9, s23, $0xb8;
	v63 =	vld [tilespmem:$0x0]  }
0x208: {  	s10 =	simm.s32 $0x1B80  }
0x209: {  	[spmem:s3] =	stream.indirect.scatter.add.f32 [tilespmem:s20], [sflag:$0x2], $0x80, s10, s23, $0xb8;
	v63 =	vld [tilespmem:$0x0]  }
0x20a: {  	_ =	swait.ge [sflag:s21], $0x3200  }
0x20b: {  	[sflag:s21] =	ssyncset.done $0x0  }
0x20c: {  	[sflag:s21] =	ssyncadd.s32 $0xFFFFCE00  }
0x20d: {  	_ =	swait.ge [sflag:s26], $0x3200  }
0x20e: {  	[sflag:s26] =	ssyncset.done $0x0  }
0x20f: {  	s5 =	simm.s32 $0x900;
	[sflag:s26] =	ssyncadd.s32 $0xFFFFCE00  }
0x210: {  	[tilespmem:s20], [sflag:$0x1] =	stream.indirect.gather [hbm4b:s1+s23], $0x80, s5, s23, $0xb8;
	v63 =	vld [tilespmem:$0x0]  }
0x211: {  	s9 =	simm.s32 $0x1C00  }
0x212: {  	[spmem:s3] =	stream.indirect.scatter.add.f32 [tilespmem:s25], [sflag:$0x2], $0x80, s9, s23, $0xb8;
	v63 =	vld [tilespmem:$0x0]  }
0x213: {  	_ =	swait.ge [sflag:s21], $0x3200  }
0x214: {  	[sflag:s21] =	ssyncset.done $0x0  }
0x215: {  	[sflag:s21] =	ssyncadd.s32 $0xFFFFCE00  }
0x216: {  	_ =	swait.ge [sflag:s26], $0x3200  }
0x217: {  	[sflag:s26] =	ssyncset.done $0x0  }
0x218: {  	s10 =	simm.s32 $0x980;
	[sflag:s26] =	ssyncadd.s32 $0xFFFFCE00  }
0x219: {  	[tilespmem:s25], [sflag:$0x1] =	stream.indirect.gather [hbm4b:s1+s23], $0x80, s10, s23, $0xb8;
	v63 =	vld [tilespmem:$0x0]  }
0x21a: {  	s5 =	simm.s32 $0x1C80  }
0x21b: {  	[spmem:s3] =	stream.indirect.scatter.add.f32 [tilespmem:s29], [sflag:$0x2], $0x80, s5, s23, $0xb8;
	v63 =	vld [tilespmem:$0x0]  }
0x21c: {  	_ =	swait.ge [sflag:s21], $0x3200  }
0x21d: {  	[sflag:s21] =	ssyncset.done $0x0  }
0x21e: {  	[sflag:s21] =	ssyncadd.s32 $0xFFFFCE00  }
0x21f: {  	_ =	swait.ge [sflag:s26], $0x3200  }
0x220: {  	[sflag:s26] =	ssyncset.done $0x0  }
0x221: {  	s9 =	simm.s32 $0xA00;
	[sflag:s26] =	ssyncadd.s32 $0xFFFFCE00  }
0x222: {  	[tilespmem:s29], [sflag:$0x1] =	stream.indirect.gather [hbm4b:s1+s23], $0x80, s9, s23, $0xb8;
	v63 =	vld [tilespmem:$0x0]  }
0x223: {  	s10 =	simm.s32 $0x1D00  }
0x224: {  	[spmem:s3] =	stream.indirect.scatter.add.f32 [tilespmem:s20], [sflag:$0x2], $0x80, s10, s23, $0xb8;
	v63 =	vld [tilespmem:$0x0]  }
0x225: {  	_ =	swait.ge [sflag:s21], $0x3200  }
0x226: {  	[sflag:s21] =	ssyncset.done $0x0  }
0x227: {  	[sflag:s21] =	ssyncadd.s32 $0xFFFFCE00  }
0x228: {  	_ =	swait.ge [sflag:s26], $0x3200  }
0x229: {  	[sflag:s26] =	ssyncset.done $0x0  }
0x22a: {  	s5 =	simm.s32 $0xA80;
	[sflag:s26] =	ssyncadd.s32 $0xFFFFCE00  }
0x22b: {  	[tilespmem:s20], [sflag:$0x1] =	stream.indirect.gather [hbm4b:s1+s23], $0x80, s5, s23, $0xb8;
	v63 =	vld [tilespmem:$0x0]  }
0x22c: {  	s9 =	simm.s32 $0x1D80  }
0x22d: {  	[spmem:s3] =	stream.indirect.scatter.add.f32 [tilespmem:s25], [sflag:$0x2], $0x80, s9, s23, $0xb8;
	v63 =	vld [tilespmem:$0x0]  }
0x22e: {  	_ =	swait.ge [sflag:s21], $0x3200  }
0x22f: {  	[sflag:s21] =	ssyncset.done $0x0  }
0x230: {  	[sflag:s21] =	ssyncadd.s32 $0xFFFFCE00  }
0x231: {  	_ =	swait.ge [sflag:s26], $0x3200  }
0x232: {  	[sflag:s26] =	ssyncset.done $0x0  }
0x233: {  	s10 =	simm.s32 $0xB00;
	[sflag:s26] =	ssyncadd.s32 $0xFFFFCE00  }
0x234: {  	[tilespmem:s25], [sflag:$0x1] =	stream.indirect.gather [hbm4b:s1+s23], $0x80, s10, s23, $0xb8;
	v63 =	vld [tilespmem:$0x0]  }
0x235: {  	s5 =	simm.s32 $0x1E00  }
0x236: {  	[spmem:s3] =	stream.indirect.scatter.add.f32 [tilespmem:s29], [sflag:$0x2], $0x80, s5, s23, $0xb8;
	v63 =	vld [tilespmem:$0x0]  }
0x237: {  	_ =	swait.ge [sflag:s21], $0x3200  }
0x238: {  	[sflag:s21] =	ssyncset.done $0x0  }
0x239: {  	[sflag:s21] =	ssyncadd.s32 $0xFFFFCE00  }
0x23a: {  	_ =	swait.ge [sflag:s26], $0x3200  }
0x23b: {  	[sflag:s26] =	ssyncset.done $0x0  }
0x23c: {  	s9 =	simm.s32 $0xB80;
	[sflag:s26] =	ssyncadd.s32 $0xFFFFCE00  }
0x23d: {  	[tilespmem:s29], [sflag:$0x1] =	stream.indirect.gather [hbm4b:s1+s23], $0x80, s9, s23, $0xb8;
	v63 =	vld [tilespmem:$0x0]  }
0x23e: {  	s10 =	simm.s32 $0x1E80  }
0x23f: {  	[spmem:s3] =	stream.indirect.scatter.add.f32 [tilespmem:s20], [sflag:$0x2], $0x80, s10, s23, $0xb8;
	v63 =	vld [tilespmem:$0x0]  }
0x240: {  	_ =	swait.ge [sflag:s21], $0x3200  }
0x241: {  	[sflag:s21] =	ssyncset.done $0x0  }
0x242: {  	[sflag:s21] =	ssyncadd.s32 $0xFFFFCE00  }
0x243: {  	_ =	swait.ge [sflag:s26], $0x3200  }
0x244: {  	[sflag:s26] =	ssyncset.done $0x0  }
0x245: {  	s5 =	simm.s32 $0xC00;
	[sflag:s26] =	ssyncadd.s32 $0xFFFFCE00  }
0x246: {  	[tilespmem:s20], [sflag:$0x1] =	stream.indirect.gather [hbm4b:s1+s23], $0x80, s5, s23, $0xb8;
	v63 =	vld [tilespmem:$0x0]  }
0x247: {  	s9 =	simm.s32 $0x1F00  }
0x248: {  	[spmem:s3] =	stream.indirect.scatter.add.f32 [tilespmem:s25], [sflag:$0x2], $0x80, s9, s23, $0xb8;
	v63 =	vld [tilespmem:$0x0]  }
0x249: {  	_ =	swait.ge [sflag:s21], $0x3200  }
0x24a: {  	[sflag:s21] =	ssyncset.done $0x0  }
0x24b: {  	[sflag:s21] =	ssyncadd.s32 $0xFFFFCE00  }
0x24c: {  	_ =	swait.ge [sflag:s26], $0x3200  }
0x24d: {  	[sflag:s26] =	ssyncset.done $0x0  }
0x24e: {  	s10 =	simm.s32 $0xC80;
	[sflag:s26] =	ssyncadd.s32 $0xFFFFCE00  }
0x24f: {  	[tilespmem:s25], [sflag:$0x1] =	stream.indirect.gather [hbm4b:s1+s23], $0x80, s10, s23, $0xb8;
	v63 =	vld [tilespmem:$0x0]  }
0x250: {  	s5 =	simm.s32 $0x1F80  }
0x251: {  	[spmem:s3] =	stream.indirect.scatter.add.f32 [tilespmem:s29], [sflag:$0x2], $0x80, s5, s23, $0xb8;
	v63 =	vld [tilespmem:$0x0]  }
0x252: {  	_ =	swait.ge [sflag:s21], $0x3200  }
0x253: {  	[sflag:s21] =	ssyncset.done $0x0  }
0x254: {  	[sflag:s21] =	ssyncadd.s32 $0xFFFFCE00  }
0x255: {  	_ =	swait.ge [sflag:s26], $0x3200  }
0x256: {  	[sflag:s26] =	ssyncset.done $0x0  }
0x257: {  	s9 =	simm.s32 $0xD00;
	[sflag:s26] =	ssyncadd.s32 $0xFFFFCE00  }
0x258: {  	[tilespmem:s29], [sflag:$0x1] =	stream.indirect.gather [hbm4b:s1+s23], $0x80, s9, s23, $0xb8;
	v63 =	vld [tilespmem:$0x0]  }
0x259: {  	s10 =	simm.s32 $0x2000  }
0x25a: {  	[spmem:s3] =	stream.indirect.scatter.add.f32 [tilespmem:s20], [sflag:$0x2], $0x80, s10, s23, $0xb8;
	v63 =	vld [tilespmem:$0x0]  }
0x25b: {  	_ =	swait.ge [sflag:s21], $0x3200  }
0x25c: {  	[sflag:s21] =	ssyncset.done $0x0  }
0x25d: {  	[sflag:s21] =	ssyncadd.s32 $0xFFFFCE00  }
0x25e: {  	_ =	swait.ge [sflag:s26], $0x3200  }
0x25f: {  	[sflag:s26] =	ssyncset.done $0x0  }
0x260: {  	s5 =	simm.s32 $0xD80;
	[sflag:s26] =	ssyncadd.s32 $0xFFFFCE00  }
0x261: {  	[tilespmem:s20], [sflag:$0x1] =	stream.indirect.gather [hbm4b:s1+s23], $0x80, s5, s23, $0xb8;
	v63 =	vld [tilespmem:$0x0]  }
0x262: {  	s9 =	simm.s32 $0x2080  }
0x263: {  	[spmem:s3] =	stream.indirect.scatter.add.f32 [tilespmem:s25], [sflag:$0x2], $0x80, s9, s23, $0xb8;
	v63 =	vld [tilespmem:$0x0]  }
0x264: {  	_ =	swait.ge [sflag:s21], $0x3200  }
0x265: {  	[sflag:s21] =	ssyncset.done $0x0  }
0x266: {  	[sflag:s21] =	ssyncadd.s32 $0xFFFFCE00  }
0x267: {  	_ =	swait.ge [sflag:s26], $0x3200  }
0x268: {  	[sflag:s26] =	ssyncset.done $0x0  }
0x269: {  	s10 =	simm.s32 $0xE00;
	[sflag:s26] =	ssyncadd.s32 $0xFFFFCE00  }
0x26a: {  	[tilespmem:s25], [sflag:$0x1] =	stream.indirect.gather [hbm4b:s1+s23], $0x80, s10, s23, $0xb8;
	v63 =	vld [tilespmem:$0x0]  }
0x26b: {  	s5 =	simm.s32 $0x2100  }
0x26c: {  	[spmem:s3] =	stream.indirect.scatter.add.f32 [tilespmem:s29], [sflag:$0x2], $0x80, s5, s23, $0xb8;
	v63 =	vld [tilespmem:$0x0]  }
0x26d: {  	_ =	swait.ge [sflag:s21], $0x3200  }
0x26e: {  	[sflag:s21] =	ssyncset.done $0x0  }
0x26f: {  	[sflag:s21] =	ssyncadd.s32 $0xFFFFCE00  }
0x270: {  	_ =	swait.ge [sflag:s26], $0x3200  }
0x271: {  	[sflag:s26] =	ssyncset.done $0x0  }
0x272: {  	s9 =	simm.s32 $0xE80;
	[sflag:s26] =	ssyncadd.s32 $0xFFFFCE00  }
0x273: {  	[tilespmem:s29], [sflag:$0x1] =	stream.indirect.gather [hbm4b:s1+s23], $0x80, s9, s23, $0xb8;
	v63 =	vld [tilespmem:$0x0]  }
0x274: {  	s10 =	simm.s32 $0x2180  }
0x275: {  	[spmem:s3] =	stream.indirect.scatter.add.f32 [tilespmem:s20], [sflag:$0x2], $0x80, s10, s23, $0xb8;
	v63 =	vld [tilespmem:$0x0]  }
0x276: {  	_ =	swait.ge [sflag:s21], $0x3200  }
0x277: {  	[sflag:s21] =	ssyncset.done $0x0  }
0x278: {  	[sflag:s21] =	ssyncadd.s32 $0xFFFFCE00  }
0x279: {  	_ =	swait.ge [sflag:s26], $0x3200  }
0x27a: {  	[sflag:s26] =	ssyncset.done $0x0  }
0x27b: {  	s5 =	simm.s32 $0xF00;
	[sflag:s26] =	ssyncadd.s32 $0xFFFFCE00  }
0x27c: {  	[tilespmem:s20], [sflag:$0x1] =	stream.indirect.gather [hbm4b:s1+s23], $0x80, s5, s23, $0xb8;
	v63 =	vld [tilespmem:$0x0]  }
0x27d: {  	s9 =	simm.s32 $0x2200  }
0x27e: {  	[spmem:s3] =	stream.indirect.scatter.add.f32 [tilespmem:s25], [sflag:$0x2], $0x80, s9, s23, $0xb8;
	v63 =	vld [tilespmem:$0x0]  }
0x27f: {  	_ =	swait.ge [sflag:s21], $0x3200  }
0x280: {  	[sflag:s21] =	ssyncset.done $0x0  }
0x281: {  	[sflag:s21] =	ssyncadd.s32 $0xFFFFCE00  }
0x282: {  	_ =	swait.ge [sflag:s26], $0x3200  }
0x283: {  	[sflag:s26] =	ssyncset.done $0x0  }
0x284: {  	s10 =	simm.s32 $0xF80;
	[sflag:s26] =	ssyncadd.s32 $0xFFFFCE00  }
0x285: {  	[tilespmem:s25], [sflag:$0x1] =	stream.indirect.gather [hbm4b:s1+s23], $0x80, s10, s23, $0xb8;
	v63 =	vld [tilespmem:$0x0]  }
0x286: {  	s5 =	simm.s32 $0x2280  }
0x287: {  	[spmem:s3] =	stream.indirect.scatter.add.f32 [tilespmem:s29], [sflag:$0x2], $0x80, s5, s23, $0xb8;
	v63 =	vld [tilespmem:$0x0]  }
0x288: {  	_ =	swait.ge [sflag:s21], $0x3200  }
0x289: {  	[sflag:s21] =	ssyncset.done $0x0  }
0x28a: {  	[sflag:s21] =	ssyncadd.s32 $0xFFFFCE00  }
0x28b: {  	_ =	swait.ge [sflag:s26], $0x3200  }
0x28c: {  	[sflag:s26] =	ssyncset.done $0x0  }
0x28d: {  	s9 =	simm.s32 $0x2300;
	[sflag:s26] =	ssyncadd.s32 $0xFFFFCE00  }
0x28e: {  	[spmem:s3] =	stream.indirect.scatter.add.f32 [tilespmem:s20], [sflag:$0x2], $0x80, s9, s23, $0xb8;
	v63 =	vld [tilespmem:$0x0]  }
0x28f: {  	_ =	swait.ge [sflag:s21], $0x3200  }
0x290: {  	[sflag:s21] =	ssyncset.done $0x0  }
0x291: {  	[sflag:s21] =	ssyncadd.s32 $0xFFFFCE00  }
0x292: {  	_ =	swait.ge [sflag:s26], $0x3200  }
0x293: {  	[sflag:s26] =	ssyncset.done $0x0  }
0x294: {  	s10 =	simm.s32 $0x2380;
	[sflag:s26] =	ssyncadd.s32 $0xFFFFCE00  }
0x295: {  	[spmem:s3] =	stream.indirect.scatter.add.f32 [tilespmem:s25], [sflag:$0x2], $0x80, s10, s23, $0xb8;
	v63 =	vld [tilespmem:$0x0]  }
0x296: {  	_ =	swait.ge [sflag:s21], $0x3200  }
0x297: {  	[sflag:s21] =	ssyncset.done $0x0  }
0x298: {  	s2 =	rddreg [dreg:$0xe];
	[sflag:s21] =	ssyncadd.s32 $0xFFFFCE00  }
0x299: {  	[tilespmem:s8], [sflag:$0x2] =	stream.linear.gather [hbm4b:s2+s8], $0x1200, $0x38;
	v63 =	vld [tilespmem:$0x0]  }
0x29a: {  	_ =	swait.ge [sflag:s21], $0x1200  }
0x29b: {  	[sflag:s21] =	ssyncset.done $0x0  }
0x29c: {  	s5 =	rddreg [dreg:$0xf];
	[sflag:s21] =	ssyncadd.s32 $0xFFFFEE00  }
0x29d: {  	[tilespmem:s0], [sflag:$0x2] =	stream.linear.gather [hbm4b:s5+s8], $0x1200, $0x38;
	v63 =	vld [tilespmem:$0x0]  }
0x29e: {  	_ =	swait.ge [sflag:s21], $0x1200  }
0x29f: {  	[sflag:s21] =	ssyncset.done $0x0  }
0x2a0: {  	[sflag:s21] =	ssyncadd.s32 $0xFFFFEE00  }
0x2a1: {  	[tilespmem:s20], [sflag:$0x1] =	stream.indirect.gather [hbm4b:s1+s23], $0x80, s8, s23, $0xb8;
	v63 =	vld [tilespmem:$0x0]  }
0x2a2: {  	s9 =	simm.s32 $0x80  }
0x2a3: {  	[tilespmem:s25], [sflag:$0x1] =	stream.indirect.gather [hbm4b:s1+s23], $0x80, s9, s23, $0xb8;
	v63 =	vld [tilespmem:$0x0]  }
0x2a4: {  	_ =	swait.ge [sflag:s26], $0x3200  }
0x2a5: {  	[sflag:s26] =	ssyncset.done $0x0  }
0x2a6: {  	s10 =	simm.s32 $0x100;
	[sflag:s26] =	ssyncadd.s32 $0xFFFFCE00  }
0x2a7: {  	[tilespmem:s29], [sflag:$0x1] =	stream.indirect.gather [hbm4b:s1+s23], $0x80, s10, s23, $0xb8;
	v63 =	vld [tilespmem:$0x0]  }
0x2a8: {  	s0 =	simm.s32 $0x1400  }
0x2a9: {  	[spmem:s3] =	stream.indirect.scatter.add.f32 [tilespmem:s20], [sflag:$0x2], $0x80, s0, s23, $0xb8;
	v63 =	vld [tilespmem:$0x0]  }
0x2aa: {  	_ =	swait.ge [sflag:s21], $0x3200  }
0x2ab: {  	[sflag:s21] =	ssyncset.done $0x0  }
0x2ac: {  	[sflag:s21] =	ssyncadd.s32 $0xFFFFCE00  }
0x2ad: {  	_ =	swait.ge [sflag:s26], $0x3200  }
0x2ae: {  	[sflag:s26] =	ssyncset.done $0x0  }
0x2af: {  	s2 =	simm.s32 $0x180;
	[sflag:s26] =	ssyncadd.s32 $0xFFFFCE00  }
0x2b0: {  	[tilespmem:s20], [sflag:$0x1] =	stream.indirect.gather [hbm4b:s1+s23], $0x80, s2, s23, $0xb8;
	v63 =	vld [tilespmem:$0x0]  }
0x2b1: {  	s5 =	simm.s32 $0x1480  }
0x2b2: {  	[spmem:s3] =	stream.indirect.scatter.add.f32 [tilespmem:s25], [sflag:$0x2], $0x80, s5, s23, $0xb8;
	v63 =	vld [tilespmem:$0x0]  }
0x2b3: {  	_ =	swait.ge [sflag:s21], $0x3200  }
0x2b4: {  	[sflag:s21] =	ssyncset.done $0x0  }
0x2b5: {  	[sflag:s21] =	ssyncadd.s32 $0xFFFFCE00  }
0x2b6: {  	_ =	swait.ge [sflag:s26], $0x3200  }
0x2b7: {  	[sflag:s26] =	ssyncset.done $0x0  }
0x2b8: {  	s9 =	simm.s32 $0x200;
	[sflag:s26] =	ssyncadd.s32 $0xFFFFCE00  }
0x2b9: {  	[tilespmem:s25], [sflag:$0x1] =	stream.indirect.gather [hbm4b:s1+s23], $0x80, s9, s23, $0xb8;
	v63 =	vld [tilespmem:$0x0]  }
0x2ba: {  	s10 =	simm.s32 $0x1500  }
0x2bb: {  	[spmem:s3] =	stream.indirect.scatter.add.f32 [tilespmem:s29], [sflag:$0x2], $0x80, s10, s23, $0xb8;
	v63 =	vld [tilespmem:$0x0]  }
0x2bc: {  	_ =	swait.ge [sflag:s21], $0x3200  }
0x2bd: {  	s8 =	simm.s32 $0x600;
	[sflag:s21] =	ssyncset.done $0x0  }
.LBB2_4:
0x2be: {  	p0 =	sne.s32 s8, $0x3C00  }
0x2bf: {  	[sflag:s21] =	ssyncadd.s32 $0xFFFFCE00;
	s9 =	smov.u32 s8;
	s8 =	sadd.s32 $0x600, s8  }
0x2c0: {  	_ = 	snop  }
0x2c1: {  	_ =	swait.ge [sflag:s26], $0x3200  }
0x2c2: {  	s9 =	sshra.s32 s9, $0x2;
	[sflag:s26] =	ssyncset.done $0x0  }
0x2c3: {  	s10 =	sadd.s32 $0x100, s9;
	[sflag:s26] =	ssyncadd.s32 $0xFFFFCE00  }
0x2c4: {  	[tilespmem:s29], [sflag:$0x1] =	stream.indirect.gather [hbm4b:s1+s23], $0x80, s10, s23, $0xb8;
	v63 =	vld [tilespmem:$0x0]  }
0x2c5: {  	s10 =	sadd.s32 $0x1400, s9  }
0x2c6: {  	[spmem:s3] =	stream.indirect.scatter.add.f32 [tilespmem:s20], [sflag:$0x2], $0x80, s10, s23, $0xb8;
	v63 =	vld [tilespmem:$0x0]  }
0x2c7: {  	_ =	swait.ge [sflag:s21], $0x3200  }
0x2c8: {  	[sflag:s21] =	ssyncset.done $0x0  }
0x2c9: {  	[sflag:s21] =	ssyncadd.s32 $0xFFFFCE00  }
0x2ca: {  	_ =	swait.ge [sflag:s26], $0x3200  }
0x2cb: {  	[sflag:s26] =	ssyncset.done $0x0  }
0x2cc: {  	s10 =	sadd.s32 $0x180, s9;
	[sflag:s26] =	ssyncadd.s32 $0xFFFFCE00  }
0x2cd: {  	[tilespmem:s20], [sflag:$0x1] =	stream.indirect.gather [hbm4b:s1+s23], $0x80, s10, s23, $0xb8;
	v63 =	vld [tilespmem:$0x0]  }
0x2ce: {  	s10 =	sadd.s32 $0x1480, s9  }
0x2cf: {  	[spmem:s3] =	stream.indirect.scatter.add.f32 [tilespmem:s25], [sflag:$0x2], $0x80, s10, s23, $0xb8;
	v63 =	vld [tilespmem:$0x0]  }
0x2d0: {  	_ =	swait.ge [sflag:s21], $0x3200  }
0x2d1: {  	[sflag:s21] =	ssyncset.done $0x0  }
0x2d2: {  	[sflag:s21] =	ssyncadd.s32 $0xFFFFCE00  }
0x2d3: {  	_ =	swait.ge [sflag:s26], $0x3200  }
0x2d4: {  	[sflag:s26] =	ssyncset.done $0x0  }
0x2d5: {  	s10 =	sadd.s32 $0x200, s9;
	[sflag:s26] =	ssyncadd.s32 $0xFFFFCE00  }
0x2d6: {  	[tilespmem:s25], [sflag:$0x1] =	stream.indirect.gather [hbm4b:s1+s23], $0x80, s10, s23, $0xb8;
	v63 =	vld [tilespmem:$0x0]  }
.Ltmp1:
0x2d7: {  	_ = 	snop;
	(pc) =	sbr.rel @p0 .LBB2_4-.Ltmp1, $4  }
0x2d8: {  	s9 =	sadd.s32 $0x1500, s9  }
0x2d9: {  	[spmem:s3] =	stream.indirect.scatter.add.f32 [tilespmem:s29], [sflag:$0x2], $0x80, s9, s23, $0xb8;
	v63 =	vld [tilespmem:$0x0]  }
0x2da: {  	_ =	swait.ge [sflag:s21], $0x3200  }
0x2db: {  	[sflag:s21] =	ssyncset.done $0x0  }
0x2dc: {  	[sflag:s21] =	ssyncadd.s32 $0xFFFFCE00  }
0x2dd: {  	_ =	swait.ge [sflag:s26], $0x3200  }
0x2de: {  	[sflag:s26] =	ssyncset.done $0x0  }
0x2df: {  	s0 =	simm.s32 $0x1180;
	[sflag:s26] =	ssyncadd.s32 $0xFFFFCE00  }
0x2e0: {  	[tilespmem:s29], [sflag:$0x1] =	stream.indirect.gather [hbm4b:s1+s23], $0x80, s0, s23, $0xb8;
	v63 =	vld [tilespmem:$0x0]  }
0x2e1: {  	s5 =	simm.s32 $0x2480  }
0x2e2: {  	[spmem:s3] =	stream.indirect.scatter.add.f32 [tilespmem:s20], [sflag:$0x2], $0x80, s5, s23, $0xb8;
	v63 =	vld [tilespmem:$0x0]  }
0x2e3: {  	_ =	swait.ge [sflag:s21], $0x3200  }
0x2e4: {  	[sflag:s21] =	ssyncset.done $0x0  }
0x2e5: {  	[sflag:s21] =	ssyncadd.s32 $0xFFFFCE00  }
0x2e6: {  	_ =	swait.ge [sflag:s26], $0x3200  }
0x2e7: {  	[sflag:s26] =	ssyncset.done $0x0  }
0x2e8: {  	s8 =	simm.s32 $0x2500;
	[sflag:s26] =	ssyncadd.s32 $0xFFFFCE00  }
0x2e9: {  	[spmem:s3] =	stream.indirect.scatter.add.f32 [tilespmem:s25], [sflag:$0x2], $0x80, s8, s23, $0xb8;
	v63 =	vld [tilespmem:$0x0]  }
0x2ea: {  	_ =	swait.ge [sflag:s21], $0x3200  }
0x2eb: {  	[sflag:s21] =	ssyncset.done $0x0  }
0x2ec: {  	[sflag:s21] =	ssyncadd.s32 $0xFFFFCE00  }
0x2ed: {  	_ =	swait.ge [sflag:s26], $0x3200  }
0x2ee: {  	[sflag:s26] =	ssyncset.done $0x0  }
0x2ef: {  	s9 =	simm.s32 $0x2580;
	[sflag:s26] =	ssyncadd.s32 $0xFFFFCE00  }
0x2f0: {  	[spmem:s3] =	stream.indirect.scatter.add.f32 [tilespmem:s29], [sflag:$0x2], $0x80, s9, s23, $0xb8;
	v63 =	vld [tilespmem:$0x0]  }
0x2f1: {  	_ =	swait.ge [sflag:s21], $0x3200  }
0x2f2: {  	[sflag:s21] =	ssyncset.done $0x0  }
0x2f3: {  	[sflag:s21] =	ssyncadd.s32 $0xFFFFCE00  }
0x2f4: {  	s8 =	stileid.u32;
	[bflag:$0x0] =	sbarrier.arrive $0xFFFF  }
0x2f5: {  	s8 =	sshll.u32 s8, $0x6;
	s5 =	rddreg [dreg:$0x13]  }
0x2f6: {  	s8 =	sor.u32 $0x1C02, s8;
	s10 =	rddreg [dreg:$0x10];
	s9 =	sshrl.u32 s5, $0x3  }
0x2f7: {  	[hbm:s10], [sflag:s8] =	dma.local [spmem:s9], $0x2780  }
0x2f8: {  	_ =	swait.ge [sflag:s21], $0x2780  }
0x2f9: {  	s4 =	sadd.s32 $0x1, s4;
	s10 =	rddreg [dreg:$0x11]  }
0x2fa: {  	p0 =	sne.s32 s4, s10  }
.Ltmp2:
0x2fb: {  	_ = 	snop;
	(pc) =	sbr.rel @p0 .LBB2_1-.Ltmp2, $3  }
0x2fc: {  	_ =	sdelay $0x1  }
0x2fd: {  	[sflag:s21] =	ssyncset.done $0x0  }
0x2fe: {  	[sflag:s21] =	ssyncadd.s32 $0xFFFFD880  }
0x2ff: {  	_ =	sfence.sel $0x180000  }
0x300: {  	[bflag:$0x0] =	sbarrier.arrive $0xFFFF  }
0x301: {  	_ =	strace $0x90000047  }
0x302: {  	s0 =	stileid.u32;
	[bflag:$0x2] =	sbarrier.arrive $0xFFFF  }
0x303: {  	p0 =	sne.s32 s0, $0x0;
	s0 =	rddreg [dreg:$0x4]  }
0x304: {  	s0 =	sadd.s32 @!p0 $0x100000, s0  }
0x305: {  	[sflag:s0] =	ssyncadd.tile.s32 @!p0 $0x1;
	_ =	shalt  }
.Lfunc_end2:
_tile_overlayer_lowered:
.L_overlay_start_2:
0x306: {  	(tag) =	ssettag $0x2  }
0x307: {  	s0 =	rddreg [dreg:$0x0];
	s2 =	stileid.u32  }
0x308: {  	s1 =	rddreg [dreg:$0x1];
	p0 =	sne.s32 s2, $0x0  }
0x309: {  	s3 =	rddreg [dreg:$0x2];
	[bflag:$0x3] =	sbarrier.arrive $0xFFFF;
	s2 =	simm.s32 @!p0 $0x1C02  }
0x30a: {  	[timem:s3], [sflag:s2] =	dma.local @!p0 [hbm:s0], s1  }
0x30b: {  	s0 =	simm.s32 @!p0 $0x2  }
0x30c: {  	_ =	swait.ge @!p0 [sflag:s0], s1  }
0x30d: {  	s1 =	ssub.s32 @!p0 $0x0, s1;
	[sflag:s0] =	ssyncset.done @!p0 $0x0  }
0x30e: {  	[sflag:s0] =	ssyncadd.s32 @!p0 s1  }
0x30f: {  	[bflag:$0x3] =	sbarrier.arrive $0xFFFF  }
0x310: {  	_ =	shalt  }

</sc_bundles>
